<compile_context>
chip_gen: v7x
topology: tpu7x:2x2x1
jax: 0.10.2.dev20260603
libtpu: 0.0.44.dev20260713+nightly
codegen_flags: <defaults>
</compile_context>

<pallas_src>
import functools

import jax
import jax.numpy as jnp
from jax.experimental import pallas as pl
from jax.experimental.pallas import tpu as pltpu
from jax.experimental.pallas import tpu_sc as plsc

BS = 4; N = 256; VOCAB = 32000; D = 768
B = 4; C = 8; G = B * C; D_COL = 64; D_MEM = 64
R_SLOTS = 128; M = 2048; C_EM = 16
BSB = BS * B; TAU = 1.0
T = BS * N
TM = N * C
VT = 1280
EPT = 32
SCALE = 1.0 / (D_MEM ** 0.5)
F32 = jnp.float32


def _mm(a, b):
    return jax.lax.dot_general(a, b, (((1,), (0,)), ((), ())),
                               preferred_element_type=F32)


def _mmT(a, b):
    return jax.lax.dot_general(a, b, (((1,), (1,)), ((), ())),
                               preferred_element_type=F32)


def _mTm(a, b):
    return jax.lax.dot_general(a, b, (((0,), (0,)), ((), ())),
                               preferred_element_type=F32)


BF16 = jnp.bfloat16


def _self_max(s):
    return s, jnp.max(s, axis=-1, keepdims=True)


def _attn_read(qs, K_b, V_aug_b, rk=None):
    qb = qs.astype(BF16)
    se = _mmT(qb, K_b).astype(BF16)
    mx = jnp.max(se, axis=-1, keepdims=True)
    pe = jnp.exp(se.astype(F32) - mx.astype(F32)).astype(BF16)
    ra = _mm(pe, V_aug_b)
    read = ra[:, :D_MEM] * (1.0 / ra[:, D_MEM:D_MEM + 1])
    simmax = None
    if rk is not None:
        simmax = jnp.max(se * rk[None, :], axis=-1, keepdims=True)
    return read, simmax


def _topk_onehots(vals, kk):
    L = vals.shape[1]
    iota = jax.lax.broadcasted_iota(jnp.int32, (1, L), 1)
    row_iota = jax.lax.broadcasted_iota(jnp.int32, (kk, 1), 0)

    def body(i, carry):
        v, O = carry
        mval = jnp.max(v)
        idx = jnp.min(jnp.where(v == mval, iota, L))
        onehot = (iota == idx).astype(F32)
        rowsel = (row_iota == i).astype(F32)
        O = O + rowsel * onehot
        v = jnp.where(iota == idx, -jnp.inf, v)
        return v, O

    _, O = jax.lax.fori_loop(0, kk, body, (vals, jnp.zeros((kk, L), F32)))
    return O



def _embed(input_ids, emb):
    ids = input_ids.reshape(T).astype(jnp.int32)
    info = plsc.get_sparse_core_info()
    nw = info.num_cores * info.num_subcores
    bpw = T // nw
    mesh = plsc.VectorSubcoreMesh(core_axis_name="c", subcore_axis_name="s")

    @functools.partial(
        pl.kernel, mesh=mesh,
        out_type=jax.ShapeDtypeStruct((T, D), F32),
        scratch_types=[
            pltpu.VMEM((bpw,), jnp.int32),
            pltpu.VMEM((bpw, D), F32),
            pltpu.SemaphoreType.DMA,
        ],
    )
    def k(table_hbm, idx_hbm, out_hbm, idx_v, rows_v, sem):
        wid = jax.lax.axis_index("s") * info.num_cores + jax.lax.axis_index("c")
        base = wid * bpw
        pltpu.sync_copy(idx_hbm.at[pl.ds(base, bpw)], idx_v)
        pltpu.async_copy(table_hbm.at[idx_v], rows_v, sem).wait()
        pltpu.sync_copy(rows_v, out_hbm.at[pl.ds(base, bpw)])

    return k(emb, ids)



def _mega_kernel(x_ref, pos_ref, Wfo_ref, bfo_ref, Wall_ref, bc_ref, Wcq_ref,
                 Wread_ref,
                 pmK_ref, pmV_ref, pma_ref, emK_ref, emV_ref, emS_ref,
                 wpm_ref, wem_ref, lam_ref, xf_ref):
    x = x_ref[...] + pos_ref[...]
    xflat = _mm(x, Wfo_ref[...]) + bfo_ref[...]
    pmK = pmK_ref[0]
    pmV = pmV_ref[0]
    emK = emK_ref[0]
    emV = emV_ref[0]
    nk = jnp.sqrt(jnp.sum(emK * emK, axis=-1)) + 1e-6
    rk = 1.0 / (SCALE * nk)
    onesM = jnp.ones((M, 1), F32)
    ones_pm = jnp.ones((R_SLOTS, 1), F32)
    emK_b = emK.astype(BF16)
    emV_aug_b = jnp.concatenate([emV, onesM], axis=1).astype(BF16)
    pmV_aug = jnp.concatenate([pmV, ones_pm], axis=1)
    Wread = Wread_ref[...]

    xo_l = []
    q_l = []
    vn_l = []
    nov_l = []
    eligK = jnp.zeros((R_SLOTS, D_MEM), F32)
    eligV = jnp.zeros((R_SLOTS, D_MEM), F32)
    for c in range(C):
        xc = xflat[:, c * D_COL:(c + 1) * D_COL]
        P = _mm(xc, Wall_ref[c])
        h = jnp.tanh(P[:, 0:64] + bc_ref[0, c])
        k = P[:, 64:128]
        v = P[:, 128:192]
        q = P[:, 192:256]
        vnc = P[:, 256:320]
        gate = jax.nn.sigmoid(P[:, 320:321])
        wnc = jax.nn.sigmoid(P[:, 321:322])
        nq = jnp.sqrt(jnp.sum(q * q, axis=-1, keepdims=True)) + 1e-6
        qs = q * SCALE
        pp = jnp.exp(jnp.subtract(*_self_max(_mmT(qs, pmK))))
        pa = _mm(pp, pmV_aug)
        pr = pa[:, :D_MEM] * (1.0 / pa[:, D_MEM:D_MEM + 1])
        er, simmax = _attn_read(qs, emK_b, emV_aug_b, rk)
        msc = simmax / nq
        xo = h + _mm(jnp.concatenate([pr, er], axis=1), Wread)
        d = xo - xc
        surp = jnp.sqrt(jnp.sum(d * d, axis=-1, keepdims=True))
        nov_l.append(surp * wnc * (1.0 - msc))
        kn = k / (jnp.sqrt(jnp.sum(k * k, axis=-1, keepdims=True)) + 1e-6)
        pg = jnp.exp(jnp.subtract(*_self_max(_mmT(kn, pmK) * (1.0 / TAU))))
        gg = gate * (1.0 / jnp.sum(pg, axis=-1, keepdims=True))
        eligK = eligK + _mTm(pg, k * gg)
        eligV = eligV + _mTm(pg, v * gg)
        xo_l.append(xo)
        q_l.append(q)
        vn_l.append(vnc)

    enorm = jnp.sqrt(jnp.sum(eligK * eligK, axis=-1))
    wpm = wpm_ref[0]
    gpm = jax.nn.sigmoid(jnp.mean(enorm) * wpm[0]
                         + 0.99 * jnp.sum(pma_ref[0]) * wpm[1]
                         + jnp.sum(jnp.mean(eligK, axis=0) * wpm[2:]))
    pm1K = pmK + gpm * eligK
    pm1V = pmV + gpm * eligV

    nov = jnp.concatenate(nov_l, axis=1)
    iota_n = jax.lax.broadcasted_iota(jnp.int32, (N, C), 0)
    iota_c = jax.lax.broadcasted_iota(jnp.int32, (N, C), 1)
    fidx = iota_n * C + iota_c
    row16 = jax.lax.broadcasted_iota(jnp.int32, (C_EM, 1), 0)

    def tk_body(i, carry):
        novv, candK, candV, scores = carry
        mval = jnp.max(novv)
        idx = jnp.min(jnp.where(novv == mval, fidx, TM))
        onehot = (fidx == idx).astype(F32)
        qsel = jnp.zeros((1, D_MEM), F32)
        vsel = jnp.zeros((1, D_MEM), F32)
        for c in range(C):
            col = onehot[:, c:c + 1]
            qsel = qsel + jnp.sum(col * q_l[c], axis=0, keepdims=True)
            vsel = vsel + jnp.sum(col * vn_l[c], axis=0, keepdims=True)
        rowsel = (row16 == i).astype(F32)
        candK = candK + rowsel * qsel
        candV = candV + rowsel * vsel
        scores = scores + rowsel * mval
        novv = jnp.where(fidx == idx, -jnp.inf, novv)
        return novv, candK, candV, scores

    z16 = jnp.zeros((C_EM, D_MEM), F32)
    _, candK, candV, scores = jax.lax.fori_loop(
        0, C_EM, tk_body, (nov, z16, z16, jnp.zeros((C_EM, 1), F32)))

    emS = emS_ref[0]
    Os = _topk_onehots(-emS, C_EM)
    oldK = _mm(Os, emK)
    oldV = _mm(Os, emV)
    wem = wem_ref[0]
    gem = jax.nn.sigmoid(jnp.mean(scores) * wem[0]
                         + jnp.sum(emS) * wem[1]
                         + jnp.sum(jnp.mean(candK, axis=0) * wem[2:]))
    em1K = emK + _mTm(Os, gem * (candK - oldK))
    em1V = emV + _mTm(Os, gem * (candV - oldV))

    em1K_b = em1K.astype(BF16)
    em1V_aug_b = jnp.concatenate([em1V, onesM], axis=1).astype(BF16)
    pm1V_aug = jnp.concatenate([pm1V, ones_pm], axis=1)
    lam = jax.nn.sigmoid(lam_ref[0, 0])
    xf_l = []
    for c in range(C):
        xc = xo_l[c]
        P2 = _mm(xc, Wcq_ref[c])
        h2 = jnp.tanh(P2[:, :D_COL] + bc_ref[0, c])
        q2s = P2[:, D_COL:] * SCALE
        pp2 = jnp.exp(jnp.subtract(*_self_max(_mmT(q2s, pm1K))))
        pa2 = _mm(pp2, pm1V_aug)
        pr2 = pa2[:, :D_MEM] * (1.0 / pa2[:, D_MEM:D_MEM + 1])
        er2, _ = _attn_read(q2s, em1K_b, em1V_aug_b)
        xo2 = h2 + _mm(jnp.concatenate([pr2, er2], axis=1), Wread)
        xf_l.append((1.0 - lam) * xc + lam * xo2)
    xf_ref[...] = jnp.concatenate(xf_l, axis=1)


def _mega(x, pos_emb, p, lam_logit):
    CW = C * D_COL
    wspec = lambda shp: pl.BlockSpec(shp, lambda i, j: (0, 0))
    return pl.pallas_call(
        _mega_kernel,
        grid=(B, BS),
        in_specs=[
            pl.BlockSpec((N, D), lambda i, j: (j, 0)),
            pl.BlockSpec((N, D), lambda i, j: (0, 0)),
            pl.BlockSpec((D, CW), lambda i, j: (0, i)),
            pl.BlockSpec((1, CW), lambda i, j: (0, i)),
            pl.BlockSpec((C, D_COL, 5 * D_COL + 2), lambda i, j: (i, 0, 0)),
            pl.BlockSpec((1, C, D_COL), lambda i, j: (i, 0, 0)),
            pl.BlockSpec((C, D_COL, 2 * D_COL), lambda i, j: (i, 0, 0)),
            wspec((2 * D_MEM, D_COL)),
            pl.BlockSpec((1, R_SLOTS, D_MEM), lambda i, j: (j * B + i, 0, 0)),
            pl.BlockSpec((1, R_SLOTS, D_MEM), lambda i, j: (j * B + i, 0, 0)),
            pl.BlockSpec((1, 1, R_SLOTS), lambda i, j: (j * B + i, 0, 0)),
            pl.BlockSpec((1, M, D_MEM), lambda i, j: (j * B + i, 0, 0)),
            pl.BlockSpec((1, M, D_MEM), lambda i, j: (j * B + i, 0, 0)),
            pl.BlockSpec((1, 1, M), lambda i, j: (j * B + i, 0, 0)),
            wspec((1, D_MEM + 2)),
            wspec((1, D_MEM + 2)),
            wspec((1, 1)),
        ],
        out_specs=pl.BlockSpec((N, CW), lambda i, j: (j, i)),
        out_shape=jax.ShapeDtypeStruct((T, G * D_COL), F32),
    )(x, pos_emb, p["W_fan_out"], p["b_fan_out"].reshape(1, G * D_COL),
      jnp.concatenate([p["W_col"], p["W_k"], p["W_v"], p["W_q"], p["W_vn"],
                       p["w_gate"][:, :, None], p["w_nov_proj"][:, :, None]],
                      axis=2),
      p["b_col"].reshape(B, C, D_COL),
      jnp.concatenate([p["W_col"], p["W_q"]], axis=2),
      jnp.concatenate([p["W_read_pm"], p["W_read_em"]], axis=0),
      p["pm_K"], p["pm_V"], p["pm_a"].reshape(BSB, 1, R_SLOTS),
      p["em_K"], p["em_V"], p["em_S"].reshape(BSB, 1, M),
      p["w_pm_mod"].reshape(1, D_MEM + 2), p["w_em_mod"].reshape(1, D_MEM + 2),
      lam_logit.reshape(1, 1))



def _fanin_ln_kernel(x_ref, w_ref, b_ref, g_ref, beta_ref, o_ref):
    y = jnp.dot(x_ref[...], w_ref[...], preferred_element_type=F32) + b_ref[...]
    m = jnp.mean(y, axis=-1, keepdims=True)
    v = jnp.mean((y - m) * (y - m), axis=-1, keepdims=True)
    o_ref[...] = (y - m) * jax.lax.rsqrt(v + 1e-5) * g_ref[...] + beta_ref[...]


def _fan_in_ln(x, W, b, g, beta):
    return pl.pallas_call(
        _fanin_ln_kernel,
        grid=(BS,),
        in_specs=[
            pl.BlockSpec((N, G * D_COL), lambda i: (i, 0)),
            pl.BlockSpec((G * D_COL, D), lambda i: (0, 0)),
            pl.BlockSpec((1, D), lambda i: (0, 0)),
            pl.BlockSpec((1, D), lambda i: (0, 0)),
            pl.BlockSpec((1, D), lambda i: (0, 0)),
        ],
        out_specs=pl.BlockSpec((N, D), lambda i: (i, 0)),
        out_shape=jax.ShapeDtypeStruct((T, D), F32),
    )(x, W, b.reshape(1, D), g.reshape(1, D), beta.reshape(1, D))


def _logits_kernel(x_ref, e_ref, o_ref):
    o_ref[...] = jax.lax.dot_general(x_ref[...], e_ref[...],
                                     (((1,), (1,)), ((), ())),
                                     preferred_element_type=F32)


def _logits(x, emb):
    return pl.pallas_call(
        _logits_kernel,
        grid=(VOCAB // VT,),
        in_specs=[
            pl.BlockSpec((T, D), lambda j: (0, 0)),
            pl.BlockSpec((VT, D), lambda j: (j, 0)),
        ],
        out_specs=pl.BlockSpec((T, VT), lambda j: (0, j)),
        out_shape=jax.ShapeDtypeStruct((T, VOCAB), F32),
    )(x, emb)



def kernel(input_ids, emb, pos_emb, W_fan_out, b_fan_out, W_col, b_col, W_k,
           W_v, w_gate, W_q, W_vn, w_nov_proj, W_read_pm, W_read_em, pm_K,
           pm_V, pm_a, em_K, em_V, em_S, w_pm_mod, w_em_mod, W_fan_in,
           b_fan_in, ln_g, ln_b, lambda_logit):
    p = dict(W_fan_out=W_fan_out, b_fan_out=b_fan_out, W_col=W_col,
             b_col=b_col, W_k=W_k, W_v=W_v, w_gate=w_gate, W_q=W_q,
             W_vn=W_vn, w_nov_proj=w_nov_proj, W_read_pm=W_read_pm,
             W_read_em=W_read_em, pm_K=pm_K, pm_V=pm_V, pm_a=pm_a,
             em_K=em_K, em_V=em_V, em_S=em_S, w_pm_mod=w_pm_mod,
             w_em_mod=w_em_mod)
    x = _embed(input_ids, emb)
    xf = _mega(x, pos_emb, p, lambda_logit)
    xn = _fan_in_ln(xf, W_fan_in, b_fan_in, ln_g, ln_b)
    logits = _logits(xn, emb).reshape(BS, N, VOCAB)
    return (logits, jnp.array(0.0, F32))

# --- scband reference (transcript-rebuilt; emitter-appended) ---
"""Pipeline reference for scband-neuromorphic-lm-88957362634982 (READ-ONLY COPY).

The authoritative reference and input builder live on the scoring server;
editing this copy changes nothing except your own understanding.
"""

import jax, jax.numpy as jnp
import numpy as np

BS = 4; N = 256; VOCAB = 32000; D = 768
B = 4; C = 8; G = B * C; D_COL = 64; D_MEM = 64
R_SLOTS = 128; M = 2048; C_EM = 16; R_PASSES = 2
BSB = BS * B; TAU = 1.0

FLOAT_KEYS = ["emb", "pos_emb", "W_fan_out", "b_fan_out", "W_col", "b_col", "W_k", "W_v", "w_gate", "W_q", "W_vn", "w_nov_proj", "W_read_pm", "W_read_em", "pm_K", "pm_V", "pm_a", "em_K", "em_V", "em_S", "w_pm_mod", "w_em_mod", "W_fan_in", "b_fan_in", "ln_g", "ln_b", "lambda_logit"]

def _unit(x):
    return x / (jnp.linalg.norm(x, axis=-1, keepdims=True) + 1e-6)

def _ln(x, g, b):
    m = jnp.mean(x, axis=-1, keepdims=True)
    v = jnp.var(x, axis=-1, keepdims=True)
    return (x - m) / jnp.sqrt(v + 1e-5) * g + b

def _to_mem(x):
    bs, n, g, d = x.shape
    return x.reshape(bs, n, B, C, d).transpose(0, 2, 1, 3, 4).reshape(bs * B, n * C, d)

def _from_mem(x, n):
    bsb, t, d = x.shape
    return x.reshape(bsb // B, B, n, C, d).transpose(0, 2, 1, 3, 4).reshape(bsb // B, n, B * C, d)

def setup_inputs(seed: int = 0):
    key = jax.random.key(seed)
    ks = jax.random.split(key, 26)
    s = 0.05
    inp = {}
    inp["input_ids"] = jax.random.randint(ks[0], (BS, N), 0, VOCAB)
    inp["emb"] = jax.random.normal(ks[1], (VOCAB, D), dtype=jnp.float32) * s
    inp["pos_emb"] = jax.random.normal(ks[2], (N, D), dtype=jnp.float32) * s
    inp["W_fan_out"] = jax.random.normal(ks[3], (D, G * D_COL), dtype=jnp.float32) * s
    inp["b_fan_out"] = jnp.zeros((G * D_COL,), jnp.float32)
    inp["W_col"] = jax.random.normal(ks[4], (G, D_COL, D_COL), dtype=jnp.float32) * s
    inp["b_col"] = jnp.zeros((G, D_COL), jnp.float32)
    inp["W_k"] = jax.random.normal(ks[5], (G, D_COL, D_MEM), dtype=jnp.float32) * s
    inp["W_v"] = jax.random.normal(ks[6], (G, D_COL, D_MEM), dtype=jnp.float32) * s
    inp["w_gate"] = jax.random.normal(ks[7], (G, D_COL), dtype=jnp.float32) * s
    inp["W_q"] = jax.random.normal(ks[8], (G, D_COL, D_MEM), dtype=jnp.float32) * s
    inp["W_vn"] = jax.random.normal(ks[9], (G, D_COL, D_MEM), dtype=jnp.float32) * s
    inp["w_nov_proj"] = jax.random.normal(ks[10], (G, D_COL), dtype=jnp.float32) * s
    inp["W_read_pm"] = jax.random.normal(ks[11], (D_MEM, D_COL), dtype=jnp.float32) * s
    inp["W_read_em"] = jax.random.normal(ks[12], (D_MEM, D_COL), dtype=jnp.float32) * s
    inp["pm_K"] = jax.random.normal(ks[13], (BSB, R_SLOTS, D_MEM), dtype=jnp.float32) * s
    inp["pm_V"] = jax.random.normal(ks[14], (BSB, R_SLOTS, D_MEM), dtype=jnp.float32) * s
    inp["pm_a"] = jnp.full((BSB, R_SLOTS), 0.5, jnp.float32)
    inp["em_K"] = jax.random.normal(ks[15], (BSB, M, D_MEM), dtype=jnp.float32) * s
    inp["em_V"] = jax.random.normal(ks[16], (BSB, M, D_MEM), dtype=jnp.float32) * s
    inp["em_S"] = jax.random.uniform(ks[17], (BSB, M), dtype=jnp.float32)
    inp["w_pm_mod"] = jax.random.normal(ks[18], (D_MEM + 2,), dtype=jnp.float32) * s
    inp["w_em_mod"] = jax.random.normal(ks[19], (D_MEM + 2,), dtype=jnp.float32) * s
    inp["W_fan_in"] = jax.random.normal(ks[20], (G * D_COL, D), dtype=jnp.float32) * s
    inp["b_fan_in"] = jnp.zeros((D,), jnp.float32)
    inp["ln_g"] = jnp.ones((D,), jnp.float32)
    inp["ln_b"] = jnp.zeros((D,), jnp.float32)
    inp["lambda_logit"] = jnp.array(0.0, jnp.float32)
    return inp

def _columns(x_cols, pm_K, pm_V, em_K, em_V, p):
    h = jnp.tanh(jnp.einsum('bngd,gde->bnge', x_cols, p["W_col"]) + p["b_col"])
    k_cand = jnp.einsum('bngd,gde->bnge', x_cols, p["W_k"])
    v_cand = jnp.einsum('bngd,gde->bnge', x_cols, p["W_v"])
    gate = jax.nn.sigmoid(jnp.einsum('bngd,gd->bng', x_cols, p["w_gate"]))
    q_nov = jnp.einsum('bngd,gde->bnge', x_cols, p["W_q"])
    v_nov = jnp.einsum('bngd,gde->bnge', x_cols, p["W_vn"])
    w_nov = jax.nn.sigmoid(jnp.einsum('bngd,gd->bng', x_cols, p["w_nov_proj"]))
    q_m = _to_mem(q_nov)
    scale = 1.0 / jnp.sqrt(float(D_MEM))
    pm_attn = jax.nn.softmax(jnp.einsum('btd,brd->btr', q_m, pm_K) * scale, axis=-1)
    pm_read = jnp.einsum('btr,brd->btd', pm_attn, pm_V)
    em_attn = jax.nn.softmax(jnp.einsum('btd,bmd->btm', q_m, em_K) * scale, axis=-1)
    em_read = jnp.einsum('btm,bmd->btd', em_attn, em_V)
    n = x_cols.shape[1]
    read = _from_mem(pm_read, n) @ p["W_read_pm"] + _from_mem(em_read, n) @ p["W_read_em"]
    x_out = h + read
    surprise = jnp.linalg.norm(x_out - x_cols, axis=-1)
    return x_out, (k_cand, v_cand, gate), (q_nov, v_nov, w_nov, surprise)

def _process_and_commit(elig_info, nov_info, pm_K, pm_V, pm_a, em_K, em_V, em_S, p):
    k_cand, v_cand, gate = elig_info
    k_m = _to_mem(k_cand)
    v_m = _to_mem(v_cand)
    gate_m = _to_mem(gate[..., None])[..., 0]
    k_norm = _unit(k_m)
    route_scores = jnp.einsum('bnd,brd->bnr', k_norm, pm_K)
    route_w = jax.nn.softmax(route_scores / TAU, axis=-1)
    gr = gate_m[..., None] * route_w
    elig_K = jnp.einsum('bnr,bnd->brd', gr, k_m)
    elig_V = jnp.einsum('bnr,bnd->brd', gr, v_m)
    q_nov, v_nov, w_nov, surp = nov_info
    q_m = _to_mem(q_nov)
    vn_m = _to_mem(v_nov)
    wn_m = _to_mem(w_nov[..., None])[..., 0]
    surp_m = _to_mem(surp[..., None])[..., 0]
    sim = jnp.einsum('btd,bmd->btm', _unit(q_m), _unit(em_K))
    max_sim = jnp.max(sim, axis=-1)
    novelty = surp_m * wn_m * (1.0 - max_sim)
    cand_scores, idx_top = jax.lax.top_k(novelty, C_EM)
    cand_K = jnp.take_along_axis(q_m, idx_top[..., None], axis=1)
    cand_V = jnp.take_along_axis(vn_m, idx_top[..., None], axis=1)
    pm_a = pm_a * 0.99
    elig_summary = jnp.mean(jnp.linalg.norm(elig_K, axis=-1), axis=-1)
    pm_usage = jnp.sum(pm_a, axis=-1)
    content = jnp.mean(elig_K, axis=1)
    feat = jax.lax.stop_gradient(jnp.concatenate([elig_summary[:, None], pm_usage[:, None], content], axis=-1))
    g = jax.nn.sigmoid(feat @ p["w_pm_mod"])
    pm_K = pm_K + g[:, None, None] * elig_K
    pm_V = pm_V + g[:, None, None] * elig_V
    pm_a = pm_a + g[:, None] * jnp.linalg.norm(elig_K, axis=-1)
    em_usage = jnp.sum(em_S, axis=-1)
    nov_mean = jnp.mean(cand_scores, axis=-1)
    content_em = jnp.mean(cand_K, axis=1)
    feat_em = jax.lax.stop_gradient(jnp.concatenate([nov_mean[:, None], em_usage[:, None], content_em], axis=-1))
    g_em = jax.nn.sigmoid(feat_em @ p["w_em_mod"])
    neg_S, slot_idx = jax.lax.top_k(-em_S, C_EM)
    bidx = jnp.arange(em_S.shape[0])[:, None]
    old_K = em_K[bidx, slot_idx]
    old_V = em_V[bidx, slot_idx]
    em_K = em_K.at[bidx, slot_idx].set(g_em[:, None, None] * cand_K + (1.0 - g_em)[:, None, None] * old_K)
    em_V = em_V.at[bidx, slot_idx].set(g_em[:, None, None] * cand_V + (1.0 - g_em)[:, None, None] * old_V)
    em_S = (em_S * 0.999).at[bidx, slot_idx].set(cand_scores)
    return pm_K, pm_V, pm_a, em_K, em_V, em_S

def _forward(input_ids, p):
    x = p["emb"][input_ids] + p["pos_emb"][jnp.arange(N)]
    x_flat = x @ p["W_fan_out"] + p["b_fan_out"]
    x_cols = x_flat.reshape(BS, N, G, D_COL)
    pm_K, pm_V, pm_a = p["pm_K"], p["pm_V"], p["pm_a"]
    em_K, em_V, em_S = p["em_K"], p["em_V"], p["em_S"]
    lam = jax.nn.sigmoid(p["lambda_logit"])
    for r in range(R_PASSES):
        x_out, elig, nov = _columns(x_cols, pm_K, pm_V, em_K, em_V, p)
        pm_K, pm_V, pm_a, em_K, em_V, em_S = _process_and_commit(elig, nov, pm_K, pm_V, pm_a, em_K, em_V, em_S, p)
        if r > 0:
            x_cols = (1.0 - lam) * x_cols + lam * x_out
        else:
            x_cols = x_out
    x = x_cols.reshape(BS, N, G * D_COL) @ p["W_fan_in"] + p["b_fan_in"]
    x = _ln(x, p["ln_g"], p["ln_b"])
    logits = x @ p["emb"].T
    return logits

def reference(input_ids, emb, pos_emb, W_fan_out, b_fan_out, W_col, b_col, W_k, W_v, w_gate, W_q, W_vn, w_nov_proj, W_read_pm, W_read_em, pm_K, pm_V, pm_a, em_K, em_V, em_S, w_pm_mod, w_em_mod, W_fan_in, b_fan_in, ln_g, ln_b, lambda_logit):
    bound = dict(locals())
    p = {k: bound[k] for k in FLOAT_KEYS}
    logits = _forward(input_ids, p)
    return (logits, jnp.array(0.0, jnp.float32))

if __name__ == "__main__":
    import jax
    _d = setup_inputs()
    print(jax.jit(kernel)(*tuple(_d.values())))

</pallas_src>

<mosaic_0001>
#map = affine_map<(d0, d1) -> (0, 0)>
#map1 = affine_map<(d0, d1) -> (0)>
module attributes {stable_mosaic.version = 14 : i64} {
  func.func @k(%arg0: i32, %arg1: i32, %arg2: memref<32000x768xf32, #tpu.memory_space<hbm>>, %arg3: memref<1024xi32, #tpu.memory_space<hbm>>, %arg4: memref<1024x768xf32, #tpu.memory_space<hbm>>, %arg5: memref<32xi32, #tpu.memory_space<vmem>>, %arg6: memref<32x768xf32, #tpu.memory_space<vmem>>, %arg7: memref<!tpu.dma_semaphore, #tpu.memory_space<semaphore_mem>>) attributes {dimension_semantics = [#tpu.dimension_semantics<core_parallel>, #tpu.dimension_semantics<subcore_parallel>], iteration_bounds = array<i64: 2, 16>, scalar_prefetch = 0 : i64, scratch_operands = 3 : i64, tpu.core_type = #tpu.core_type<sc_vector_subcore>, window_params = [{transform_indices = #map}, {transform_indices = #map1}, {transform_indices = #map}]} {
    %mul3A = arith.constant 2 : i32
    %mul3A_0 = arith.muli %arg1, %mul3A : i32
    %add3A = arith.addi %mul3A_0, %arg0 : i32
    %mul3A_1 = arith.constant 32 : i32
    %mul3A_2 = arith.muli %add3A, %mul3A_1 : i32
    "tpu.region"() ({
      %run_scoped3A = tpu.sem_alloc : memref<!tpu.dma_semaphore, #tpu.memory_space<semaphore_mem>>
      %dma_start3A_7 = tpu.memref_slice %arg3[%mul3A_2] : memref<1024xi32, #tpu.memory_space<hbm>> -> memref<32xi32, #tpu.memory_space<hbm>>
      %dma_start3A_8 = tpu.memref_slice %arg3[%mul3A_2] : memref<1024xi32, #tpu.memory_space<hbm>> -> memref<32xi32, #tpu.memory_space<hbm>>
      tpu.enqueue_dma source(%dma_start3A_8 : memref<32xi32, #tpu.memory_space<hbm>>) target(%arg5 : memref<32xi32, #tpu.memory_space<vmem>>) target_semaphore(%run_scoped3A : memref<!tpu.dma_semaphore, #tpu.memory_space<semaphore_mem>>)
      %dma_wait3A_9 = tpu.memref_slice %arg3[%mul3A_2] : memref<1024xi32, #tpu.memory_space<hbm>> -> memref<32xi32, #tpu.memory_space<hbm>>
      %dma_wait3A_10 = tpu.memref_slice %arg3[%mul3A_2] : memref<1024xi32, #tpu.memory_space<hbm>> -> memref<32xi32, #tpu.memory_space<hbm>>
      tpu.wait_dma2 semaphore(%run_scoped3A : memref<!tpu.dma_semaphore, #tpu.memory_space<semaphore_mem>>) src(%dma_wait3A_10 : memref<32xi32, #tpu.memory_space<hbm>>) dst(%arg5 : memref<32xi32, #tpu.memory_space<vmem>>)
      tpu.yield
    }) : () -> ()
    %dma_start3A = arith.constant 0 : i32
    %dma_start3A_3 = arith.constant 0 : i32
    %dma_start3A_4 = tpu.memref_slice %arg2[%dma_start3A, %dma_start3A_3] : memref<32000x768xf32, #tpu.memory_space<hbm>> -> memref<32000x768xf32, #tpu.memory_space<hbm>>
    tpu.enqueue_indirect_dma source(%dma_start3A_4 : memref<32000x768xf32, #tpu.memory_space<hbm>>) target(%arg6 : memref<32x768xf32, #tpu.memory_space<vmem>>) offsets(%arg5 : memref<32xi32, #tpu.memory_space<vmem>>) semaphore(%arg7 : memref<!tpu.dma_semaphore, #tpu.memory_space<semaphore_mem>>)
    %dma_wait3A = arith.constant 0 : i32
    %dma_wait3A_5 = arith.constant 0 : i32
    %dma_wait3A_6 = tpu.memref_slice %arg2[%dma_wait3A, %dma_wait3A_5] : memref<32000x768xf32, #tpu.memory_space<hbm>> -> memref<32000x768xf32, #tpu.memory_space<hbm>>
    tpu.wait_indirect_dma semaphore(%arg7 : memref<!tpu.dma_semaphore, #tpu.memory_space<semaphore_mem>>) src(%dma_wait3A_6 : memref<32000x768xf32, #tpu.memory_space<hbm>>) dst(%arg6 : memref<32x768xf32, #tpu.memory_space<vmem>>)
    "tpu.region"() ({
      %run_scoped3A = tpu.sem_alloc : memref<!tpu.dma_semaphore, #tpu.memory_space<semaphore_mem>>
      %dma_start3A_7 = arith.constant 0 : i32
      %dma_start3A_8 = tpu.memref_slice %arg4[%mul3A_2, %dma_start3A_7] : memref<1024x768xf32, #tpu.memory_space<hbm>> -> memref<32x768xf32, #tpu.memory_space<hbm>>
      %dma_start3A_9 = arith.constant 0 : i32
      %dma_start3A_10 = tpu.memref_slice %arg4[%mul3A_2, %dma_start3A_9] : memref<1024x768xf32, #tpu.memory_space<hbm>> -> memref<32x768xf32, #tpu.memory_space<hbm>>
      tpu.enqueue_dma source(%arg6 : memref<32x768xf32, #tpu.memory_space<vmem>>) target(%dma_start3A_10 : memref<32x768xf32, #tpu.memory_space<hbm>>) target_semaphore(%run_scoped3A : memref<!tpu.dma_semaphore, #tpu.memory_space<semaphore_mem>>)
      %dma_wait3A_11 = arith.constant 0 : i32
      %dma_wait3A_12 = tpu.memref_slice %arg4[%mul3A_2, %dma_wait3A_11] : memref<1024x768xf32, #tpu.memory_space<hbm>> -> memref<32x768xf32, #tpu.memory_space<hbm>>
      %dma_wait3A_13 = arith.constant 0 : i32
      %dma_wait3A_14 = tpu.memref_slice %arg4[%mul3A_2, %dma_wait3A_13] : memref<1024x768xf32, #tpu.memory_space<hbm>> -> memref<32x768xf32, #tpu.memory_space<hbm>>
      tpu.wait_dma2 semaphore(%run_scoped3A : memref<!tpu.dma_semaphore, #tpu.memory_space<semaphore_mem>>) src(%arg6 : memref<32x768xf32, #tpu.memory_space<vmem>>) dst(%dma_wait3A_14 : memref<32x768xf32, #tpu.memory_space<hbm>>)
      tpu.yield
    }) : () -> ()
    return
  }
}

module attributes {stable_mosaic.version = 14 : i64} {
  func.func @_mega_kernel(%arg0: i32, %arg1: i32, %arg2: memref<256x768xf32, #tpu.memory_space<vmem>>, %arg3: memref<256x768xf32, #tpu.memory_space<vmem>>, %arg4: memref<768x512xf32, #tpu.memory_space<vmem>>, %arg5: memref<1x512xf32, #tpu.memory_space<vmem>>, %arg6: memref<8x64x322xf32, #tpu.memory_space<vmem>>, %arg7: memref<1x8x64xf32, #tpu.memory_space<vmem>>, %arg8: memref<8x64x128xf32, #tpu.memory_space<vmem>>, %arg9: memref<128x64xf32, #tpu.memory_space<vmem>>, %arg10: memref<1x128x64xf32, #tpu.memory_space<vmem>>, %arg11: memref<1x128x64xf32, #tpu.memory_space<vmem>>, %arg12: memref<1x1x128xf32, #tpu.memory_space<vmem>>, %arg13: memref<1x2048x64xf32, #tpu.memory_space<vmem>>, %arg14: memref<1x2048x64xf32, #tpu.memory_space<vmem>>, %arg15: memref<1x1x2048xf32, #tpu.memory_space<vmem>>, %arg16: memref<1x66xf32, #tpu.memory_space<vmem>>, %arg17: memref<1x66xf32, #tpu.memory_space<vmem>>, %arg18: memref<1x1xf32, #tpu.memory_space<vmem>>, %arg19: memref<256x512xf32, #tpu.memory_space<vmem>>) attributes {dimension_semantics = [#tpu.dimension_semantics<arbitrary>, #tpu.dimension_semantics<arbitrary>], iteration_bounds = array<i64: 4, 4>, scalar_prefetch = 0 : i64, scratch_operands = 0 : i64, tpu.core_type = #tpu.core_type<tc>, window_params = [{transform_indices = @transform_0, window_bounds = array<i64: 256, 768>}, {pipeline_mode = #tpu.pipeline_mode<synchronous>, transform_indices = @transform_1, window_bounds = array<i64: 256, 768>}, {transform_indices = @transform_2, window_bounds = array<i64: 768, 512>}, {transform_indices = @transform_3, window_bounds = array<i64: 1, 512>}, {transform_indices = @transform_4, window_bounds = array<i64: 8, 64, 322>}, {transform_indices = @transform_5, window_bounds = array<i64: 1, 8, 64>}, {transform_indices = @transform_6, window_bounds = array<i64: 8, 64, 128>}, {pipeline_mode = #tpu.pipeline_mode<synchronous>, transform_indices = @transform_7, window_bounds = array<i64: 128, 64>}, {transform_indices = @transform_8, window_bounds = array<i64: 1, 128, 64>}, {transform_indices = @transform_9, window_bounds = array<i64: 1, 128, 64>}, {transform_indices = @transform_10, window_bounds = array<i64: 1, 1, 128>}, {transform_indices = @transform_11, window_bounds = array<i64: 1, 2048, 64>}, {transform_indices = @transform_12, window_bounds = array<i64: 1, 2048, 64>}, {transform_indices = @transform_13, window_bounds = array<i64: 1, 1, 2048>}, {pipeline_mode = #tpu.pipeline_mode<synchronous>, transform_indices = @transform_14, window_bounds = array<i64: 1, 66>}, {pipeline_mode = #tpu.pipeline_mode<synchronous>, transform_indices = @transform_15, window_bounds = array<i64: 1, 66>}, {pipeline_mode = #tpu.pipeline_mode<synchronous>, transform_indices = @transform_16, window_bounds = array<i64: 1, 1>}, {transform_indices = @transform_17, window_bounds = array<i64: 256, 512>}]} {
    %get3A = arith.constant 0 : index
    %get3A_0 = arith.constant 0 : index
    %get3A_1 = vector.load %arg2[%get3A, %get3A_0] : memref<256x768xf32, #tpu.memory_space<vmem>>, vector<256x768xf32>
    %get3A_2 = arith.constant 0 : index
    %get3A_3 = arith.constant 0 : index
    %get3A_4 = vector.load %arg3[%get3A_2, %get3A_3] : memref<256x768xf32, #tpu.memory_space<vmem>>, vector<256x768xf32>
    %add3A = arith.addf %get3A_1, %get3A_4 : vector<256x768xf32>
    %get3A_5 = arith.constant 0 : index
    %get3A_6 = arith.constant 0 : index
    %get3A_7 = vector.load %arg4[%get3A_5, %get3A_6] : memref<768x512xf32, #tpu.memory_space<vmem>>, vector<768x512xf32>
    %dot_general3A = arith.constant dense<0.000000e+00> : vector<256x512xf32>
    %dot_general3A_8 = tpu.matmul %add3A, %get3A_7, %dot_general3A {dimension_numbers = #tpu.dot_dimension_numbers<[1], [0], [0], [1], [0, 0, 1, 1], [], []>, transpose_lhs_hint = false} : vector<256x768xf32>, vector<768x512xf32>, vector<256x512xf32> -> vector<256x512xf32>
    %get3A_9 = arith.constant 0 : index
    %get3A_10 = arith.constant 0 : index
    %get3A_11 = vector.load %arg5[%get3A_9, %get3A_10] : memref<1x512xf32, #tpu.memory_space<vmem>>, vector<1x512xf32>
    %add3A_12 = vector.broadcast %get3A_11 : vector<1x512xf32> to vector<256x512xf32>
    %add3A_13 = arith.addf %dot_general3A_8, %add3A_12 : vector<256x512xf32>
    %get3A_14 = arith.constant 0 : index
    %get3A_15 = arith.constant 0 : index
    %get3A_16 = arith.constant 0 : index
    %get3A_17 = vector.load %arg10[%get3A_14, %get3A_15, %get3A_16] : memref<1x128x64xf32, #tpu.memory_space<vmem>>, vector<1x128x64xf32>
    %get3A_18 = vector.shape_cast %get3A_17 : vector<1x128x64xf32> to vector<128x64xf32>
    %get3A_19 = arith.constant 0 : index
    %get3A_20 = arith.constant 0 : index
    %get3A_21 = arith.constant 0 : index
    %get3A_22 = vector.load %arg11[%get3A_19, %get3A_20, %get3A_21] : memref<1x128x64xf32, #tpu.memory_space<vmem>>, vector<1x128x64xf32>
    %get3A_23 = vector.shape_cast %get3A_22 : vector<1x128x64xf32> to vector<128x64xf32>
    %get3A_24 = arith.constant 0 : index
    %get3A_25 = arith.constant 0 : index
    %get3A_26 = arith.constant 0 : index
    %get3A_27 = vector.load %arg13[%get3A_24, %get3A_25, %get3A_26] : memref<1x2048x64xf32, #tpu.memory_space<vmem>>, vector<1x2048x64xf32>
    %get3A_28 = vector.shape_cast %get3A_27 : vector<1x2048x64xf32> to vector<2048x64xf32>
    %get3A_29 = arith.constant 0 : index
    %get3A_30 = arith.constant 0 : index
    %get3A_31 = arith.constant 0 : index
    %get3A_32 = vector.load %arg14[%get3A_29, %get3A_30, %get3A_31] : memref<1x2048x64xf32, #tpu.memory_space<vmem>>, vector<1x2048x64xf32>
    %get3A_33 = vector.shape_cast %get3A_32 : vector<1x2048x64xf32> to vector<2048x64xf32>
    %mul3A = arith.mulf %get3A_28, %get3A_28 : vector<2048x64xf32>
    %reduce_sum3A = arith.constant dense<0.000000e+00> : vector<2048xf32>
    %reduce_sum3A_34 = vector.multi_reduction <add>, %mul3A, %reduce_sum3A [1] : vector<2048x64xf32> to vector<2048xf32>
    %sqrt3A = math.sqrt %reduce_sum3A_34 : vector<2048xf32>
    %add3A_35 = arith.constant 9.99999997E-7 : f32
    %add3A_36 = vector.broadcast %add3A_35 : f32 to vector<2048xf32>
    %add3A_37 = arith.addf %sqrt3A, %add3A_36 : vector<2048xf32>
    %mul3A_38 = arith.constant 1.250000e-01 : f32
    %mul3A_39 = vector.broadcast %mul3A_38 : f32 to vector<2048xf32>
    %mul3A_40 = arith.mulf %mul3A_39, %add3A_37 : vector<2048xf32>
    %div3A = arith.constant 1.000000e+00 : f32
    %div3A_41 = vector.broadcast %div3A : f32 to vector<2048xf32>
    %div3A_42 = arith.divf %div3A_41, %mul3A_40 : vector<2048xf32>
    %broadcast_in_dim3A = arith.constant 1.000000e+00 : f32
    %broadcast_in_dim3A_43 = vector.broadcast %broadcast_in_dim3A : f32 to vector<2048x1xf32>
    %broadcast_in_dim3A_44 = arith.constant 1.000000e+00 : f32
    %broadcast_in_dim3A_45 = vector.broadcast %broadcast_in_dim3A_44 : f32 to vector<128x1xf32>
    %convert_element_type3A = arith.truncf %get3A_28 : vector<2048x64xf32> to vector<2048x64xbf16>
    %concatenate3A = tpu.concatenate %get3A_33, %broadcast_in_dim3A_43 in 1 : vector<2048x64xf32>, vector<2048x1xf32> -> vector<2048x65xf32>
    %convert_element_type3A_46 = arith.truncf %concatenate3A : vector<2048x65xf32> to vector<2048x65xbf16>
    %concatenate3A_47 = tpu.concatenate %get3A_23, %broadcast_in_dim3A_45 in 1 : vector<128x64xf32>, vector<128x1xf32> -> vector<128x65xf32>
    %get3A_48 = arith.constant 0 : index
    %get3A_49 = arith.constant 0 : index
    %get3A_50 = vector.load %arg9[%get3A_48, %get3A_49] : memref<128x64xf32, #tpu.memory_space<vmem>>, vector<128x64xf32>
    %broadcast_in_dim3A_51 = arith.constant 0.000000e+00 : f32
    %broadcast_in_dim3A_52 = vector.broadcast %broadcast_in_dim3A_51 : f32 to vector<128x64xf32>
    %broadcast_in_dim3A_53 = arith.constant 0.000000e+00 : f32
    %broadcast_in_dim3A_54 = vector.broadcast %broadcast_in_dim3A_53 : f32 to vector<128x64xf32>
    %slice3A = vector.extract_strided_slice %add3A_13 {offsets = [0, 0], sizes = [256, 64], strides = [1, 1]} : vector<256x512xf32> to vector<256x64xf32>
    %get3A_55 = arith.constant 0 : index
    %get3A_56 = arith.constant 0 : index
    %get3A_57 = arith.constant 0 : index
    %get3A_58 = vector.load %arg6[%get3A_55, %get3A_56, %get3A_57] : memref<8x64x322xf32, #tpu.memory_space<vmem>>, vector<1x64x322xf32>
    %get3A_59 = vector.shape_cast %get3A_58 : vector<1x64x322xf32> to vector<64x322xf32>
    %dot_general3A_60 = arith.constant dense<0.000000e+00> : vector<256x322xf32>
    %dot_general3A_61 = tpu.matmul %slice3A, %get3A_59, %dot_general3A_60 {dimension_numbers = #tpu.dot_dimension_numbers<[1], [0], [0], [1], [0, 0, 1, 1], [], []>, transpose_lhs_hint = false} : vector<256x64xf32>, vector<64x322xf32>, vector<256x322xf32> -> vector<256x322xf32>
    %slice3A_62 = vector.extract_strided_slice %dot_general3A_61 {offsets = [0, 0], sizes = [256, 64], strides = [1, 1]} : vector<256x322xf32> to vector<256x64xf32>
    %get3A_63 = arith.constant 0 : index
    %get3A_64 = arith.constant 0 : index
    %get3A_65 = arith.constant 0 : index
    %get3A_66 = vector.load %arg7[%get3A_63, %get3A_64, %get3A_65] : memref<1x8x64xf32, #tpu.memory_space<vmem>>, vector<1x1x64xf32>
    %get3A_67 = vector.shape_cast %get3A_66 : vector<1x1x64xf32> to vector<64xf32>
    %broadcast_in_dim3A_68 = vector.shape_cast %get3A_67 : vector<64xf32> to vector<1x64xf32>
    %add3A_69 = vector.broadcast %broadcast_in_dim3A_68 : vector<1x64xf32> to vector<256x64xf32>
    %add3A_70 = arith.addf %slice3A_62, %add3A_69 : vector<256x64xf32>
    %tanh3A = math.tanh %add3A_70 : vector<256x64xf32>
    %slice3A_71 = vector.extract_strided_slice %dot_general3A_61 {offsets = [0, 64], sizes = [256, 64], strides = [1, 1]} : vector<256x322xf32> to vector<256x64xf32>
    %slice3A_72 = vector.extract_strided_slice %dot_general3A_61 {offsets = [0, 128], sizes = [256, 64], strides = [1, 1]} : vector<256x322xf32> to vector<256x64xf32>
    %slice3A_73 = vector.extract_strided_slice %dot_general3A_61 {offsets = [0, 192], sizes = [256, 64], strides = [1, 1]} : vector<256x322xf32> to vector<256x64xf32>
    %slice3A_74 = vector.extract_strided_slice %dot_general3A_61 {offsets = [0, 256], sizes = [256, 64], strides = [1, 1]} : vector<256x322xf32> to vector<256x64xf32>
    %slice3A_75 = vector.extract_strided_slice %dot_general3A_61 {offsets = [0, 320], sizes = [256, 1], strides = [1, 1]} : vector<256x322xf32> to vector<256x1xf32>
    %logistic3A = arith.negf %slice3A_75 : vector<256x1xf32>
    %logistic3A_76 = math.exp %logistic3A : vector<256x1xf32>
    %logistic3A_77 = arith.constant 1.000000e+00 : f32
    %logistic3A_78 = vector.broadcast %logistic3A_77 : f32 to vector<256x1xf32>
    %logistic3A_79 = arith.addf %logistic3A_78, %logistic3A_76 : vector<256x1xf32>
    %logistic3A_80 = arith.divf %logistic3A_78, %logistic3A_79 : vector<256x1xf32>
    %slice3A_81 = vector.extract_strided_slice %dot_general3A_61 {offsets = [0, 321], sizes = [256, 1], strides = [1, 1]} : vector<256x322xf32> to vector<256x1xf32>
    %logistic3A_82 = arith.negf %slice3A_81 : vector<256x1xf32>
    %logistic3A_83 = math.exp %logistic3A_82 : vector<256x1xf32>
    %logistic3A_84 = arith.constant 1.000000e+00 : f32
    %logistic3A_85 = vector.broadcast %logistic3A_84 : f32 to vector<256x1xf32>
    %logistic3A_86 = arith.addf %logistic3A_85, %logistic3A_83 : vector<256x1xf32>
    %logistic3A_87 = arith.divf %logistic3A_85, %logistic3A_86 : vector<256x1xf32>
    %mul3A_88 = arith.mulf %slice3A_73, %slice3A_73 : vector<256x64xf32>
    %reduce_sum3A_89 = arith.constant dense<0.000000e+00> : vector<256xf32>
    %reduce_sum3A_90 = vector.multi_reduction <add>, %mul3A_88, %reduce_sum3A_89 [1] : vector<256x64xf32> to vector<256xf32>
    %broadcast_in_dim3A_91 = vector.shape_cast %reduce_sum3A_90 : vector<256xf32> to vector<256x1xf32>
    %sqrt3A_92 = math.sqrt %broadcast_in_dim3A_91 : vector<256x1xf32>
    %add3A_93 = arith.constant 9.99999997E-7 : f32
    %add3A_94 = vector.broadcast %add3A_93 : f32 to vector<256x1xf32>
    %add3A_95 = arith.addf %sqrt3A_92, %add3A_94 : vector<256x1xf32>
    %mul3A_96 = arith.constant 1.250000e-01 : f32
    %mul3A_97 = vector.broadcast %mul3A_96 : f32 to vector<256x64xf32>
    %mul3A_98 = arith.mulf %slice3A_73, %mul3A_97 : vector<256x64xf32>
    %dot_general3A_99 = arith.constant dense<0.000000e+00> : vector<256x128xf32>
    %dot_general3A_100 = tpu.matmul %mul3A_98, %get3A_18, %dot_general3A_99 {dimension_numbers = #tpu.dot_dimension_numbers<[1], [1], [0], [0], [0, 0, 1, 0], [], []>, transpose_lhs_hint = false} : vector<256x64xf32>, vector<128x64xf32>, vector<256x128xf32> -> vector<256x128xf32>
    %reduce_max3A = arith.constant dense<0xFF800000> : vector<256xf32>
    %reduce_max3A_101 = vector.multi_reduction <maximumf>, %dot_general3A_100, %reduce_max3A [1] : vector<256x128xf32> to vector<256xf32>
    %broadcast_in_dim3A_102 = vector.shape_cast %reduce_max3A_101 : vector<256xf32> to vector<256x1xf32>
    %sub3A = vector.broadcast %broadcast_in_dim3A_102 : vector<256x1xf32> to vector<256x128xf32>
    %sub3A_103 = arith.subf %dot_general3A_100, %sub3A : vector<256x128xf32>
    %exp3A = math.exp %sub3A_103 : vector<256x128xf32>
    %dot_general3A_104 = arith.constant dense<0.000000e+00> : vector<256x65xf32>
    %dot_general3A_105 = tpu.matmul %exp3A, %concatenate3A_47, %dot_general3A_104 {dimension_numbers = #tpu.dot_dimension_numbers<[1], [0], [0], [1], [0, 0, 1, 1], [], []>, transpose_lhs_hint = false} : vector<256x128xf32>, vector<128x65xf32>, vector<256x65xf32> -> vector<256x65xf32>
    %slice3A_106 = vector.extract_strided_slice %dot_general3A_105 {offsets = [0, 0], sizes = [256, 64], strides = [1, 1]} : vector<256x65xf32> to vector<256x64xf32>
    %slice3A_107 = vector.extract_strided_slice %dot_general3A_105 {offsets = [0, 64], sizes = [256, 1], strides = [1, 1]} : vector<256x65xf32> to vector<256x1xf32>
    %div3A_108 = arith.constant 1.000000e+00 : f32
    %div3A_109 = vector.broadcast %div3A_108 : f32 to vector<256x1xf32>
    %div3A_110 = arith.divf %div3A_109, %slice3A_107 : vector<256x1xf32>
    %mul3A_111 = vector.broadcast %div3A_110 : vector<256x1xf32> to vector<256x64xf32>
    %mul3A_112 = arith.mulf %slice3A_106, %mul3A_111 : vector<256x64xf32>
    %convert_element_type3A_113 = arith.truncf %mul3A_98 : vector<256x64xf32> to vector<256x64xbf16>
    %dot_general3A_114 = arith.constant dense<0.000000e+00> : vector<256x2048xf32>
    %dot_general3A_115 = tpu.matmul %convert_element_type3A_113, %convert_element_type3A, %dot_general3A_114 {dimension_numbers = #tpu.dot_dimension_numbers<[1], [1], [0], [0], [0, 0, 1, 0], [], []>, transpose_lhs_hint = false} : vector<256x64xbf16>, vector<2048x64xbf16>, vector<256x2048xf32> -> vector<256x2048xf32>
    %convert_element_type3A_116 = arith.truncf %dot_general3A_115 : vector<256x2048xf32> to vector<256x2048xbf16>
    %reduce_max3A_117 = arith.constant dense<0xFF80> : vector<256xbf16>
    %reduce_max3A_118 = vector.multi_reduction <maximumf>, %convert_element_type3A_116, %reduce_max3A_117 [1] : vector<256x2048xbf16> to vector<256xbf16>
    %broadcast_in_dim3A_119 = vector.shape_cast %reduce_max3A_118 : vector<256xbf16> to vector<256x1xbf16>
    %convert_element_type3A_120 = arith.extf %convert_element_type3A_116 : vector<256x2048xbf16> to vector<256x2048xf32>
    %convert_element_type3A_121 = arith.extf %broadcast_in_dim3A_119 : vector<256x1xbf16> to vector<256x1xf32>
    %sub3A_122 = vector.broadcast %convert_element_type3A_121 : vector<256x1xf32> to vector<256x2048xf32>
    %sub3A_123 = arith.subf %convert_element_type3A_120, %sub3A_122 : vector<256x2048xf32>
    %exp3A_124 = math.exp %sub3A_123 : vector<256x2048xf32>
    %convert_element_type3A_125 = arith.truncf %exp3A_124 : vector<256x2048xf32> to vector<256x2048xbf16>
    %dot_general3A_126 = arith.constant dense<0.000000e+00> : vector<256x65xf32>
    %dot_general3A_127 = tpu.matmul %convert_element_type3A_125, %convert_element_type3A_46, %dot_general3A_126 {dimension_numbers = #tpu.dot_dimension_numbers<[1], [0], [0], [1], [0, 0, 1, 1], [], []>, transpose_lhs_hint = false} : vector<256x2048xbf16>, vector<2048x65xbf16>, vector<256x65xf32> -> vector<256x65xf32>
    %slice3A_128 = vector.extract_strided_slice %dot_general3A_127 {offsets = [0, 0], sizes = [256, 64], strides = [1, 1]} : vector<256x65xf32> to vector<256x64xf32>
    %slice3A_129 = vector.extract_strided_slice %dot_general3A_127 {offsets = [0, 64], sizes = [256, 1], strides = [1, 1]} : vector<256x65xf32> to vector<256x1xf32>
    %div3A_130 = arith.constant 1.000000e+00 : f32
    %div3A_131 = vector.broadcast %div3A_130 : f32 to vector<256x1xf32>
    %div3A_132 = arith.divf %div3A_131, %slice3A_129 : vector<256x1xf32>
    %mul3A_133 = vector.broadcast %div3A_132 : vector<256x1xf32> to vector<256x64xf32>
    %mul3A_134 = arith.mulf %slice3A_128, %mul3A_133 : vector<256x64xf32>
    %broadcast_in_dim3A_135 = vector.shape_cast %div3A_42 : vector<2048xf32> to vector<1x2048xf32>
    %convert_element_type3A_136 = arith.extf %convert_element_type3A_116 : vector<256x2048xbf16> to vector<256x2048xf32>
    %mul3A_137 = vector.broadcast %broadcast_in_dim3A_135 : vector<1x2048xf32> to vector<256x2048xf32>
    %mul3A_138 = arith.mulf %convert_element_type3A_136, %mul3A_137 : vector<256x2048xf32>
    %reduce_max3A_139 = arith.constant dense<0xFF800000> : vector<256xf32>
    %reduce_max3A_140 = vector.multi_reduction <maximumf>, %mul3A_138, %reduce_max3A_139 [1] : vector<256x2048xf32> to vector<256xf32>
    %broadcast_in_dim3A_141 = vector.shape_cast %reduce_max3A_140 : vector<256xf32> to vector<256x1xf32>
    %div3A_142 = arith.divf %broadcast_in_dim3A_141, %add3A_95 : vector<256x1xf32>
    %concatenate3A_143 = tpu.concatenate %mul3A_112, %mul3A_134 in 1 : vector<256x64xf32>, vector<256x64xf32> -> vector<256x128xf32>
    %dot_general3A_144 = arith.constant dense<0.000000e+00> : vector<256x64xf32>
    %dot_general3A_145 = tpu.matmul %concatenate3A_143, %get3A_50, %dot_general3A_144 {dimension_numbers = #tpu.dot_dimension_numbers<[1], [0], [0], [1], [0, 0, 1, 1], [], []>, transpose_lhs_hint = false} : vector<256x128xf32>, vector<128x64xf32>, vector<256x64xf32> -> vector<256x64xf32>
    %add3A_146 = arith.addf %tanh3A, %dot_general3A_145 : vector<256x64xf32>
    %sub3A_147 = arith.subf %add3A_146, %slice3A : vector<256x64xf32>
    %mul3A_148 = arith.mulf %sub3A_147, %sub3A_147 : vector<256x64xf32>
    %reduce_sum3A_149 = arith.constant dense<0.000000e+00> : vector<256xf32>
    %reduce_sum3A_150 = vector.multi_reduction <add>, %mul3A_148, %reduce_sum3A_149 [1] : vector<256x64xf32> to vector<256xf32>
    %broadcast_in_dim3A_151 = vector.shape_cast %reduce_sum3A_150 : vector<256xf32> to vector<256x1xf32>
    %sqrt3A_152 = math.sqrt %broadcast_in_dim3A_151 : vector<256x1xf32>
    %mul3A_153 = arith.mulf %sqrt3A_152, %logistic3A_87 : vector<256x1xf32>
    %sub3A_154 = arith.constant 1.000000e+00 : f32
    %sub3A_155 = vector.broadcast %sub3A_154 : f32 to vector<256x1xf32>
    %sub3A_156 = arith.subf %sub3A_155, %div3A_142 : vector<256x1xf32>
    %mul3A_157 = arith.mulf %mul3A_153, %sub3A_156 : vector<256x1xf32>
    %mul3A_158 = arith.mulf %slice3A_71, %slice3A_71 : vector<256x64xf32>
    %reduce_sum3A_159 = arith.constant dense<0.000000e+00> : vector<256xf32>
    %reduce_sum3A_160 = vector.multi_reduction <add>, %mul3A_158, %reduce_sum3A_159 [1] : vector<256x64xf32> to vector<256xf32>
    %broadcast_in_dim3A_161 = vector.shape_cast %reduce_sum3A_160 : vector<256xf32> to vector<256x1xf32>
    %sqrt3A_162 = math.sqrt %broadcast_in_dim3A_161 : vector<256x1xf32>
    %add3A_163 = arith.constant 9.99999997E-7 : f32
    %add3A_164 = vector.broadcast %add3A_163 : f32 to vector<256x1xf32>
    %add3A_165 = arith.addf %sqrt3A_162, %add3A_164 : vector<256x1xf32>
    %div3A_166 = vector.broadcast %add3A_165 : vector<256x1xf32> to vector<256x64xf32>
    %div3A_167 = arith.divf %slice3A_71, %div3A_166 : vector<256x64xf32>
    %dot_general3A_168 = arith.constant dense<0.000000e+00> : vector<256x128xf32>
    %dot_general3A_169 = tpu.matmul %div3A_167, %get3A_18, %dot_general3A_168 {dimension_numbers = #tpu.dot_dimension_numbers<[1], [1], [0], [0], [0, 0, 1, 0], [], []>, transpose_lhs_hint = false} : vector<256x64xf32>, vector<128x64xf32>, vector<256x128xf32> -> vector<256x128xf32>
    %mul3A_170 = arith.constant 1.000000e+00 : f32
    %mul3A_171 = vector.broadcast %mul3A_170 : f32 to vector<256x128xf32>
    %mul3A_172 = arith.mulf %dot_general3A_169, %mul3A_171 : vector<256x128xf32>
    %reduce_max3A_173 = arith.constant dense<0xFF800000> : vector<256xf32>
    %reduce_max3A_174 = vector.multi_reduction <maximumf>, %mul3A_172, %reduce_max3A_173 [1] : vector<256x128xf32> to vector<256xf32>
    %broadcast_in_dim3A_175 = vector.shape_cast %reduce_max3A_174 : vector<256xf32> to vector<256x1xf32>
    %sub3A_176 = vector.broadcast %broadcast_in_dim3A_175 : vector<256x1xf32> to vector<256x128xf32>
    %sub3A_177 = arith.subf %mul3A_172, %sub3A_176 : vector<256x128xf32>
    %exp3A_178 = math.exp %sub3A_177 : vector<256x128xf32>
    %reduce_sum3A_179 = arith.constant dense<0.000000e+00> : vector<256xf32>
    %reduce_sum3A_180 = vector.multi_reduction <add>, %exp3A_178, %reduce_sum3A_179 [1] : vector<256x128xf32> to vector<256xf32>
    %broadcast_in_dim3A_181 = vector.shape_cast %reduce_sum3A_180 : vector<256xf32> to vector<256x1xf32>
    %div3A_182 = arith.constant 1.000000e+00 : f32
    %div3A_183 = vector.broadcast %div3A_182 : f32 to vector<256x1xf32>
    %div3A_184 = arith.divf %div3A_183, %broadcast_in_dim3A_181 : vector<256x1xf32>
    %mul3A_185 = arith.mulf %logistic3A_80, %div3A_184 : vector<256x1xf32>
    %mul3A_186 = vector.broadcast %mul3A_185 : vector<256x1xf32> to vector<256x64xf32>
    %mul3A_187 = arith.mulf %slice3A_71, %mul3A_186 : vector<256x64xf32>
    %dot_general3A_188 = arith.constant dense<0.000000e+00> : vector<128x64xf32>
    %dot_general3A_189 = tpu.matmul %exp3A_178, %mul3A_187, %dot_general3A_188 {dimension_numbers = #tpu.dot_dimension_numbers<[0], [0], [1], [1], [0, 1, 1, 1], [], []>, transpose_lhs_hint = false} : vector<256x128xf32>, vector<256x64xf32>, vector<128x64xf32> -> vector<128x64xf32>
    %add3A_190 = arith.addf %broadcast_in_dim3A_52, %dot_general3A_189 : vector<128x64xf32>
    %mul3A_191 = vector.broadcast %mul3A_185 : vector<256x1xf32> to vector<256x64xf32>
    %mul3A_192 = arith.mulf %slice3A_72, %mul3A_191 : vector<256x64xf32>
    %dot_general3A_193 = arith.constant dense<0.000000e+00> : vector<128x64xf32>
    %dot_general3A_194 = tpu.matmul %exp3A_178, %mul3A_192, %dot_general3A_193 {dimension_numbers = #tpu.dot_dimension_numbers<[0], [0], [1], [1], [0, 1, 1, 1], [], []>, transpose_lhs_hint = false} : vector<256x128xf32>, vector<256x64xf32>, vector<128x64xf32> -> vector<128x64xf32>
    %add3A_195 = arith.addf %broadcast_in_dim3A_54, %dot_general3A_194 : vector<128x64xf32>
    %slice3A_196 = vector.extract_strided_slice %add3A_13 {offsets = [0, 64], sizes = [256, 64], strides = [1, 1]} : vector<256x512xf32> to vector<256x64xf32>
    %get3A_197 = arith.constant 1 : index
    %get3A_198 = arith.constant 0 : index
    %get3A_199 = arith.constant 0 : index
    %get3A_200 = vector.load %arg6[%get3A_197, %get3A_198, %get3A_199] : memref<8x64x322xf32, #tpu.memory_space<vmem>>, vector<1x64x322xf32>
    %get3A_201 = vector.shape_cast %get3A_200 : vector<1x64x322xf32> to vector<64x322xf32>
    %dot_general3A_202 = arith.constant dense<0.000000e+00> : vector<256x322xf32>
    %dot_general3A_203 = tpu.matmul %slice3A_196, %get3A_201, %dot_general3A_202 {dimension_numbers = #tpu.dot_dimension_numbers<[1], [0], [0], [1], [0, 0, 1, 1], [], []>, transpose_lhs_hint = false} : vector<256x64xf32>, vector<64x322xf32>, vector<256x322xf32> -> vector<256x322xf32>
    %slice3A_204 = vector.extract_strided_slice %dot_general3A_203 {offsets = [0, 0], sizes = [256, 64], strides = [1, 1]} : vector<256x322xf32> to vector<256x64xf32>
    %get3A_205 = arith.constant 0 : index
    %get3A_206 = arith.constant 1 : index
    %get3A_207 = arith.constant 0 : index
    %get3A_208 = vector.load %arg7[%get3A_205, %get3A_206, %get3A_207] : memref<1x8x64xf32, #tpu.memory_space<vmem>>, vector<1x1x64xf32>
    %get3A_209 = vector.shape_cast %get3A_208 : vector<1x1x64xf32> to vector<64xf32>
    %broadcast_in_dim3A_210 = vector.shape_cast %get3A_209 : vector<64xf32> to vector<1x64xf32>
    %add3A_211 = vector.broadcast %broadcast_in_dim3A_210 : vector<1x64xf32> to vector<256x64xf32>
    %add3A_212 = arith.addf %slice3A_204, %add3A_211 : vector<256x64xf32>
    %tanh3A_213 = math.tanh %add3A_212 : vector<256x64xf32>
    %slice3A_214 = vector.extract_strided_slice %dot_general3A_203 {offsets = [0, 64], sizes = [256, 64], strides = [1, 1]} : vector<256x322xf32> to vector<256x64xf32>
    %slice3A_215 = vector.extract_strided_slice %dot_general3A_203 {offsets = [0, 128], sizes = [256, 64], strides = [1, 1]} : vector<256x322xf32> to vector<256x64xf32>
    %slice3A_216 = vector.extract_strided_slice %dot_general3A_203 {offsets = [0, 192], sizes = [256, 64], strides = [1, 1]} : vector<256x322xf32> to vector<256x64xf32>
    %slice3A_217 = vector.extract_strided_slice %dot_general3A_203 {offsets = [0, 256], sizes = [256, 64], strides = [1, 1]} : vector<256x322xf32> to vector<256x64xf32>
    %slice3A_218 = vector.extract_strided_slice %dot_general3A_203 {offsets = [0, 320], sizes = [256, 1], strides = [1, 1]} : vector<256x322xf32> to vector<256x1xf32>
    %logistic3A_219 = arith.negf %slice3A_218 : vector<256x1xf32>
    %logistic3A_220 = math.exp %logistic3A_219 : vector<256x1xf32>
    %logistic3A_221 = arith.constant 1.000000e+00 : f32
    %logistic3A_222 = vector.broadcast %logistic3A_221 : f32 to vector<256x1xf32>
    %logistic3A_223 = arith.addf %logistic3A_222, %logistic3A_220 : vector<256x1xf32>
    %logistic3A_224 = arith.divf %logistic3A_222, %logistic3A_223 : vector<256x1xf32>
    %slice3A_225 = vector.extract_strided_slice %dot_general3A_203 {offsets = [0, 321], sizes = [256, 1], strides = [1, 1]} : vector<256x322xf32> to vector<256x1xf32>
    %logistic3A_226 = arith.negf %slice3A_225 : vector<256x1xf32>
    %logistic3A_227 = math.exp %logistic3A_226 : vector<256x1xf32>
    %logistic3A_228 = arith.constant 1.000000e+00 : f32
    %logistic3A_229 = vector.broadcast %logistic3A_228 : f32 to vector<256x1xf32>
    %logistic3A_230 = arith.addf %logistic3A_229, %logistic3A_227 : vector<256x1xf32>
    %logistic3A_231 = arith.divf %logistic3A_229, %logistic3A_230 : vector<256x1xf32>
    %mul3A_232 = arith.mulf %slice3A_216, %slice3A_216 : vector<256x64xf32>
    %reduce_sum3A_233 = arith.constant dense<0.000000e+00> : vector<256xf32>
    %reduce_sum3A_234 = vector.multi_reduction <add>, %mul3A_232, %reduce_sum3A_233 [1] : vector<256x64xf32> to vector<256xf32>
    %broadcast_in_dim3A_235 = vector.shape_cast %reduce_sum3A_234 : vector<256xf32> to vector<256x1xf32>
    %sqrt3A_236 = math.sqrt %broadcast_in_dim3A_235 : vector<256x1xf32>
    %add3A_237 = arith.constant 9.99999997E-7 : f32
    %add3A_238 = vector.broadcast %add3A_237 : f32 to vector<256x1xf32>
    %add3A_239 = arith.addf %sqrt3A_236, %add3A_238 : vector<256x1xf32>
    %mul3A_240 = arith.constant 1.250000e-01 : f32
    %mul3A_241 = vector.broadcast %mul3A_240 : f32 to vector<256x64xf32>
    %mul3A_242 = arith.mulf %slice3A_216, %mul3A_241 : vector<256x64xf32>
    %dot_general3A_243 = arith.constant dense<0.000000e+00> : vector<256x128xf32>
    %dot_general3A_244 = tpu.matmul %mul3A_242, %get3A_18, %dot_general3A_243 {dimension_numbers = #tpu.dot_dimension_numbers<[1], [1], [0], [0], [0, 0, 1, 0], [], []>, transpose_lhs_hint = false} : vector<256x64xf32>, vector<128x64xf32>, vector<256x128xf32> -> vector<256x128xf32>
    %reduce_max3A_245 = arith.constant dense<0xFF800000> : vector<256xf32>
    %reduce_max3A_246 = vector.multi_reduction <maximumf>, %dot_general3A_244, %reduce_max3A_245 [1] : vector<256x128xf32> to vector<256xf32>
    %broadcast_in_dim3A_247 = vector.shape_cast %reduce_max3A_246 : vector<256xf32> to vector<256x1xf32>
    %sub3A_248 = vector.broadcast %broadcast_in_dim3A_247 : vector<256x1xf32> to vector<256x128xf32>
    %sub3A_249 = arith.subf %dot_general3A_244, %sub3A_248 : vector<256x128xf32>
    %exp3A_250 = math.exp %sub3A_249 : vector<256x128xf32>
    %dot_general3A_251 = arith.constant dense<0.000000e+00> : vector<256x65xf32>
    %dot_general3A_252 = tpu.matmul %exp3A_250, %concatenate3A_47, %dot_general3A_251 {dimension_numbers = #tpu.dot_dimension_numbers<[1], [0], [0], [1], [0, 0, 1, 1], [], []>, transpose_lhs_hint = false} : vector<256x128xf32>, vector<128x65xf32>, vector<256x65xf32> -> vector<256x65xf32>
    %slice3A_253 = vector.extract_strided_slice %dot_general3A_252 {offsets = [0, 0], sizes = [256, 64], strides = [1, 1]} : vector<256x65xf32> to vector<256x64xf32>
    %slice3A_254 = vector.extract_strided_slice %dot_general3A_252 {offsets = [0, 64], sizes = [256, 1], strides = [1, 1]} : vector<256x65xf32> to vector<256x1xf32>
    %div3A_255 = arith.constant 1.000000e+00 : f32
    %div3A_256 = vector.broadcast %div3A_255 : f32 to vector<256x1xf32>
    %div3A_257 = arith.divf %div3A_256, %slice3A_254 : vector<256x1xf32>
    %mul3A_258 = vector.broadcast %div3A_257 : vector<256x1xf32> to vector<256x64xf32>
    %mul3A_259 = arith.mulf %slice3A_253, %mul3A_258 : vector<256x64xf32>
    %convert_element_type3A_260 = arith.truncf %mul3A_242 : vector<256x64xf32> to vector<256x64xbf16>
    %dot_general3A_261 = arith.constant dense<0.000000e+00> : vector<256x2048xf32>
    %dot_general3A_262 = tpu.matmul %convert_element_type3A_260, %convert_element_type3A, %dot_general3A_261 {dimension_numbers = #tpu.dot_dimension_numbers<[1], [1], [0], [0], [0, 0, 1, 0], [], []>, transpose_lhs_hint = false} : vector<256x64xbf16>, vector<2048x64xbf16>, vector<256x2048xf32> -> vector<256x2048xf32>
    %convert_element_type3A_263 = arith.truncf %dot_general3A_262 : vector<256x2048xf32> to vector<256x2048xbf16>
    %reduce_max3A_264 = arith.constant dense<0xFF80> : vector<256xbf16>
    %reduce_max3A_265 = vector.multi_reduction <maximumf>, %convert_element_type3A_263, %reduce_max3A_264 [1] : vector<256x2048xbf16> to vector<256xbf16>
    %broadcast_in_dim3A_266 = vector.shape_cast %reduce_max3A_265 : vector<256xbf16> to vector<256x1xbf16>
    %convert_element_type3A_267 = arith.extf %convert_element_type3A_263 : vector<256x2048xbf16> to vector<256x2048xf32>
    %convert_element_type3A_268 = arith.extf %broadcast_in_dim3A_266 : vector<256x1xbf16> to vector<256x1xf32>
    %sub3A_269 = vector.broadcast %convert_element_type3A_268 : vector<256x1xf32> to vector<256x2048xf32>
    %sub3A_270 = arith.subf %convert_element_type3A_267, %sub3A_269 : vector<256x2048xf32>
    %exp3A_271 = math.exp %sub3A_270 : vector<256x2048xf32>
    %convert_element_type3A_272 = arith.truncf %exp3A_271 : vector<256x2048xf32> to vector<256x2048xbf16>
    %dot_general3A_273 = arith.constant dense<0.000000e+00> : vector<256x65xf32>
    %dot_general3A_274 = tpu.matmul %convert_element_type3A_272, %convert_element_type3A_46, %dot_general3A_273 {dimension_numbers = #tpu.dot_dimension_numbers<[1], [0], [0], [1], [0, 0, 1, 1], [], []>, transpose_lhs_hint = false} : vector<256x2048xbf16>, vector<2048x65xbf16>, vector<256x65xf32> -> vector<256x65xf32>
    %slice3A_275 = vector.extract_strided_slice %dot_general3A_274 {offsets = [0, 0], sizes = [256, 64], strides = [1, 1]} : vector<256x65xf32> to vector<256x64xf32>
    %slice3A_276 = vector.extract_strided_slice %dot_general3A_274 {offsets = [0, 64], sizes = [256, 1], strides = [1, 1]} : vector<256x65xf32> to vector<256x1xf32>
    %div3A_277 = arith.constant 1.000000e+00 : f32
    %div3A_278 = vector.broadcast %div3A_277 : f32 to vector<256x1xf32>
    %div3A_279 = arith.divf %div3A_278, %slice3A_276 : vector<256x1xf32>
    %mul3A_280 = vector.broadcast %div3A_279 : vector<256x1xf32> to vector<256x64xf32>
    %mul3A_281 = arith.mulf %slice3A_275, %mul3A_280 : vector<256x64xf32>
    %broadcast_in_dim3A_282 = vector.shape_cast %div3A_42 : vector<2048xf32> to vector<1x2048xf32>
    %convert_element_type3A_283 = arith.extf %convert_element_type3A_263 : vector<256x2048xbf16> to vector<256x2048xf32>
    %mul3A_284 = vector.broadcast %broadcast_in_dim3A_282 : vector<1x2048xf32> to vector<256x2048xf32>
    %mul3A_285 = arith.mulf %convert_element_type3A_283, %mul3A_284 : vector<256x2048xf32>
    %reduce_max3A_286 = arith.constant dense<0xFF800000> : vector<256xf32>
    %reduce_max3A_287 = vector.multi_reduction <maximumf>, %mul3A_285, %reduce_max3A_286 [1] : vector<256x2048xf32> to vector<256xf32>
    %broadcast_in_dim3A_288 = vector.shape_cast %reduce_max3A_287 : vector<256xf32> to vector<256x1xf32>
    %div3A_289 = arith.divf %broadcast_in_dim3A_288, %add3A_239 : vector<256x1xf32>
    %concatenate3A_290 = tpu.concatenate %mul3A_259, %mul3A_281 in 1 : vector<256x64xf32>, vector<256x64xf32> -> vector<256x128xf32>
    %dot_general3A_291 = arith.constant dense<0.000000e+00> : vector<256x64xf32>
    %dot_general3A_292 = tpu.matmul %concatenate3A_290, %get3A_50, %dot_general3A_291 {dimension_numbers = #tpu.dot_dimension_numbers<[1], [0], [0], [1], [0, 0, 1, 1], [], []>, transpose_lhs_hint = false} : vector<256x128xf32>, vector<128x64xf32>, vector<256x64xf32> -> vector<256x64xf32>
    %add3A_293 = arith.addf %tanh3A_213, %dot_general3A_292 : vector<256x64xf32>
    %sub3A_294 = arith.subf %add3A_293, %slice3A_196 : vector<256x64xf32>
    %mul3A_295 = arith.mulf %sub3A_294, %sub3A_294 : vector<256x64xf32>
    %reduce_sum3A_296 = arith.constant dense<0.000000e+00> : vector<256xf32>
    %reduce_sum3A_297 = vector.multi_reduction <add>, %mul3A_295, %reduce_sum3A_296 [1] : vector<256x64xf32> to vector<256xf32>
    %broadcast_in_dim3A_298 = vector.shape_cast %reduce_sum3A_297 : vector<256xf32> to vector<256x1xf32>
    %sqrt3A_299 = math.sqrt %broadcast_in_dim3A_298 : vector<256x1xf32>
    %mul3A_300 = arith.mulf %sqrt3A_299, %logistic3A_231 : vector<256x1xf32>
    %sub3A_301 = arith.constant 1.000000e+00 : f32
    %sub3A_302 = vector.broadcast %sub3A_301 : f32 to vector<256x1xf32>
    %sub3A_303 = arith.subf %sub3A_302, %div3A_289 : vector<256x1xf32>
    %mul3A_304 = arith.mulf %mul3A_300, %sub3A_303 : vector<256x1xf32>
    %mul3A_305 = arith.mulf %slice3A_214, %slice3A_214 : vector<256x64xf32>
    %reduce_sum3A_306 = arith.constant dense<0.000000e+00> : vector<256xf32>
    %reduce_sum3A_307 = vector.multi_reduction <add>, %mul3A_305, %reduce_sum3A_306 [1] : vector<256x64xf32> to vector<256xf32>
    %broadcast_in_dim3A_308 = vector.shape_cast %reduce_sum3A_307 : vector<256xf32> to vector<256x1xf32>
    %sqrt3A_309 = math.sqrt %broadcast_in_dim3A_308 : vector<256x1xf32>
    %add3A_310 = arith.constant 9.99999997E-7 : f32
    %add3A_311 = vector.broadcast %add3A_310 : f32 to vector<256x1xf32>
    %add3A_312 = arith.addf %sqrt3A_309, %add3A_311 : vector<256x1xf32>
    %div3A_313 = vector.broadcast %add3A_312 : vector<256x1xf32> to vector<256x64xf32>
    %div3A_314 = arith.divf %slice3A_214, %div3A_313 : vector<256x64xf32>
    %dot_general3A_315 = arith.constant dense<0.000000e+00> : vector<256x128xf32>
    %dot_general3A_316 = tpu.matmul %div3A_314, %get3A_18, %dot_general3A_315 {dimension_numbers = #tpu.dot_dimension_numbers<[1], [1], [0], [0], [0, 0, 1, 0], [], []>, transpose_lhs_hint = false} : vector<256x64xf32>, vector<128x64xf32>, vector<256x128xf32> -> vector<256x128xf32>
    %mul3A_317 = arith.constant 1.000000e+00 : f32
    %mul3A_318 = vector.broadcast %mul3A_317 : f32 to vector<256x128xf32>
    %mul3A_319 = arith.mulf %dot_general3A_316, %mul3A_318 : vector<256x128xf32>
    %reduce_max3A_320 = arith.constant dense<0xFF800000> : vector<256xf32>
    %reduce_max3A_321 = vector.multi_reduction <maximumf>, %mul3A_319, %reduce_max3A_320 [1] : vector<256x128xf32> to vector<256xf32>
    %broadcast_in_dim3A_322 = vector.shape_cast %reduce_max3A_321 : vector<256xf32> to vector<256x1xf32>
    %sub3A_323 = vector.broadcast %broadcast_in_dim3A_322 : vector<256x1xf32> to vector<256x128xf32>
    %sub3A_324 = arith.subf %mul3A_319, %sub3A_323 : vector<256x128xf32>
    %exp3A_325 = math.exp %sub3A_324 : vector<256x128xf32>
    %reduce_sum3A_326 = arith.constant dense<0.000000e+00> : vector<256xf32>
    %reduce_sum3A_327 = vector.multi_reduction <add>, %exp3A_325, %reduce_sum3A_326 [1] : vector<256x128xf32> to vector<256xf32>
    %broadcast_in_dim3A_328 = vector.shape_cast %reduce_sum3A_327 : vector<256xf32> to vector<256x1xf32>
    %div3A_329 = arith.constant 1.000000e+00 : f32
    %div3A_330 = vector.broadcast %div3A_329 : f32 to vector<256x1xf32>
    %div3A_331 = arith.divf %div3A_330, %broadcast_in_dim3A_328 : vector<256x1xf32>
    %mul3A_332 = arith.mulf %logistic3A_224, %div3A_331 : vector<256x1xf32>
    %mul3A_333 = vector.broadcast %mul3A_332 : vector<256x1xf32> to vector<256x64xf32>
    %mul3A_334 = arith.mulf %slice3A_214, %mul3A_333 : vector<256x64xf32>
    %dot_general3A_335 = arith.constant dense<0.000000e+00> : vector<128x64xf32>
    %dot_general3A_336 = tpu.matmul %exp3A_325, %mul3A_334, %dot_general3A_335 {dimension_numbers = #tpu.dot_dimension_numbers<[0], [0], [1], [1], [0, 1, 1, 1], [], []>, transpose_lhs_hint = false} : vector<256x128xf32>, vector<256x64xf32>, vector<128x64xf32> -> vector<128x64xf32>
    %add3A_337 = arith.addf %add3A_190, %dot_general3A_336 : vector<128x64xf32>
    %mul3A_338 = vector.broadcast %mul3A_332 : vector<256x1xf32> to vector<256x64xf32>
    %mul3A_339 = arith.mulf %slice3A_215, %mul3A_338 : vector<256x64xf32>
    %dot_general3A_340 = arith.constant dense<0.000000e+00> : vector<128x64xf32>
    %dot_general3A_341 = tpu.matmul %exp3A_325, %mul3A_339, %dot_general3A_340 {dimension_numbers = #tpu.dot_dimension_numbers<[0], [0], [1], [1], [0, 1, 1, 1], [], []>, transpose_lhs_hint = false} : vector<256x128xf32>, vector<256x64xf32>, vector<128x64xf32> -> vector<128x64xf32>
    %add3A_342 = arith.addf %add3A_195, %dot_general3A_341 : vector<128x64xf32>
    %slice3A_343 = vector.extract_strided_slice %add3A_13 {offsets = [0, 128], sizes = [256, 64], strides = [1, 1]} : vector<256x512xf32> to vector<256x64xf32>
    %get3A_344 = arith.constant 2 : index
    %get3A_345 = arith.constant 0 : index
    %get3A_346 = arith.constant 0 : index
    %get3A_347 = vector.load %arg6[%get3A_344, %get3A_345, %get3A_346] : memref<8x64x322xf32, #tpu.memory_space<vmem>>, vector<1x64x322xf32>
    %get3A_348 = vector.shape_cast %get3A_347 : vector<1x64x322xf32> to vector<64x322xf32>
    %dot_general3A_349 = arith.constant dense<0.000000e+00> : vector<256x322xf32>
    %dot_general3A_350 = tpu.matmul %slice3A_343, %get3A_348, %dot_general3A_349 {dimension_numbers = #tpu.dot_dimension_numbers<[1], [0], [0], [1], [0, 0, 1, 1], [], []>, transpose_lhs_hint = false} : vector<256x64xf32>, vector<64x322xf32>, vector<256x322xf32> -> vector<256x322xf32>
    %slice3A_351 = vector.extract_strided_slice %dot_general3A_350 {offsets = [0, 0], sizes = [256, 64], strides = [1, 1]} : vector<256x322xf32> to vector<256x64xf32>
    %get3A_352 = arith.constant 0 : index
    %get3A_353 = arith.constant 2 : index
    %get3A_354 = arith.constant 0 : index
    %get3A_355 = vector.load %arg7[%get3A_352, %get3A_353, %get3A_354] : memref<1x8x64xf32, #tpu.memory_space<vmem>>, vector<1x1x64xf32>
    %get3A_356 = vector.shape_cast %get3A_355 : vector<1x1x64xf32> to vector<64xf32>
    %broadcast_in_dim3A_357 = vector.shape_cast %get3A_356 : vector<64xf32> to vector<1x64xf32>
    %add3A_358 = vector.broadcast %broadcast_in_dim3A_357 : vector<1x64xf32> to vector<256x64xf32>
    %add3A_359 = arith.addf %slice3A_351, %add3A_358 : vector<256x64xf32>
    %tanh3A_360 = math.tanh %add3A_359 : vector<256x64xf32>
    %slice3A_361 = vector.extract_strided_slice %dot_general3A_350 {offsets = [0, 64], sizes = [256, 64], strides = [1, 1]} : vector<256x322xf32> to vector<256x64xf32>
    %slice3A_362 = vector.extract_strided_slice %dot_general3A_350 {offsets = [0, 128], sizes = [256, 64], strides = [1, 1]} : vector<256x322xf32> to vector<256x64xf32>
    %slice3A_363 = vector.extract_strided_slice %dot_general3A_350 {offsets = [0, 192], sizes = [256, 64], strides = [1, 1]} : vector<256x322xf32> to vector<256x64xf32>
    %slice3A_364 = vector.extract_strided_slice %dot_general3A_350 {offsets = [0, 256], sizes = [256, 64], strides = [1, 1]} : vector<256x322xf32> to vector<256x64xf32>
    %slice3A_365 = vector.extract_strided_slice %dot_general3A_350 {offsets = [0, 320], sizes = [256, 1], strides = [1, 1]} : vector<256x322xf32> to vector<256x1xf32>
    %logistic3A_366 = arith.negf %slice3A_365 : vector<256x1xf32>
    %logistic3A_367 = math.exp %logistic3A_366 : vector<256x1xf32>
    %logistic3A_368 = arith.constant 1.000000e+00 : f32
    %logistic3A_369 = vector.broadcast %logistic3A_368 : f32 to vector<256x1xf32>
    %logistic3A_370 = arith.addf %logistic3A_369, %logistic3A_367 : vector<256x1xf32>
    %logistic3A_371 = arith.divf %logistic3A_369, %logistic3A_370 : vector<256x1xf32>
    %slice3A_372 = vector.extract_strided_slice %dot_general3A_350 {offsets = [0, 321], sizes = [256, 1], strides = [1, 1]} : vector<256x322xf32> to vector<256x1xf32>
    %logistic3A_373 = arith.negf %slice3A_372 : vector<256x1xf32>
    %logistic3A_374 = math.exp %logistic3A_373 : vector<256x1xf32>
    %logistic3A_375 = arith.constant 1.000000e+00 : f32
    %logistic3A_376 = vector.broadcast %logistic3A_375 : f32 to vector<256x1xf32>
    %logistic3A_377 = arith.addf %logistic3A_376, %logistic3A_374 : vector<256x1xf32>
    %logistic3A_378 = arith.divf %logistic3A_376, %logistic3A_377 : vector<256x1xf32>
    %mul3A_379 = arith.mulf %slice3A_363, %slice3A_363 : vector<256x64xf32>
    %reduce_sum3A_380 = arith.constant dense<0.000000e+00> : vector<256xf32>
    %reduce_sum3A_381 = vector.multi_reduction <add>, %mul3A_379, %reduce_sum3A_380 [1] : vector<256x64xf32> to vector<256xf32>
    %broadcast_in_dim3A_382 = vector.shape_cast %reduce_sum3A_381 : vector<256xf32> to vector<256x1xf32>
    %sqrt3A_383 = math.sqrt %broadcast_in_dim3A_382 : vector<256x1xf32>
    %add3A_384 = arith.constant 9.99999997E-7 : f32
    %add3A_385 = vector.broadcast %add3A_384 : f32 to vector<256x1xf32>
    %add3A_386 = arith.addf %sqrt3A_383, %add3A_385 : vector<256x1xf32>
    %mul3A_387 = arith.constant 1.250000e-01 : f32
    %mul3A_388 = vector.broadcast %mul3A_387 : f32 to vector<256x64xf32>
    %mul3A_389 = arith.mulf %slice3A_363, %mul3A_388 : vector<256x64xf32>
    %dot_general3A_390 = arith.constant dense<0.000000e+00> : vector<256x128xf32>
    %dot_general3A_391 = tpu.matmul %mul3A_389, %get3A_18, %dot_general3A_390 {dimension_numbers = #tpu.dot_dimension_numbers<[1], [1], [0], [0], [0, 0, 1, 0], [], []>, transpose_lhs_hint = false} : vector<256x64xf32>, vector<128x64xf32>, vector<256x128xf32> -> vector<256x128xf32>
    %reduce_max3A_392 = arith.constant dense<0xFF800000> : vector<256xf32>
    %reduce_max3A_393 = vector.multi_reduction <maximumf>, %dot_general3A_391, %reduce_max3A_392 [1] : vector<256x128xf32> to vector<256xf32>
    %broadcast_in_dim3A_394 = vector.shape_cast %reduce_max3A_393 : vector<256xf32> to vector<256x1xf32>
    %sub3A_395 = vector.broadcast %broadcast_in_dim3A_394 : vector<256x1xf32> to vector<256x128xf32>
    %sub3A_396 = arith.subf %dot_general3A_391, %sub3A_395 : vector<256x128xf32>
    %exp3A_397 = math.exp %sub3A_396 : vector<256x128xf32>
    %dot_general3A_398 = arith.constant dense<0.000000e+00> : vector<256x65xf32>
    %dot_general3A_399 = tpu.matmul %exp3A_397, %concatenate3A_47, %dot_general3A_398 {dimension_numbers = #tpu.dot_dimension_numbers<[1], [0], [0], [1], [0, 0, 1, 1], [], []>, transpose_lhs_hint = false} : vector<256x128xf32>, vector<128x65xf32>, vector<256x65xf32> -> vector<256x65xf32>
    %slice3A_400 = vector.extract_strided_slice %dot_general3A_399 {offsets = [0, 0], sizes = [256, 64], strides = [1, 1]} : vector<256x65xf32> to vector<256x64xf32>
    %slice3A_401 = vector.extract_strided_slice %dot_general3A_399 {offsets = [0, 64], sizes = [256, 1], strides = [1, 1]} : vector<256x65xf32> to vector<256x1xf32>
    %div3A_402 = arith.constant 1.000000e+00 : f32
    %div3A_403 = vector.broadcast %div3A_402 : f32 to vector<256x1xf32>
    %div3A_404 = arith.divf %div3A_403, %slice3A_401 : vector<256x1xf32>
    %mul3A_405 = vector.broadcast %div3A_404 : vector<256x1xf32> to vector<256x64xf32>
    %mul3A_406 = arith.mulf %slice3A_400, %mul3A_405 : vector<256x64xf32>
    %convert_element_type3A_407 = arith.truncf %mul3A_389 : vector<256x64xf32> to vector<256x64xbf16>
    %dot_general3A_408 = arith.constant dense<0.000000e+00> : vector<256x2048xf32>
    %dot_general3A_409 = tpu.matmul %convert_element_type3A_407, %convert_element_type3A, %dot_general3A_408 {dimension_numbers = #tpu.dot_dimension_numbers<[1], [1], [0], [0], [0, 0, 1, 0], [], []>, transpose_lhs_hint = false} : vector<256x64xbf16>, vector<2048x64xbf16>, vector<256x2048xf32> -> vector<256x2048xf32>
    %convert_element_type3A_410 = arith.truncf %dot_general3A_409 : vector<256x2048xf32> to vector<256x2048xbf16>
    %reduce_max3A_411 = arith.constant dense<0xFF80> : vector<256xbf16>
    %reduce_max3A_412 = vector.multi_reduction <maximumf>, %convert_element_type3A_410, %reduce_max3A_411 [1] : vector<256x2048xbf16> to vector<256xbf16>
    %broadcast_in_dim3A_413 = vector.shape_cast %reduce_max3A_412 : vector<256xbf16> to vector<256x1xbf16>
    %convert_element_type3A_414 = arith.extf %convert_element_type3A_410 : vector<256x2048xbf16> to vector<256x2048xf32>
    %convert_element_type3A_415 = arith.extf %broadcast_in_dim3A_413 : vector<256x1xbf16> to vector<256x1xf32>
    %sub3A_416 = vector.broadcast %convert_element_type3A_415 : vector<256x1xf32> to vector<256x2048xf32>
    %sub3A_417 = arith.subf %convert_element_type3A_414, %sub3A_416 : vector<256x2048xf32>
    %exp3A_418 = math.exp %sub3A_417 : vector<256x2048xf32>
    %convert_element_type3A_419 = arith.truncf %exp3A_418 : vector<256x2048xf32> to vector<256x2048xbf16>
    %dot_general3A_420 = arith.constant dense<0.000000e+00> : vector<256x65xf32>
    %dot_general3A_421 = tpu.matmul %convert_element_type3A_419, %convert_element_type3A_46, %dot_general3A_420 {dimension_numbers = #tpu.dot_dimension_numbers<[1], [0], [0], [1], [0, 0, 1, 1], [], []>, transpose_lhs_hint = false} : vector<256x2048xbf16>, vector<2048x65xbf16>, vector<256x65xf32> -> vector<256x65xf32>
    %slice3A_422 = vector.extract_strided_slice %dot_general3A_421 {offsets = [0, 0], sizes = [256, 64], strides = [1, 1]} : vector<256x65xf32> to vector<256x64xf32>
    %slice3A_423 = vector.extract_strided_slice %dot_general3A_421 {offsets = [0, 64], sizes = [256, 1], strides = [1, 1]} : vector<256x65xf32> to vector<256x1xf32>
    %div3A_424 = arith.constant 1.000000e+00 : f32
    %div3A_425 = vector.broadcast %div3A_424 : f32 to vector<256x1xf32>
    %div3A_426 = arith.divf %div3A_425, %slice3A_423 : vector<256x1xf32>
    %mul3A_427 = vector.broadcast %div3A_426 : vector<256x1xf32> to vector<256x64xf32>
    %mul3A_428 = arith.mulf %slice3A_422, %mul3A_427 : vector<256x64xf32>
    %broadcast_in_dim3A_429 = vector.shape_cast %div3A_42 : vector<2048xf32> to vector<1x2048xf32>
    %convert_element_type3A_430 = arith.extf %convert_element_type3A_410 : vector<256x2048xbf16> to vector<256x2048xf32>
    %mul3A_431 = vector.broadcast %broadcast_in_dim3A_429 : vector<1x2048xf32> to vector<256x2048xf32>
    %mul3A_432 = arith.mulf %convert_element_type3A_430, %mul3A_431 : vector<256x2048xf32>
    %reduce_max3A_433 = arith.constant dense<0xFF800000> : vector<256xf32>
    %reduce_max3A_434 = vector.multi_reduction <maximumf>, %mul3A_432, %reduce_max3A_433 [1] : vector<256x2048xf32> to vector<256xf32>
    %broadcast_in_dim3A_435 = vector.shape_cast %reduce_max3A_434 : vector<256xf32> to vector<256x1xf32>
    %div3A_436 = arith.divf %broadcast_in_dim3A_435, %add3A_386 : vector<256x1xf32>
    %concatenate3A_437 = tpu.concatenate %mul3A_406, %mul3A_428 in 1 : vector<256x64xf32>, vector<256x64xf32> -> vector<256x128xf32>
    %dot_general3A_438 = arith.constant dense<0.000000e+00> : vector<256x64xf32>
    %dot_general3A_439 = tpu.matmul %concatenate3A_437, %get3A_50, %dot_general3A_438 {dimension_numbers = #tpu.dot_dimension_numbers<[1], [0], [0], [1], [0, 0, 1, 1], [], []>, transpose_lhs_hint = false} : vector<256x128xf32>, vector<128x64xf32>, vector<256x64xf32> -> vector<256x64xf32>
    %add3A_440 = arith.addf %tanh3A_360, %dot_general3A_439 : vector<256x64xf32>
    %sub3A_441 = arith.subf %add3A_440, %slice3A_343 : vector<256x64xf32>
    %mul3A_442 = arith.mulf %sub3A_441, %sub3A_441 : vector<256x64xf32>
    %reduce_sum3A_443 = arith.constant dense<0.000000e+00> : vector<256xf32>
    %reduce_sum3A_444 = vector.multi_reduction <add>, %mul3A_442, %reduce_sum3A_443 [1] : vector<256x64xf32> to vector<256xf32>
    %broadcast_in_dim3A_445 = vector.shape_cast %reduce_sum3A_444 : vector<256xf32> to vector<256x1xf32>
    %sqrt3A_446 = math.sqrt %broadcast_in_dim3A_445 : vector<256x1xf32>
    %mul3A_447 = arith.mulf %sqrt3A_446, %logistic3A_378 : vector<256x1xf32>
    %sub3A_448 = arith.constant 1.000000e+00 : f32
    %sub3A_449 = vector.broadcast %sub3A_448 : f32 to vector<256x1xf32>
    %sub3A_450 = arith.subf %sub3A_449, %div3A_436 : vector<256x1xf32>
    %mul3A_451 = arith.mulf %mul3A_447, %sub3A_450 : vector<256x1xf32>
    %mul3A_452 = arith.mulf %slice3A_361, %slice3A_361 : vector<256x64xf32>
    %reduce_sum3A_453 = arith.constant dense<0.000000e+00> : vector<256xf32>
    %reduce_sum3A_454 = vector.multi_reduction <add>, %mul3A_452, %reduce_sum3A_453 [1] : vector<256x64xf32> to vector<256xf32>
    %broadcast_in_dim3A_455 = vector.shape_cast %reduce_sum3A_454 : vector<256xf32> to vector<256x1xf32>
    %sqrt3A_456 = math.sqrt %broadcast_in_dim3A_455 : vector<256x1xf32>
    %add3A_457 = arith.constant 9.99999997E-7 : f32
    %add3A_458 = vector.broadcast %add3A_457 : f32 to vector<256x1xf32>
    %add3A_459 = arith.addf %sqrt3A_456, %add3A_458 : vector<256x1xf32>
    %div3A_460 = vector.broadcast %add3A_459 : vector<256x1xf32> to vector<256x64xf32>
    %div3A_461 = arith.divf %slice3A_361, %div3A_460 : vector<256x64xf32>
    %dot_general3A_462 = arith.constant dense<0.000000e+00> : vector<256x128xf32>
    %dot_general3A_463 = tpu.matmul %div3A_461, %get3A_18, %dot_general3A_462 {dimension_numbers = #tpu.dot_dimension_numbers<[1], [1], [0], [0], [0, 0, 1, 0], [], []>, transpose_lhs_hint = false} : vector<256x64xf32>, vector<128x64xf32>, vector<256x128xf32> -> vector<256x128xf32>
    %mul3A_464 = arith.constant 1.000000e+00 : f32
    %mul3A_465 = vector.broadcast %mul3A_464 : f32 to vector<256x128xf32>
    %mul3A_466 = arith.mulf %dot_general3A_463, %mul3A_465 : vector<256x128xf32>
    %reduce_max3A_467 = arith.constant dense<0xFF800000> : vector<256xf32>
    %reduce_max3A_468 = vector.multi_reduction <maximumf>, %mul3A_466, %reduce_max3A_467 [1] : vector<256x128xf32> to vector<256xf32>
    %broadcast_in_dim3A_469 = vector.shape_cast %reduce_max3A_468 : vector<256xf32> to vector<256x1xf32>
    %sub3A_470 = vector.broadcast %broadcast_in_dim3A_469 : vector<256x1xf32> to vector<256x128xf32>
    %sub3A_471 = arith.subf %mul3A_466, %sub3A_470 : vector<256x128xf32>
    %exp3A_472 = math.exp %sub3A_471 : vector<256x128xf32>
    %reduce_sum3A_473 = arith.constant dense<0.000000e+00> : vector<256xf32>
    %reduce_sum3A_474 = vector.multi_reduction <add>, %exp3A_472, %reduce_sum3A_473 [1] : vector<256x128xf32> to vector<256xf32>
    %broadcast_in_dim3A_475 = vector.shape_cast %reduce_sum3A_474 : vector<256xf32> to vector<256x1xf32>
    %div3A_476 = arith.constant 1.000000e+00 : f32
    %div3A_477 = vector.broadcast %div3A_476 : f32 to vector<256x1xf32>
    %div3A_478 = arith.divf %div3A_477, %broadcast_in_dim3A_475 : vector<256x1xf32>
    %mul3A_479 = arith.mulf %logistic3A_371, %div3A_478 : vector<256x1xf32>
    %mul3A_480 = vector.broadcast %mul3A_479 : vector<256x1xf32> to vector<256x64xf32>
    %mul3A_481 = arith.mulf %slice3A_361, %mul3A_480 : vector<256x64xf32>
    %dot_general3A_482 = arith.constant dense<0.000000e+00> : vector<128x64xf32>
    %dot_general3A_483 = tpu.matmul %exp3A_472, %mul3A_481, %dot_general3A_482 {dimension_numbers = #tpu.dot_dimension_numbers<[0], [0], [1], [1], [0, 1, 1, 1], [], []>, transpose_lhs_hint = false} : vector<256x128xf32>, vector<256x64xf32>, vector<128x64xf32> -> vector<128x64xf32>
    %add3A_484 = arith.addf %add3A_337, %dot_general3A_483 : vector<128x64xf32>
    %mul3A_485 = vector.broadcast %mul3A_479 : vector<256x1xf32> to vector<256x64xf32>
    %mul3A_486 = arith.mulf %slice3A_362, %mul3A_485 : vector<256x64xf32>
    %dot_general3A_487 = arith.constant dense<0.000000e+00> : vector<128x64xf32>
    %dot_general3A_488 = tpu.matmul %exp3A_472, %mul3A_486, %dot_general3A_487 {dimension_numbers = #tpu.dot_dimension_numbers<[0], [0], [1], [1], [0, 1, 1, 1], [], []>, transpose_lhs_hint = false} : vector<256x128xf32>, vector<256x64xf32>, vector<128x64xf32> -> vector<128x64xf32>
    %add3A_489 = arith.addf %add3A_342, %dot_general3A_488 : vector<128x64xf32>
    %slice3A_490 = vector.extract_strided_slice %add3A_13 {offsets = [0, 192], sizes = [256, 64], strides = [1, 1]} : vector<256x512xf32> to vector<256x64xf32>
    %get3A_491 = arith.constant 3 : index
    %get3A_492 = arith.constant 0 : index
    %get3A_493 = arith.constant 0 : index
    %get3A_494 = vector.load %arg6[%get3A_491, %get3A_492, %get3A_493] : memref<8x64x322xf32, #tpu.memory_space<vmem>>, vector<1x64x322xf32>
    %get3A_495 = vector.shape_cast %get3A_494 : vector<1x64x322xf32> to vector<64x322xf32>
    %dot_general3A_496 = arith.constant dense<0.000000e+00> : vector<256x322xf32>
    %dot_general3A_497 = tpu.matmul %slice3A_490, %get3A_495, %dot_general3A_496 {dimension_numbers = #tpu.dot_dimension_numbers<[1], [0], [0], [1], [0, 0, 1, 1], [], []>, transpose_lhs_hint = false} : vector<256x64xf32>, vector<64x322xf32>, vector<256x322xf32> -> vector<256x322xf32>
    %slice3A_498 = vector.extract_strided_slice %dot_general3A_497 {offsets = [0, 0], sizes = [256, 64], strides = [1, 1]} : vector<256x322xf32> to vector<256x64xf32>
    %get3A_499 = arith.constant 0 : index
    %get3A_500 = arith.constant 3 : index
    %get3A_501 = arith.constant 0 : index
    %get3A_502 = vector.load %arg7[%get3A_499, %get3A_500, %get3A_501] : memref<1x8x64xf32, #tpu.memory_space<vmem>>, vector<1x1x64xf32>
    %get3A_503 = vector.shape_cast %get3A_502 : vector<1x1x64xf32> to vector<64xf32>
    %broadcast_in_dim3A_504 = vector.shape_cast %get3A_503 : vector<64xf32> to vector<1x64xf32>
    %add3A_505 = vector.broadcast %broadcast_in_dim3A_504 : vector<1x64xf32> to vector<256x64xf32>
    %add3A_506 = arith.addf %slice3A_498, %add3A_505 : vector<256x64xf32>
    %tanh3A_507 = math.tanh %add3A_506 : vector<256x64xf32>
    %slice3A_508 = vector.extract_strided_slice %dot_general3A_497 {offsets = [0, 64], sizes = [256, 64], strides = [1, 1]} : vector<256x322xf32> to vector<256x64xf32>
    %slice3A_509 = vector.extract_strided_slice %dot_general3A_497 {offsets = [0, 128], sizes = [256, 64], strides = [1, 1]} : vector<256x322xf32> to vector<256x64xf32>
    %slice3A_510 = vector.extract_strided_slice %dot_general3A_497 {offsets = [0, 192], sizes = [256, 64], strides = [1, 1]} : vector<256x322xf32> to vector<256x64xf32>
    %slice3A_511 = vector.extract_strided_slice %dot_general3A_497 {offsets = [0, 256], sizes = [256, 64], strides = [1, 1]} : vector<256x322xf32> to vector<256x64xf32>
    %slice3A_512 = vector.extract_strided_slice %dot_general3A_497 {offsets = [0, 320], sizes = [256, 1], strides = [1, 1]} : vector<256x322xf32> to vector<256x1xf32>
    %logistic3A_513 = arith.negf %slice3A_512 : vector<256x1xf32>
    %logistic3A_514 = math.exp %logistic3A_513 : vector<256x1xf32>
    %logistic3A_515 = arith.constant 1.000000e+00 : f32
    %logistic3A_516 = vector.broadcast %logistic3A_515 : f32 to vector<256x1xf32>
    %logistic3A_517 = arith.addf %logistic3A_516, %logistic3A_514 : vector<256x1xf32>
    %logistic3A_518 = arith.divf %logistic3A_516, %logistic3A_517 : vector<256x1xf32>
    %slice3A_519 = vector.extract_strided_slice %dot_general3A_497 {offsets = [0, 321], sizes = [256, 1], strides = [1, 1]} : vector<256x322xf32> to vector<256x1xf32>
    %logistic3A_520 = arith.negf %slice3A_519 : vector<256x1xf32>
    %logistic3A_521 = math.exp %logistic3A_520 : vector<256x1xf32>
    %logistic3A_522 = arith.constant 1.000000e+00 : f32
    %logistic3A_523 = vector.broadcast %logistic3A_522 : f32 to vector<256x1xf32>
    %logistic3A_524 = arith.addf %logistic3A_523, %logistic3A_521 : vector<256x1xf32>
    %logistic3A_525 = arith.divf %logistic3A_523, %logistic3A_524 : vector<256x1xf32>
    %mul3A_526 = arith.mulf %slice3A_510, %slice3A_510 : vector<256x64xf32>
    %reduce_sum3A_527 = arith.constant dense<0.000000e+00> : vector<256xf32>
    %reduce_sum3A_528 = vector.multi_reduction <add>, %mul3A_526, %reduce_sum3A_527 [1] : vector<256x64xf32> to vector<256xf32>
    %broadcast_in_dim3A_529 = vector.shape_cast %reduce_sum3A_528 : vector<256xf32> to vector<256x1xf32>
    %sqrt3A_530 = math.sqrt %broadcast_in_dim3A_529 : vector<256x1xf32>
    %add3A_531 = arith.constant 9.99999997E-7 : f32
    %add3A_532 = vector.broadcast %add3A_531 : f32 to vector<256x1xf32>
    %add3A_533 = arith.addf %sqrt3A_530, %add3A_532 : vector<256x1xf32>
    %mul3A_534 = arith.constant 1.250000e-01 : f32
    %mul3A_535 = vector.broadcast %mul3A_534 : f32 to vector<256x64xf32>
    %mul3A_536 = arith.mulf %slice3A_510, %mul3A_535 : vector<256x64xf32>
    %dot_general3A_537 = arith.constant dense<0.000000e+00> : vector<256x128xf32>
    %dot_general3A_538 = tpu.matmul %mul3A_536, %get3A_18, %dot_general3A_537 {dimension_numbers = #tpu.dot_dimension_numbers<[1], [1], [0], [0], [0, 0, 1, 0], [], []>, transpose_lhs_hint = false} : vector<256x64xf32>, vector<128x64xf32>, vector<256x128xf32> -> vector<256x128xf32>
    %reduce_max3A_539 = arith.constant dense<0xFF800000> : vector<256xf32>
    %reduce_max3A_540 = vector.multi_reduction <maximumf>, %dot_general3A_538, %reduce_max3A_539 [1] : vector<256x128xf32> to vector<256xf32>
    %broadcast_in_dim3A_541 = vector.shape_cast %reduce_max3A_540 : vector<256xf32> to vector<256x1xf32>
    %sub3A_542 = vector.broadcast %broadcast_in_dim3A_541 : vector<256x1xf32> to vector<256x128xf32>
    %sub3A_543 = arith.subf %dot_general3A_538, %sub3A_542 : vector<256x128xf32>
    %exp3A_544 = math.exp %sub3A_543 : vector<256x128xf32>
    %dot_general3A_545 = arith.constant dense<0.000000e+00> : vector<256x65xf32>
    %dot_general3A_546 = tpu.matmul %exp3A_544, %concatenate3A_47, %dot_general3A_545 {dimension_numbers = #tpu.dot_dimension_numbers<[1], [0], [0], [1], [0, 0, 1, 1], [], []>, transpose_lhs_hint = false} : vector<256x128xf32>, vector<128x65xf32>, vector<256x65xf32> -> vector<256x65xf32>
    %slice3A_547 = vector.extract_strided_slice %dot_general3A_546 {offsets = [0, 0], sizes = [256, 64], strides = [1, 1]} : vector<256x65xf32> to vector<256x64xf32>
    %slice3A_548 = vector.extract_strided_slice %dot_general3A_546 {offsets = [0, 64], sizes = [256, 1], strides = [1, 1]} : vector<256x65xf32> to vector<256x1xf32>
    %div3A_549 = arith.constant 1.000000e+00 : f32
    %div3A_550 = vector.broadcast %div3A_549 : f32 to vector<256x1xf32>
    %div3A_551 = arith.divf %div3A_550, %slice3A_548 : vector<256x1xf32>
    %mul3A_552 = vector.broadcast %div3A_551 : vector<256x1xf32> to vector<256x64xf32>
    %mul3A_553 = arith.mulf %slice3A_547, %mul3A_552 : vector<256x64xf32>
    %convert_element_type3A_554 = arith.truncf %mul3A_536 : vector<256x64xf32> to vector<256x64xbf16>
    %dot_general3A_555 = arith.constant dense<0.000000e+00> : vector<256x2048xf32>
    %dot_general3A_556 = tpu.matmul %convert_element_type3A_554, %convert_element_type3A, %dot_general3A_555 {dimension_numbers = #tpu.dot_dimension_numbers<[1], [1], [0], [0], [0, 0, 1, 0], [], []>, transpose_lhs_hint = false} : vector<256x64xbf16>, vector<2048x64xbf16>, vector<256x2048xf32> -> vector<256x2048xf32>
    %convert_element_type3A_557 = arith.truncf %dot_general3A_556 : vector<256x2048xf32> to vector<256x2048xbf16>
    %reduce_max3A_558 = arith.constant dense<0xFF80> : vector<256xbf16>
    %reduce_max3A_559 = vector.multi_reduction <maximumf>, %convert_element_type3A_557, %reduce_max3A_558 [1] : vector<256x2048xbf16> to vector<256xbf16>
    %broadcast_in_dim3A_560 = vector.shape_cast %reduce_max3A_559 : vector<256xbf16> to vector<256x1xbf16>
    %convert_element_type3A_561 = arith.extf %convert_element_type3A_557 : vector<256x2048xbf16> to vector<256x2048xf32>
    %convert_element_type3A_562 = arith.extf %broadcast_in_dim3A_560 : vector<256x1xbf16> to vector<256x1xf32>
    %sub3A_563 = vector.broadcast %convert_element_type3A_562 : vector<256x1xf32> to vector<256x2048xf32>
    %sub3A_564 = arith.subf %convert_element_type3A_561, %sub3A_563 : vector<256x2048xf32>
    %exp3A_565 = math.exp %sub3A_564 : vector<256x2048xf32>
    %convert_element_type3A_566 = arith.truncf %exp3A_565 : vector<256x2048xf32> to vector<256x2048xbf16>
    %dot_general3A_567 = arith.constant dense<0.000000e+00> : vector<256x65xf32>
    %dot_general3A_568 = tpu.matmul %convert_element_type3A_566, %convert_element_type3A_46, %dot_general3A_567 {dimension_numbers = #tpu.dot_dimension_numbers<[1], [0], [0], [1], [0, 0, 1, 1], [], []>, transpose_lhs_hint = false} : vector<256x2048xbf16>, vector<2048x65xbf16>, vector<256x65xf32> -> vector<256x65xf32>
    %slice3A_569 = vector.extract_strided_slice %dot_general3A_568 {offsets = [0, 0], sizes = [256, 64], strides = [1, 1]} : vector<256x65xf32> to vector<256x64xf32>
    %slice3A_570 = vector.extract_strided_slice %dot_general3A_568 {offsets = [0, 64], sizes = [256, 1], strides = [1, 1]} : vector<256x65xf32> to vector<256x1xf32>
    %div3A_571 = arith.constant 1.000000e+00 : f32
    %div3A_572 = vector.broadcast %div3A_571 : f32 to vector<256x1xf32>
    %div3A_573 = arith.divf %div3A_572, %slice3A_570 : vector<256x1xf32>
    %mul3A_574 = vector.broadcast %div3A_573 : vector<256x1xf32> to vector<256x64xf32>
    %mul3A_575 = arith.mulf %slice3A_569, %mul3A_574 : vector<256x64xf32>
    %broadcast_in_dim3A_576 = vector.shape_cast %div3A_42 : vector<2048xf32> to vector<1x2048xf32>
    %convert_element_type3A_577 = arith.extf %convert_element_type3A_557 : vector<256x2048xbf16> to vector<256x2048xf32>
    %mul3A_578 = vector.broadcast %broadcast_in_dim3A_576 : vector<1x2048xf32> to vector<256x2048xf32>
    %mul3A_579 = arith.mulf %convert_element_type3A_577, %mul3A_578 : vector<256x2048xf32>
    %reduce_max3A_580 = arith.constant dense<0xFF800000> : vector<256xf32>
    %reduce_max3A_581 = vector.multi_reduction <maximumf>, %mul3A_579, %reduce_max3A_580 [1] : vector<256x2048xf32> to vector<256xf32>
    %broadcast_in_dim3A_582 = vector.shape_cast %reduce_max3A_581 : vector<256xf32> to vector<256x1xf32>
    %div3A_583 = arith.divf %broadcast_in_dim3A_582, %add3A_533 : vector<256x1xf32>
    %concatenate3A_584 = tpu.concatenate %mul3A_553, %mul3A_575 in 1 : vector<256x64xf32>, vector<256x64xf32> -> vector<256x128xf32>
    %dot_general3A_585 = arith.constant dense<0.000000e+00> : vector<256x64xf32>
    %dot_general3A_586 = tpu.matmul %concatenate3A_584, %get3A_50, %dot_general3A_585 {dimension_numbers = #tpu.dot_dimension_numbers<[1], [0], [0], [1], [0, 0, 1, 1], [], []>, transpose_lhs_hint = false} : vector<256x128xf32>, vector<128x64xf32>, vector<256x64xf32> -> vector<256x64xf32>
    %add3A_587 = arith.addf %tanh3A_507, %dot_general3A_586 : vector<256x64xf32>
    %sub3A_588 = arith.subf %add3A_587, %slice3A_490 : vector<256x64xf32>
    %mul3A_589 = arith.mulf %sub3A_588, %sub3A_588 : vector<256x64xf32>
    %reduce_sum3A_590 = arith.constant dense<0.000000e+00> : vector<256xf32>
    %reduce_sum3A_591 = vector.multi_reduction <add>, %mul3A_589, %reduce_sum3A_590 [1] : vector<256x64xf32> to vector<256xf32>
    %broadcast_in_dim3A_592 = vector.shape_cast %reduce_sum3A_591 : vector<256xf32> to vector<256x1xf32>
    %sqrt3A_593 = math.sqrt %broadcast_in_dim3A_592 : vector<256x1xf32>
    %mul3A_594 = arith.mulf %sqrt3A_593, %logistic3A_525 : vector<256x1xf32>
    %sub3A_595 = arith.constant 1.000000e+00 : f32
    %sub3A_596 = vector.broadcast %sub3A_595 : f32 to vector<256x1xf32>
    %sub3A_597 = arith.subf %sub3A_596, %div3A_583 : vector<256x1xf32>
    %mul3A_598 = arith.mulf %mul3A_594, %sub3A_597 : vector<256x1xf32>
    %mul3A_599 = arith.mulf %slice3A_508, %slice3A_508 : vector<256x64xf32>
    %reduce_sum3A_600 = arith.constant dense<0.000000e+00> : vector<256xf32>
    %reduce_sum3A_601 = vector.multi_reduction <add>, %mul3A_599, %reduce_sum3A_600 [1] : vector<256x64xf32> to vector<256xf32>
    %broadcast_in_dim3A_602 = vector.shape_cast %reduce_sum3A_601 : vector<256xf32> to vector<256x1xf32>
    %sqrt3A_603 = math.sqrt %broadcast_in_dim3A_602 : vector<256x1xf32>
    %add3A_604 = arith.constant 9.99999997E-7 : f32
    %add3A_605 = vector.broadcast %add3A_604 : f32 to vector<256x1xf32>
    %add3A_606 = arith.addf %sqrt3A_603, %add3A_605 : vector<256x1xf32>
    %div3A_607 = vector.broadcast %add3A_606 : vector<256x1xf32> to vector<256x64xf32>
    %div3A_608 = arith.divf %slice3A_508, %div3A_607 : vector<256x64xf32>
    %dot_general3A_609 = arith.constant dense<0.000000e+00> : vector<256x128xf32>
    %dot_general3A_610 = tpu.matmul %div3A_608, %get3A_18, %dot_general3A_609 {dimension_numbers = #tpu.dot_dimension_numbers<[1], [1], [0], [0], [0, 0, 1, 0], [], []>, transpose_lhs_hint = false} : vector<256x64xf32>, vector<128x64xf32>, vector<256x128xf32> -> vector<256x128xf32>
    %mul3A_611 = arith.constant 1.000000e+00 : f32
    %mul3A_612 = vector.broadcast %mul3A_611 : f32 to vector<256x128xf32>
    %mul3A_613 = arith.mulf %dot_general3A_610, %mul3A_612 : vector<256x128xf32>
    %reduce_max3A_614 = arith.constant dense<0xFF800000> : vector<256xf32>
    %reduce_max3A_615 = vector.multi_reduction <maximumf>, %mul3A_613, %reduce_max3A_614 [1] : vector<256x128xf32> to vector<256xf32>
    %broadcast_in_dim3A_616 = vector.shape_cast %reduce_max3A_615 : vector<256xf32> to vector<256x1xf32>
    %sub3A_617 = vector.broadcast %broadcast_in_dim3A_616 : vector<256x1xf32> to vector<256x128xf32>
    %sub3A_618 = arith.subf %mul3A_613, %sub3A_617 : vector<256x128xf32>
    %exp3A_619 = math.exp %sub3A_618 : vector<256x128xf32>
    %reduce_sum3A_620 = arith.constant dense<0.000000e+00> : vector<256xf32>
    %reduce_sum3A_621 = vector.multi_reduction <add>, %exp3A_619, %reduce_sum3A_620 [1] : vector<256x128xf32> to vector<256xf32>
    %broadcast_in_dim3A_622 = vector.shape_cast %reduce_sum3A_621 : vector<256xf32> to vector<256x1xf32>
    %div3A_623 = arith.constant 1.000000e+00 : f32
    %div3A_624 = vector.broadcast %div3A_623 : f32 to vector<256x1xf32>
    %div3A_625 = arith.divf %div3A_624, %broadcast_in_dim3A_622 : vector<256x1xf32>
    %mul3A_626 = arith.mulf %logistic3A_518, %div3A_625 : vector<256x1xf32>
    %mul3A_627 = vector.broadcast %mul3A_626 : vector<256x1xf32> to vector<256x64xf32>
    %mul3A_628 = arith.mulf %slice3A_508, %mul3A_627 : vector<256x64xf32>
    %dot_general3A_629 = arith.constant dense<0.000000e+00> : vector<128x64xf32>
    %dot_general3A_630 = tpu.matmul %exp3A_619, %mul3A_628, %dot_general3A_629 {dimension_numbers = #tpu.dot_dimension_numbers<[0], [0], [1], [1], [0, 1, 1, 1], [], []>, transpose_lhs_hint = false} : vector<256x128xf32>, vector<256x64xf32>, vector<128x64xf32> -> vector<128x64xf32>
    %add3A_631 = arith.addf %add3A_484, %dot_general3A_630 : vector<128x64xf32>
    %mul3A_632 = vector.broadcast %mul3A_626 : vector<256x1xf32> to vector<256x64xf32>
    %mul3A_633 = arith.mulf %slice3A_509, %mul3A_632 : vector<256x64xf32>
    %dot_general3A_634 = arith.constant dense<0.000000e+00> : vector<128x64xf32>
    %dot_general3A_635 = tpu.matmul %exp3A_619, %mul3A_633, %dot_general3A_634 {dimension_numbers = #tpu.dot_dimension_numbers<[0], [0], [1], [1], [0, 1, 1, 1], [], []>, transpose_lhs_hint = false} : vector<256x128xf32>, vector<256x64xf32>, vector<128x64xf32> -> vector<128x64xf32>
    %add3A_636 = arith.addf %add3A_489, %dot_general3A_635 : vector<128x64xf32>
    %slice3A_637 = vector.extract_strided_slice %add3A_13 {offsets = [0, 256], sizes = [256, 64], strides = [1, 1]} : vector<256x512xf32> to vector<256x64xf32>
    %get3A_638 = arith.constant 4 : index
    %get3A_639 = arith.constant 0 : index
    %get3A_640 = arith.constant 0 : index
    %get3A_641 = vector.load %arg6[%get3A_638, %get3A_639, %get3A_640] : memref<8x64x322xf32, #tpu.memory_space<vmem>>, vector<1x64x322xf32>
    %get3A_642 = vector.shape_cast %get3A_641 : vector<1x64x322xf32> to vector<64x322xf32>
    %dot_general3A_643 = arith.constant dense<0.000000e+00> : vector<256x322xf32>
    %dot_general3A_644 = tpu.matmul %slice3A_637, %get3A_642, %dot_general3A_643 {dimension_numbers = #tpu.dot_dimension_numbers<[1], [0], [0], [1], [0, 0, 1, 1], [], []>, transpose_lhs_hint = false} : vector<256x64xf32>, vector<64x322xf32>, vector<256x322xf32> -> vector<256x322xf32>
    %slice3A_645 = vector.extract_strided_slice %dot_general3A_644 {offsets = [0, 0], sizes = [256, 64], strides = [1, 1]} : vector<256x322xf32> to vector<256x64xf32>
    %get3A_646 = arith.constant 0 : index
    %get3A_647 = arith.constant 4 : index
    %get3A_648 = arith.constant 0 : index
    %get3A_649 = vector.load %arg7[%get3A_646, %get3A_647, %get3A_648] : memref<1x8x64xf32, #tpu.memory_space<vmem>>, vector<1x1x64xf32>
    %get3A_650 = vector.shape_cast %get3A_649 : vector<1x1x64xf32> to vector<64xf32>
    %broadcast_in_dim3A_651 = vector.shape_cast %get3A_650 : vector<64xf32> to vector<1x64xf32>
    %add3A_652 = vector.broadcast %broadcast_in_dim3A_651 : vector<1x64xf32> to vector<256x64xf32>
    %add3A_653 = arith.addf %slice3A_645, %add3A_652 : vector<256x64xf32>
    %tanh3A_654 = math.tanh %add3A_653 : vector<256x64xf32>
    %slice3A_655 = vector.extract_strided_slice %dot_general3A_644 {offsets = [0, 64], sizes = [256, 64], strides = [1, 1]} : vector<256x322xf32> to vector<256x64xf32>
    %slice3A_656 = vector.extract_strided_slice %dot_general3A_644 {offsets = [0, 128], sizes = [256, 64], strides = [1, 1]} : vector<256x322xf32> to vector<256x64xf32>
    %slice3A_657 = vector.extract_strided_slice %dot_general3A_644 {offsets = [0, 192], sizes = [256, 64], strides = [1, 1]} : vector<256x322xf32> to vector<256x64xf32>
    %slice3A_658 = vector.extract_strided_slice %dot_general3A_644 {offsets = [0, 256], sizes = [256, 64], strides = [1, 1]} : vector<256x322xf32> to vector<256x64xf32>
    %slice3A_659 = vector.extract_strided_slice %dot_general3A_644 {offsets = [0, 320], sizes = [256, 1], strides = [1, 1]} : vector<256x322xf32> to vector<256x1xf32>
    %logistic3A_660 = arith.negf %slice3A_659 : vector<256x1xf32>
    %logistic3A_661 = math.exp %logistic3A_660 : vector<256x1xf32>
    %logistic3A_662 = arith.constant 1.000000e+00 : f32
    %logistic3A_663 = vector.broadcast %logistic3A_662 : f32 to vector<256x1xf32>
    %logistic3A_664 = arith.addf %logistic3A_663, %logistic3A_661 : vector<256x1xf32>
    %logistic3A_665 = arith.divf %logistic3A_663, %logistic3A_664 : vector<256x1xf32>
    %slice3A_666 = vector.extract_strided_slice %dot_general3A_644 {offsets = [0, 321], sizes = [256, 1], strides = [1, 1]} : vector<256x322xf32> to vector<256x1xf32>
    %logistic3A_667 = arith.negf %slice3A_666 : vector<256x1xf32>
    %logistic3A_668 = math.exp %logistic3A_667 : vector<256x1xf32>
    %logistic3A_669 = arith.constant 1.000000e+00 : f32
    %logistic3A_670 = vector.broadcast %logistic3A_669 : f32 to vector<256x1xf32>
    %logistic3A_671 = arith.addf %logistic3A_670, %logistic3A_668 : vector<256x1xf32>
    %logistic3A_672 = arith.divf %logistic3A_670, %logistic3A_671 : vector<256x1xf32>
    %mul3A_673 = arith.mulf %slice3A_657, %slice3A_657 : vector<256x64xf32>
    %reduce_sum3A_674 = arith.constant dense<0.000000e+00> : vector<256xf32>
    %reduce_sum3A_675 = vector.multi_reduction <add>, %mul3A_673, %reduce_sum3A_674 [1] : vector<256x64xf32> to vector<256xf32>
    %broadcast_in_dim3A_676 = vector.shape_cast %reduce_sum3A_675 : vector<256xf32> to vector<256x1xf32>
    %sqrt3A_677 = math.sqrt %broadcast_in_dim3A_676 : vector<256x1xf32>
    %add3A_678 = arith.constant 9.99999997E-7 : f32
    %add3A_679 = vector.broadcast %add3A_678 : f32 to vector<256x1xf32>
    %add3A_680 = arith.addf %sqrt3A_677, %add3A_679 : vector<256x1xf32>
    %mul3A_681 = arith.constant 1.250000e-01 : f32
    %mul3A_682 = vector.broadcast %mul3A_681 : f32 to vector<256x64xf32>
    %mul3A_683 = arith.mulf %slice3A_657, %mul3A_682 : vector<256x64xf32>
    %dot_general3A_684 = arith.constant dense<0.000000e+00> : vector<256x128xf32>
    %dot_general3A_685 = tpu.matmul %mul3A_683, %get3A_18, %dot_general3A_684 {dimension_numbers = #tpu.dot_dimension_numbers<[1], [1], [0], [0], [0, 0, 1, 0], [], []>, transpose_lhs_hint = false} : vector<256x64xf32>, vector<128x64xf32>, vector<256x128xf32> -> vector<256x128xf32>
    %reduce_max3A_686 = arith.constant dense<0xFF800000> : vector<256xf32>
    %reduce_max3A_687 = vector.multi_reduction <maximumf>, %dot_general3A_685, %reduce_max3A_686 [1] : vector<256x128xf32> to vector<256xf32>
    %broadcast_in_dim3A_688 = vector.shape_cast %reduce_max3A_687 : vector<256xf32> to vector<256x1xf32>
    %sub3A_689 = vector.broadcast %broadcast_in_dim3A_688 : vector<256x1xf32> to vector<256x128xf32>
    %sub3A_690 = arith.subf %dot_general3A_685, %sub3A_689 : vector<256x128xf32>
    %exp3A_691 = math.exp %sub3A_690 : vector<256x128xf32>
    %dot_general3A_692 = arith.constant dense<0.000000e+00> : vector<256x65xf32>
    %dot_general3A_693 = tpu.matmul %exp3A_691, %concatenate3A_47, %dot_general3A_692 {dimension_numbers = #tpu.dot_dimension_numbers<[1], [0], [0], [1], [0, 0, 1, 1], [], []>, transpose_lhs_hint = false} : vector<256x128xf32>, vector<128x65xf32>, vector<256x65xf32> -> vector<256x65xf32>
    %slice3A_694 = vector.extract_strided_slice %dot_general3A_693 {offsets = [0, 0], sizes = [256, 64], strides = [1, 1]} : vector<256x65xf32> to vector<256x64xf32>
    %slice3A_695 = vector.extract_strided_slice %dot_general3A_693 {offsets = [0, 64], sizes = [256, 1], strides = [1, 1]} : vector<256x65xf32> to vector<256x1xf32>
    %div3A_696 = arith.constant 1.000000e+00 : f32
    %div3A_697 = vector.broadcast %div3A_696 : f32 to vector<256x1xf32>
    %div3A_698 = arith.divf %div3A_697, %slice3A_695 : vector<256x1xf32>
    %mul3A_699 = vector.broadcast %div3A_698 : vector<256x1xf32> to vector<256x64xf32>
    %mul3A_700 = arith.mulf %slice3A_694, %mul3A_699 : vector<256x64xf32>
    %convert_element_type3A_701 = arith.truncf %mul3A_683 : vector<256x64xf32> to vector<256x64xbf16>
    %dot_general3A_702 = arith.constant dense<0.000000e+00> : vector<256x2048xf32>
    %dot_general3A_703 = tpu.matmul %convert_element_type3A_701, %convert_element_type3A, %dot_general3A_702 {dimension_numbers = #tpu.dot_dimension_numbers<[1], [1], [0], [0], [0, 0, 1, 0], [], []>, transpose_lhs_hint = false} : vector<256x64xbf16>, vector<2048x64xbf16>, vector<256x2048xf32> -> vector<256x2048xf32>
    %convert_element_type3A_704 = arith.truncf %dot_general3A_703 : vector<256x2048xf32> to vector<256x2048xbf16>
    %reduce_max3A_705 = arith.constant dense<0xFF80> : vector<256xbf16>
    %reduce_max3A_706 = vector.multi_reduction <maximumf>, %convert_element_type3A_704, %reduce_max3A_705 [1] : vector<256x2048xbf16> to vector<256xbf16>
    %broadcast_in_dim3A_707 = vector.shape_cast %reduce_max3A_706 : vector<256xbf16> to vector<256x1xbf16>
    %convert_element_type3A_708 = arith.extf %convert_element_type3A_704 : vector<256x2048xbf16> to vector<256x2048xf32>
    %convert_element_type3A_709 = arith.extf %broadcast_in_dim3A_707 : vector<256x1xbf16> to vector<256x1xf32>
    %sub3A_710 = vector.broadcast %convert_element_type3A_709 : vector<256x1xf32> to vector<256x2048xf32>
    %sub3A_711 = arith.subf %convert_element_type3A_708, %sub3A_710 : vector<256x2048xf32>
    %exp3A_712 = math.exp %sub3A_711 : vector<256x2048xf32>
    %convert_element_type3A_713 = arith.truncf %exp3A_712 : vector<256x2048xf32> to vector<256x2048xbf16>
    %dot_general3A_714 = arith.constant dense<0.000000e+00> : vector<256x65xf32>
    %dot_general3A_715 = tpu.matmul %convert_element_type3A_713, %convert_element_type3A_46, %dot_general3A_714 {dimension_numbers = #tpu.dot_dimension_numbers<[1], [0], [0], [1], [0, 0, 1, 1], [], []>, transpose_lhs_hint = false} : vector<256x2048xbf16>, vector<2048x65xbf16>, vector<256x65xf32> -> vector<256x65xf32>
    %slice3A_716 = vector.extract_strided_slice %dot_general3A_715 {offsets = [0, 0], sizes = [256, 64], strides = [1, 1]} : vector<256x65xf32> to vector<256x64xf32>
    %slice3A_717 = vector.extract_strided_slice %dot_general3A_715 {offsets = [0, 64], sizes = [256, 1], strides = [1, 1]} : vector<256x65xf32> to vector<256x1xf32>
    %div3A_718 = arith.constant 1.000000e+00 : f32
    %div3A_719 = vector.broadcast %div3A_718 : f32 to vector<256x1xf32>
    %div3A_720 = arith.divf %div3A_719, %slice3A_717 : vector<256x1xf32>
    %mul3A_721 = vector.broadcast %div3A_720 : vector<256x1xf32> to vector<256x64xf32>
    %mul3A_722 = arith.mulf %slice3A_716, %mul3A_721 : vector<256x64xf32>
    %broadcast_in_dim3A_723 = vector.shape_cast %div3A_42 : vector<2048xf32> to vector<1x2048xf32>
    %convert_element_type3A_724 = arith.extf %convert_element_type3A_704 : vector<256x2048xbf16> to vector<256x2048xf32>
    %mul3A_725 = vector.broadcast %broadcast_in_dim3A_723 : vector<1x2048xf32> to vector<256x2048xf32>
    %mul3A_726 = arith.mulf %convert_element_type3A_724, %mul3A_725 : vector<256x2048xf32>
    %reduce_max3A_727 = arith.constant dense<0xFF800000> : vector<256xf32>
    %reduce_max3A_728 = vector.multi_reduction <maximumf>, %mul3A_726, %reduce_max3A_727 [1] : vector<256x2048xf32> to vector<256xf32>
    %broadcast_in_dim3A_729 = vector.shape_cast %reduce_max3A_728 : vector<256xf32> to vector<256x1xf32>
    %div3A_730 = arith.divf %broadcast_in_dim3A_729, %add3A_680 : vector<256x1xf32>
    %concatenate3A_731 = tpu.concatenate %mul3A_700, %mul3A_722 in 1 : vector<256x64xf32>, vector<256x64xf32> -> vector<256x128xf32>
    %dot_general3A_732 = arith.constant dense<0.000000e+00> : vector<256x64xf32>
    %dot_general3A_733 = tpu.matmul %concatenate3A_731, %get3A_50, %dot_general3A_732 {dimension_numbers = #tpu.dot_dimension_numbers<[1], [0], [0], [1], [0, 0, 1, 1], [], []>, transpose_lhs_hint = false} : vector<256x128xf32>, vector<128x64xf32>, vector<256x64xf32> -> vector<256x64xf32>
    %add3A_734 = arith.addf %tanh3A_654, %dot_general3A_733 : vector<256x64xf32>
    %sub3A_735 = arith.subf %add3A_734, %slice3A_637 : vector<256x64xf32>
    %mul3A_736 = arith.mulf %sub3A_735, %sub3A_735 : vector<256x64xf32>
    %reduce_sum3A_737 = arith.constant dense<0.000000e+00> : vector<256xf32>
    %reduce_sum3A_738 = vector.multi_reduction <add>, %mul3A_736, %reduce_sum3A_737 [1] : vector<256x64xf32> to vector<256xf32>
    %broadcast_in_dim3A_739 = vector.shape_cast %reduce_sum3A_738 : vector<256xf32> to vector<256x1xf32>
    %sqrt3A_740 = math.sqrt %broadcast_in_dim3A_739 : vector<256x1xf32>
    %mul3A_741 = arith.mulf %sqrt3A_740, %logistic3A_672 : vector<256x1xf32>
    %sub3A_742 = arith.constant 1.000000e+00 : f32
    %sub3A_743 = vector.broadcast %sub3A_742 : f32 to vector<256x1xf32>
    %sub3A_744 = arith.subf %sub3A_743, %div3A_730 : vector<256x1xf32>
    %mul3A_745 = arith.mulf %mul3A_741, %sub3A_744 : vector<256x1xf32>
    %mul3A_746 = arith.mulf %slice3A_655, %slice3A_655 : vector<256x64xf32>
    %reduce_sum3A_747 = arith.constant dense<0.000000e+00> : vector<256xf32>
    %reduce_sum3A_748 = vector.multi_reduction <add>, %mul3A_746, %reduce_sum3A_747 [1] : vector<256x64xf32> to vector<256xf32>
    %broadcast_in_dim3A_749 = vector.shape_cast %reduce_sum3A_748 : vector<256xf32> to vector<256x1xf32>
    %sqrt3A_750 = math.sqrt %broadcast_in_dim3A_749 : vector<256x1xf32>
    %add3A_751 = arith.constant 9.99999997E-7 : f32
    %add3A_752 = vector.broadcast %add3A_751 : f32 to vector<256x1xf32>
    %add3A_753 = arith.addf %sqrt3A_750, %add3A_752 : vector<256x1xf32>
    %div3A_754 = vector.broadcast %add3A_753 : vector<256x1xf32> to vector<256x64xf32>
    %div3A_755 = arith.divf %slice3A_655, %div3A_754 : vector<256x64xf32>
    %dot_general3A_756 = arith.constant dense<0.000000e+00> : vector<256x128xf32>
    %dot_general3A_757 = tpu.matmul %div3A_755, %get3A_18, %dot_general3A_756 {dimension_numbers = #tpu.dot_dimension_numbers<[1], [1], [0], [0], [0, 0, 1, 0], [], []>, transpose_lhs_hint = false} : vector<256x64xf32>, vector<128x64xf32>, vector<256x128xf32> -> vector<256x128xf32>
    %mul3A_758 = arith.constant 1.000000e+00 : f32
    %mul3A_759 = vector.broadcast %mul3A_758 : f32 to vector<256x128xf32>
    %mul3A_760 = arith.mulf %dot_general3A_757, %mul3A_759 : vector<256x128xf32>
    %reduce_max3A_761 = arith.constant dense<0xFF800000> : vector<256xf32>
    %reduce_max3A_762 = vector.multi_reduction <maximumf>, %mul3A_760, %reduce_max3A_761 [1] : vector<256x128xf32> to vector<256xf32>
    %broadcast_in_dim3A_763 = vector.shape_cast %reduce_max3A_762 : vector<256xf32> to vector<256x1xf32>
    %sub3A_764 = vector.broadcast %broadcast_in_dim3A_763 : vector<256x1xf32> to vector<256x128xf32>
    %sub3A_765 = arith.subf %mul3A_760, %sub3A_764 : vector<256x128xf32>
    %exp3A_766 = math.exp %sub3A_765 : vector<256x128xf32>
    %reduce_sum3A_767 = arith.constant dense<0.000000e+00> : vector<256xf32>
    %reduce_sum3A_768 = vector.multi_reduction <add>, %exp3A_766, %reduce_sum3A_767 [1] : vector<256x128xf32> to vector<256xf32>
    %broadcast_in_dim3A_769 = vector.shape_cast %reduce_sum3A_768 : vector<256xf32> to vector<256x1xf32>
    %div3A_770 = arith.constant 1.000000e+00 : f32
    %div3A_771 = vector.broadcast %div3A_770 : f32 to vector<256x1xf32>
    %div3A_772 = arith.divf %div3A_771, %broadcast_in_dim3A_769 : vector<256x1xf32>
    %mul3A_773 = arith.mulf %logistic3A_665, %div3A_772 : vector<256x1xf32>
    %mul3A_774 = vector.broadcast %mul3A_773 : vector<256x1xf32> to vector<256x64xf32>
    %mul3A_775 = arith.mulf %slice3A_655, %mul3A_774 : vector<256x64xf32>
    %dot_general3A_776 = arith.constant dense<0.000000e+00> : vector<128x64xf32>
    %dot_general3A_777 = tpu.matmul %exp3A_766, %mul3A_775, %dot_general3A_776 {dimension_numbers = #tpu.dot_dimension_numbers<[0], [0], [1], [1], [0, 1, 1, 1], [], []>, transpose_lhs_hint = false} : vector<256x128xf32>, vector<256x64xf32>, vector<128x64xf32> -> vector<128x64xf32>
    %add3A_778 = arith.addf %add3A_631, %dot_general3A_777 : vector<128x64xf32>
    %mul3A_779 = vector.broadcast %mul3A_773 : vector<256x1xf32> to vector<256x64xf32>
    %mul3A_780 = arith.mulf %slice3A_656, %mul3A_779 : vector<256x64xf32>
    %dot_general3A_781 = arith.constant dense<0.000000e+00> : vector<128x64xf32>
    %dot_general3A_782 = tpu.matmul %exp3A_766, %mul3A_780, %dot_general3A_781 {dimension_numbers = #tpu.dot_dimension_numbers<[0], [0], [1], [1], [0, 1, 1, 1], [], []>, transpose_lhs_hint = false} : vector<256x128xf32>, vector<256x64xf32>, vector<128x64xf32> -> vector<128x64xf32>
    %add3A_783 = arith.addf %add3A_636, %dot_general3A_782 : vector<128x64xf32>
    %slice3A_784 = vector.extract_strided_slice %add3A_13 {offsets = [0, 320], sizes = [256, 64], strides = [1, 1]} : vector<256x512xf32> to vector<256x64xf32>
    %get3A_785 = arith.constant 5 : index
    %get3A_786 = arith.constant 0 : index
    %get3A_787 = arith.constant 0 : index
    %get3A_788 = vector.load %arg6[%get3A_785, %get3A_786, %get3A_787] : memref<8x64x322xf32, #tpu.memory_space<vmem>>, vector<1x64x322xf32>
    %get3A_789 = vector.shape_cast %get3A_788 : vector<1x64x322xf32> to vector<64x322xf32>
    %dot_general3A_790 = arith.constant dense<0.000000e+00> : vector<256x322xf32>
    %dot_general3A_791 = tpu.matmul %slice3A_784, %get3A_789, %dot_general3A_790 {dimension_numbers = #tpu.dot_dimension_numbers<[1], [0], [0], [1], [0, 0, 1, 1], [], []>, transpose_lhs_hint = false} : vector<256x64xf32>, vector<64x322xf32>, vector<256x322xf32> -> vector<256x322xf32>
    %slice3A_792 = vector.extract_strided_slice %dot_general3A_791 {offsets = [0, 0], sizes = [256, 64], strides = [1, 1]} : vector<256x322xf32> to vector<256x64xf32>
    %get3A_793 = arith.constant 0 : index
    %get3A_794 = arith.constant 5 : index
    %get3A_795 = arith.constant 0 : index
    %get3A_796 = vector.load %arg7[%get3A_793, %get3A_794, %get3A_795] : memref<1x8x64xf32, #tpu.memory_space<vmem>>, vector<1x1x64xf32>
    %get3A_797 = vector.shape_cast %get3A_796 : vector<1x1x64xf32> to vector<64xf32>
    %broadcast_in_dim3A_798 = vector.shape_cast %get3A_797 : vector<64xf32> to vector<1x64xf32>
    %add3A_799 = vector.broadcast %broadcast_in_dim3A_798 : vector<1x64xf32> to vector<256x64xf32>
    %add3A_800 = arith.addf %slice3A_792, %add3A_799 : vector<256x64xf32>
    %tanh3A_801 = math.tanh %add3A_800 : vector<256x64xf32>
    %slice3A_802 = vector.extract_strided_slice %dot_general3A_791 {offsets = [0, 64], sizes = [256, 64], strides = [1, 1]} : vector<256x322xf32> to vector<256x64xf32>
    %slice3A_803 = vector.extract_strided_slice %dot_general3A_791 {offsets = [0, 128], sizes = [256, 64], strides = [1, 1]} : vector<256x322xf32> to vector<256x64xf32>
    %slice3A_804 = vector.extract_strided_slice %dot_general3A_791 {offsets = [0, 192], sizes = [256, 64], strides = [1, 1]} : vector<256x322xf32> to vector<256x64xf32>
    %slice3A_805 = vector.extract_strided_slice %dot_general3A_791 {offsets = [0, 256], sizes = [256, 64], strides = [1, 1]} : vector<256x322xf32> to vector<256x64xf32>
    %slice3A_806 = vector.extract_strided_slice %dot_general3A_791 {offsets = [0, 320], sizes = [256, 1], strides = [1, 1]} : vector<256x322xf32> to vector<256x1xf32>
    %logistic3A_807 = arith.negf %slice3A_806 : vector<256x1xf32>
    %logistic3A_808 = math.exp %logistic3A_807 : vector<256x1xf32>
    %logistic3A_809 = arith.constant 1.000000e+00 : f32
    %logistic3A_810 = vector.broadcast %logistic3A_809 : f32 to vector<256x1xf32>
    %logistic3A_811 = arith.addf %logistic3A_810, %logistic3A_808 : vector<256x1xf32>
    %logistic3A_812 = arith.divf %logistic3A_810, %logistic3A_811 : vector<256x1xf32>
    %slice3A_813 = vector.extract_strided_slice %dot_general3A_791 {offsets = [0, 321], sizes = [256, 1], strides = [1, 1]} : vector<256x322xf32> to vector<256x1xf32>
    %logistic3A_814 = arith.negf %slice3A_813 : vector<256x1xf32>
    %logistic3A_815 = math.exp %logistic3A_814 : vector<256x1xf32>
    %logistic3A_816 = arith.constant 1.000000e+00 : f32
    %logistic3A_817 = vector.broadcast %logistic3A_816 : f32 to vector<256x1xf32>
    %logistic3A_818 = arith.addf %logistic3A_817, %logistic3A_815 : vector<256x1xf32>
    %logistic3A_819 = arith.divf %logistic3A_817, %logistic3A_818 : vector<256x1xf32>
    %mul3A_820 = arith.mulf %slice3A_804, %slice3A_804 : vector<256x64xf32>
    %reduce_sum3A_821 = arith.constant dense<0.000000e+00> : vector<256xf32>
    %reduce_sum3A_822 = vector.multi_reduction <add>, %mul3A_820, %reduce_sum3A_821 [1] : vector<256x64xf32> to vector<256xf32>
    %broadcast_in_dim3A_823 = vector.shape_cast %reduce_sum3A_822 : vector<256xf32> to vector<256x1xf32>
    %sqrt3A_824 = math.sqrt %broadcast_in_dim3A_823 : vector<256x1xf32>
    %add3A_825 = arith.constant 9.99999997E-7 : f32
    %add3A_826 = vector.broadcast %add3A_825 : f32 to vector<256x1xf32>
    %add3A_827 = arith.addf %sqrt3A_824, %add3A_826 : vector<256x1xf32>
    %mul3A_828 = arith.constant 1.250000e-01 : f32
    %mul3A_829 = vector.broadcast %mul3A_828 : f32 to vector<256x64xf32>
    %mul3A_830 = arith.mulf %slice3A_804, %mul3A_829 : vector<256x64xf32>
    %dot_general3A_831 = arith.constant dense<0.000000e+00> : vector<256x128xf32>
    %dot_general3A_832 = tpu.matmul %mul3A_830, %get3A_18, %dot_general3A_831 {dimension_numbers = #tpu.dot_dimension_numbers<[1], [1], [0], [0], [0, 0, 1, 0], [], []>, transpose_lhs_hint = false} : vector<256x64xf32>, vector<128x64xf32>, vector<256x128xf32> -> vector<256x128xf32>
    %reduce_max3A_833 = arith.constant dense<0xFF800000> : vector<256xf32>
    %reduce_max3A_834 = vector.multi_reduction <maximumf>, %dot_general3A_832, %reduce_max3A_833 [1] : vector<256x128xf32> to vector<256xf32>
    %broadcast_in_dim3A_835 = vector.shape_cast %reduce_max3A_834 : vector<256xf32> to vector<256x1xf32>
    %sub3A_836 = vector.broadcast %broadcast_in_dim3A_835 : vector<256x1xf32> to vector<256x128xf32>
    %sub3A_837 = arith.subf %dot_general3A_832, %sub3A_836 : vector<256x128xf32>
    %exp3A_838 = math.exp %sub3A_837 : vector<256x128xf32>
    %dot_general3A_839 = arith.constant dense<0.000000e+00> : vector<256x65xf32>
    %dot_general3A_840 = tpu.matmul %exp3A_838, %concatenate3A_47, %dot_general3A_839 {dimension_numbers = #tpu.dot_dimension_numbers<[1], [0], [0], [1], [0, 0, 1, 1], [], []>, transpose_lhs_hint = false} : vector<256x128xf32>, vector<128x65xf32>, vector<256x65xf32> -> vector<256x65xf32>
    %slice3A_841 = vector.extract_strided_slice %dot_general3A_840 {offsets = [0, 0], sizes = [256, 64], strides = [1, 1]} : vector<256x65xf32> to vector<256x64xf32>
    %slice3A_842 = vector.extract_strided_slice %dot_general3A_840 {offsets = [0, 64], sizes = [256, 1], strides = [1, 1]} : vector<256x65xf32> to vector<256x1xf32>
    %div3A_843 = arith.constant 1.000000e+00 : f32
    %div3A_844 = vector.broadcast %div3A_843 : f32 to vector<256x1xf32>
    %div3A_845 = arith.divf %div3A_844, %slice3A_842 : vector<256x1xf32>
    %mul3A_846 = vector.broadcast %div3A_845 : vector<256x1xf32> to vector<256x64xf32>
    %mul3A_847 = arith.mulf %slice3A_841, %mul3A_846 : vector<256x64xf32>
    %convert_element_type3A_848 = arith.truncf %mul3A_830 : vector<256x64xf32> to vector<256x64xbf16>
    %dot_general3A_849 = arith.constant dense<0.000000e+00> : vector<256x2048xf32>
    %dot_general3A_850 = tpu.matmul %convert_element_type3A_848, %convert_element_type3A, %dot_general3A_849 {dimension_numbers = #tpu.dot_dimension_numbers<[1], [1], [0], [0], [0, 0, 1, 0], [], []>, transpose_lhs_hint = false} : vector<256x64xbf16>, vector<2048x64xbf16>, vector<256x2048xf32> -> vector<256x2048xf32>
    %convert_element_type3A_851 = arith.truncf %dot_general3A_850 : vector<256x2048xf32> to vector<256x2048xbf16>
    %reduce_max3A_852 = arith.constant dense<0xFF80> : vector<256xbf16>
    %reduce_max3A_853 = vector.multi_reduction <maximumf>, %convert_element_type3A_851, %reduce_max3A_852 [1] : vector<256x2048xbf16> to vector<256xbf16>
    %broadcast_in_dim3A_854 = vector.shape_cast %reduce_max3A_853 : vector<256xbf16> to vector<256x1xbf16>
    %convert_element_type3A_855 = arith.extf %convert_element_type3A_851 : vector<256x2048xbf16> to vector<256x2048xf32>
    %convert_element_type3A_856 = arith.extf %broadcast_in_dim3A_854 : vector<256x1xbf16> to vector<256x1xf32>
    %sub3A_857 = vector.broadcast %convert_element_type3A_856 : vector<256x1xf32> to vector<256x2048xf32>
    %sub3A_858 = arith.subf %convert_element_type3A_855, %sub3A_857 : vector<256x2048xf32>
    %exp3A_859 = math.exp %sub3A_858 : vector<256x2048xf32>
    %convert_element_type3A_860 = arith.truncf %exp3A_859 : vector<256x2048xf32> to vector<256x2048xbf16>
    %dot_general3A_861 = arith.constant dense<0.000000e+00> : vector<256x65xf32>
    %dot_general3A_862 = tpu.matmul %convert_element_type3A_860, %convert_element_type3A_46, %dot_general3A_861 {dimension_numbers = #tpu.dot_dimension_numbers<[1], [0], [0], [1], [0, 0, 1, 1], [], []>, transpose_lhs_hint = false} : vector<256x2048xbf16>, vector<2048x65xbf16>, vector<256x65xf32> -> vector<256x65xf32>
    %slice3A_863 = vector.extract_strided_slice %dot_general3A_862 {offsets = [0, 0], sizes = [256, 64], strides = [1, 1]} : vector<256x65xf32> to vector<256x64xf32>
    %slice3A_864 = vector.extract_strided_slice %dot_general3A_862 {offsets = [0, 64], sizes = [256, 1], strides = [1, 1]} : vector<256x65xf32> to vector<256x1xf32>
    %div3A_865 = arith.constant 1.000000e+00 : f32
    %div3A_866 = vector.broadcast %div3A_865 : f32 to vector<256x1xf32>
    %div3A_867 = arith.divf %div3A_866, %slice3A_864 : vector<256x1xf32>
    %mul3A_868 = vector.broadcast %div3A_867 : vector<256x1xf32> to vector<256x64xf32>
    %mul3A_869 = arith.mulf %slice3A_863, %mul3A_868 : vector<256x64xf32>
    %broadcast_in_dim3A_870 = vector.shape_cast %div3A_42 : vector<2048xf32> to vector<1x2048xf32>
    %convert_element_type3A_871 = arith.extf %convert_element_type3A_851 : vector<256x2048xbf16> to vector<256x2048xf32>
    %mul3A_872 = vector.broadcast %broadcast_in_dim3A_870 : vector<1x2048xf32> to vector<256x2048xf32>
    %mul3A_873 = arith.mulf %convert_element_type3A_871, %mul3A_872 : vector<256x2048xf32>
    %reduce_max3A_874 = arith.constant dense<0xFF800000> : vector<256xf32>
    %reduce_max3A_875 = vector.multi_reduction <maximumf>, %mul3A_873, %reduce_max3A_874 [1] : vector<256x2048xf32> to vector<256xf32>
    %broadcast_in_dim3A_876 = vector.shape_cast %reduce_max3A_875 : vector<256xf32> to vector<256x1xf32>
    %div3A_877 = arith.divf %broadcast_in_dim3A_876, %add3A_827 : vector<256x1xf32>
    %concatenate3A_878 = tpu.concatenate %mul3A_847, %mul3A_869 in 1 : vector<256x64xf32>, vector<256x64xf32> -> vector<256x128xf32>
    %dot_general3A_879 = arith.constant dense<0.000000e+00> : vector<256x64xf32>
    %dot_general3A_880 = tpu.matmul %concatenate3A_878, %get3A_50, %dot_general3A_879 {dimension_numbers = #tpu.dot_dimension_numbers<[1], [0], [0], [1], [0, 0, 1, 1], [], []>, transpose_lhs_hint = false} : vector<256x128xf32>, vector<128x64xf32>, vector<256x64xf32> -> vector<256x64xf32>
    %add3A_881 = arith.addf %tanh3A_801, %dot_general3A_880 : vector<256x64xf32>
    %sub3A_882 = arith.subf %add3A_881, %slice3A_784 : vector<256x64xf32>
    %mul3A_883 = arith.mulf %sub3A_882, %sub3A_882 : vector<256x64xf32>
    %reduce_sum3A_884 = arith.constant dense<0.000000e+00> : vector<256xf32>
    %reduce_sum3A_885 = vector.multi_reduction <add>, %mul3A_883, %reduce_sum3A_884 [1] : vector<256x64xf32> to vector<256xf32>
    %broadcast_in_dim3A_886 = vector.shape_cast %reduce_sum3A_885 : vector<256xf32> to vector<256x1xf32>
    %sqrt3A_887 = math.sqrt %broadcast_in_dim3A_886 : vector<256x1xf32>
    %mul3A_888 = arith.mulf %sqrt3A_887, %logistic3A_819 : vector<256x1xf32>
    %sub3A_889 = arith.constant 1.000000e+00 : f32
    %sub3A_890 = vector.broadcast %sub3A_889 : f32 to vector<256x1xf32>
    %sub3A_891 = arith.subf %sub3A_890, %div3A_877 : vector<256x1xf32>
    %mul3A_892 = arith.mulf %mul3A_888, %sub3A_891 : vector<256x1xf32>
    %mul3A_893 = arith.mulf %slice3A_802, %slice3A_802 : vector<256x64xf32>
    %reduce_sum3A_894 = arith.constant dense<0.000000e+00> : vector<256xf32>
    %reduce_sum3A_895 = vector.multi_reduction <add>, %mul3A_893, %reduce_sum3A_894 [1] : vector<256x64xf32> to vector<256xf32>
    %broadcast_in_dim3A_896 = vector.shape_cast %reduce_sum3A_895 : vector<256xf32> to vector<256x1xf32>
    %sqrt3A_897 = math.sqrt %broadcast_in_dim3A_896 : vector<256x1xf32>
    %add3A_898 = arith.constant 9.99999997E-7 : f32
    %add3A_899 = vector.broadcast %add3A_898 : f32 to vector<256x1xf32>
    %add3A_900 = arith.addf %sqrt3A_897, %add3A_899 : vector<256x1xf32>
    %div3A_901 = vector.broadcast %add3A_900 : vector<256x1xf32> to vector<256x64xf32>
    %div3A_902 = arith.divf %slice3A_802, %div3A_901 : vector<256x64xf32>
    %dot_general3A_903 = arith.constant dense<0.000000e+00> : vector<256x128xf32>
    %dot_general3A_904 = tpu.matmul %div3A_902, %get3A_18, %dot_general3A_903 {dimension_numbers = #tpu.dot_dimension_numbers<[1], [1], [0], [0], [0, 0, 1, 0], [], []>, transpose_lhs_hint = false} : vector<256x64xf32>, vector<128x64xf32>, vector<256x128xf32> -> vector<256x128xf32>
    %mul3A_905 = arith.constant 1.000000e+00 : f32
    %mul3A_906 = vector.broadcast %mul3A_905 : f32 to vector<256x128xf32>
    %mul3A_907 = arith.mulf %dot_general3A_904, %mul3A_906 : vector<256x128xf32>
    %reduce_max3A_908 = arith.constant dense<0xFF800000> : vector<256xf32>
    %reduce_max3A_909 = vector.multi_reduction <maximumf>, %mul3A_907, %reduce_max3A_908 [1] : vector<256x128xf32> to vector<256xf32>
    %broadcast_in_dim3A_910 = vector.shape_cast %reduce_max3A_909 : vector<256xf32> to vector<256x1xf32>
    %sub3A_911 = vector.broadcast %broadcast_in_dim3A_910 : vector<256x1xf32> to vector<256x128xf32>
    %sub3A_912 = arith.subf %mul3A_907, %sub3A_911 : vector<256x128xf32>
    %exp3A_913 = math.exp %sub3A_912 : vector<256x128xf32>
    %reduce_sum3A_914 = arith.constant dense<0.000000e+00> : vector<256xf32>
    %reduce_sum3A_915 = vector.multi_reduction <add>, %exp3A_913, %reduce_sum3A_914 [1] : vector<256x128xf32> to vector<256xf32>
    %broadcast_in_dim3A_916 = vector.shape_cast %reduce_sum3A_915 : vector<256xf32> to vector<256x1xf32>
    %div3A_917 = arith.constant 1.000000e+00 : f32
    %div3A_918 = vector.broadcast %div3A_917 : f32 to vector<256x1xf32>
    %div3A_919 = arith.divf %div3A_918, %broadcast_in_dim3A_916 : vector<256x1xf32>
    %mul3A_920 = arith.mulf %logistic3A_812, %div3A_919 : vector<256x1xf32>
    %mul3A_921 = vector.broadcast %mul3A_920 : vector<256x1xf32> to vector<256x64xf32>
    %mul3A_922 = arith.mulf %slice3A_802, %mul3A_921 : vector<256x64xf32>
    %dot_general3A_923 = arith.constant dense<0.000000e+00> : vector<128x64xf32>
    %dot_general3A_924 = tpu.matmul %exp3A_913, %mul3A_922, %dot_general3A_923 {dimension_numbers = #tpu.dot_dimension_numbers<[0], [0], [1], [1], [0, 1, 1, 1], [], []>, transpose_lhs_hint = false} : vector<256x128xf32>, vector<256x64xf32>, vector<128x64xf32> -> vector<128x64xf32>
    %add3A_925 = arith.addf %add3A_778, %dot_general3A_924 : vector<128x64xf32>
    %mul3A_926 = vector.broadcast %mul3A_920 : vector<256x1xf32> to vector<256x64xf32>
    %mul3A_927 = arith.mulf %slice3A_803, %mul3A_926 : vector<256x64xf32>
    %dot_general3A_928 = arith.constant dense<0.000000e+00> : vector<128x64xf32>
    %dot_general3A_929 = tpu.matmul %exp3A_913, %mul3A_927, %dot_general3A_928 {dimension_numbers = #tpu.dot_dimension_numbers<[0], [0], [1], [1], [0, 1, 1, 1], [], []>, transpose_lhs_hint = false} : vector<256x128xf32>, vector<256x64xf32>, vector<128x64xf32> -> vector<128x64xf32>
    %add3A_930 = arith.addf %add3A_783, %dot_general3A_929 : vector<128x64xf32>
    %slice3A_931 = vector.extract_strided_slice %add3A_13 {offsets = [0, 384], sizes = [256, 64], strides = [1, 1]} : vector<256x512xf32> to vector<256x64xf32>
    %get3A_932 = arith.constant 6 : index
    %get3A_933 = arith.constant 0 : index
    %get3A_934 = arith.constant 0 : index
    %get3A_935 = vector.load %arg6[%get3A_932, %get3A_933, %get3A_934] : memref<8x64x322xf32, #tpu.memory_space<vmem>>, vector<1x64x322xf32>
    %get3A_936 = vector.shape_cast %get3A_935 : vector<1x64x322xf32> to vector<64x322xf32>
    %dot_general3A_937 = arith.constant dense<0.000000e+00> : vector<256x322xf32>
    %dot_general3A_938 = tpu.matmul %slice3A_931, %get3A_936, %dot_general3A_937 {dimension_numbers = #tpu.dot_dimension_numbers<[1], [0], [0], [1], [0, 0, 1, 1], [], []>, transpose_lhs_hint = false} : vector<256x64xf32>, vector<64x322xf32>, vector<256x322xf32> -> vector<256x322xf32>
    %slice3A_939 = vector.extract_strided_slice %dot_general3A_938 {offsets = [0, 0], sizes = [256, 64], strides = [1, 1]} : vector<256x322xf32> to vector<256x64xf32>
    %get3A_940 = arith.constant 0 : index
    %get3A_941 = arith.constant 6 : index
    %get3A_942 = arith.constant 0 : index
    %get3A_943 = vector.load %arg7[%get3A_940, %get3A_941, %get3A_942] : memref<1x8x64xf32, #tpu.memory_space<vmem>>, vector<1x1x64xf32>
    %get3A_944 = vector.shape_cast %get3A_943 : vector<1x1x64xf32> to vector<64xf32>
    %broadcast_in_dim3A_945 = vector.shape_cast %get3A_944 : vector<64xf32> to vector<1x64xf32>
    %add3A_946 = vector.broadcast %broadcast_in_dim3A_945 : vector<1x64xf32> to vector<256x64xf32>
    %add3A_947 = arith.addf %slice3A_939, %add3A_946 : vector<256x64xf32>
    %tanh3A_948 = math.tanh %add3A_947 : vector<256x64xf32>
    %slice3A_949 = vector.extract_strided_slice %dot_general3A_938 {offsets = [0, 64], sizes = [256, 64], strides = [1, 1]} : vector<256x322xf32> to vector<256x64xf32>
    %slice3A_950 = vector.extract_strided_slice %dot_general3A_938 {offsets = [0, 128], sizes = [256, 64], strides = [1, 1]} : vector<256x322xf32> to vector<256x64xf32>
    %slice3A_951 = vector.extract_strided_slice %dot_general3A_938 {offsets = [0, 192], sizes = [256, 64], strides = [1, 1]} : vector<256x322xf32> to vector<256x64xf32>
    %slice3A_952 = vector.extract_strided_slice %dot_general3A_938 {offsets = [0, 256], sizes = [256, 64], strides = [1, 1]} : vector<256x322xf32> to vector<256x64xf32>
    %slice3A_953 = vector.extract_strided_slice %dot_general3A_938 {offsets = [0, 320], sizes = [256, 1], strides = [1, 1]} : vector<256x322xf32> to vector<256x1xf32>
    %logistic3A_954 = arith.negf %slice3A_953 : vector<256x1xf32>
    %logistic3A_955 = math.exp %logistic3A_954 : vector<256x1xf32>
    %logistic3A_956 = arith.constant 1.000000e+00 : f32
    %logistic3A_957 = vector.broadcast %logistic3A_956 : f32 to vector<256x1xf32>
    %logistic3A_958 = arith.addf %logistic3A_957, %logistic3A_955 : vector<256x1xf32>
    %logistic3A_959 = arith.divf %logistic3A_957, %logistic3A_958 : vector<256x1xf32>
    %slice3A_960 = vector.extract_strided_slice %dot_general3A_938 {offsets = [0, 321], sizes = [256, 1], strides = [1, 1]} : vector<256x322xf32> to vector<256x1xf32>
    %logistic3A_961 = arith.negf %slice3A_960 : vector<256x1xf32>
    %logistic3A_962 = math.exp %logistic3A_961 : vector<256x1xf32>
    %logistic3A_963 = arith.constant 1.000000e+00 : f32
    %logistic3A_964 = vector.broadcast %logistic3A_963 : f32 to vector<256x1xf32>
    %logistic3A_965 = arith.addf %logistic3A_964, %logistic3A_962 : vector<256x1xf32>
    %logistic3A_966 = arith.divf %logistic3A_964, %logistic3A_965 : vector<256x1xf32>
    %mul3A_967 = arith.mulf %slice3A_951, %slice3A_951 : vector<256x64xf32>
    %reduce_sum3A_968 = arith.constant dense<0.000000e+00> : vector<256xf32>
    %reduce_sum3A_969 = vector.multi_reduction <add>, %mul3A_967, %reduce_sum3A_968 [1] : vector<256x64xf32> to vector<256xf32>
    %broadcast_in_dim3A_970 = vector.shape_cast %reduce_sum3A_969 : vector<256xf32> to vector<256x1xf32>
    %sqrt3A_971 = math.sqrt %broadcast_in_dim3A_970 : vector<256x1xf32>
    %add3A_972 = arith.constant 9.99999997E-7 : f32
    %add3A_973 = vector.broadcast %add3A_972 : f32 to vector<256x1xf32>
    %add3A_974 = arith.addf %sqrt3A_971, %add3A_973 : vector<256x1xf32>
    %mul3A_975 = arith.constant 1.250000e-01 : f32
    %mul3A_976 = vector.broadcast %mul3A_975 : f32 to vector<256x64xf32>
    %mul3A_977 = arith.mulf %slice3A_951, %mul3A_976 : vector<256x64xf32>
    %dot_general3A_978 = arith.constant dense<0.000000e+00> : vector<256x128xf32>
    %dot_general3A_979 = tpu.matmul %mul3A_977, %get3A_18, %dot_general3A_978 {dimension_numbers = #tpu.dot_dimension_numbers<[1], [1], [0], [0], [0, 0, 1, 0], [], []>, transpose_lhs_hint = false} : vector<256x64xf32>, vector<128x64xf32>, vector<256x128xf32> -> vector<256x128xf32>
    %reduce_max3A_980 = arith.constant dense<0xFF800000> : vector<256xf32>
    %reduce_max3A_981 = vector.multi_reduction <maximumf>, %dot_general3A_979, %reduce_max3A_980 [1] : vector<256x128xf32> to vector<256xf32>
    %broadcast_in_dim3A_982 = vector.shape_cast %reduce_max3A_981 : vector<256xf32> to vector<256x1xf32>
    %sub3A_983 = vector.broadcast %broadcast_in_dim3A_982 : vector<256x1xf32> to vector<256x128xf32>
    %sub3A_984 = arith.subf %dot_general3A_979, %sub3A_983 : vector<256x128xf32>
    %exp3A_985 = math.exp %sub3A_984 : vector<256x128xf32>
    %dot_general3A_986 = arith.constant dense<0.000000e+00> : vector<256x65xf32>
    %dot_general3A_987 = tpu.matmul %exp3A_985, %concatenate3A_47, %dot_general3A_986 {dimension_numbers = #tpu.dot_dimension_numbers<[1], [0], [0], [1], [0, 0, 1, 1], [], []>, transpose_lhs_hint = false} : vector<256x128xf32>, vector<128x65xf32>, vector<256x65xf32> -> vector<256x65xf32>
    %slice3A_988 = vector.extract_strided_slice %dot_general3A_987 {offsets = [0, 0], sizes = [256, 64], strides = [1, 1]} : vector<256x65xf32> to vector<256x64xf32>
    %slice3A_989 = vector.extract_strided_slice %dot_general3A_987 {offsets = [0, 64], sizes = [256, 1], strides = [1, 1]} : vector<256x65xf32> to vector<256x1xf32>
    %div3A_990 = arith.constant 1.000000e+00 : f32
    %div3A_991 = vector.broadcast %div3A_990 : f32 to vector<256x1xf32>
    %div3A_992 = arith.divf %div3A_991, %slice3A_989 : vector<256x1xf32>
    %mul3A_993 = vector.broadcast %div3A_992 : vector<256x1xf32> to vector<256x64xf32>
    %mul3A_994 = arith.mulf %slice3A_988, %mul3A_993 : vector<256x64xf32>
    %convert_element_type3A_995 = arith.truncf %mul3A_977 : vector<256x64xf32> to vector<256x64xbf16>
    %dot_general3A_996 = arith.constant dense<0.000000e+00> : vector<256x2048xf32>
    %dot_general3A_997 = tpu.matmul %convert_element_type3A_995, %convert_element_type3A, %dot_general3A_996 {dimension_numbers = #tpu.dot_dimension_numbers<[1], [1], [0], [0], [0, 0, 1, 0], [], []>, transpose_lhs_hint = false} : vector<256x64xbf16>, vector<2048x64xbf16>, vector<256x2048xf32> -> vector<256x2048xf32>
    %convert_element_type3A_998 = arith.truncf %dot_general3A_997 : vector<256x2048xf32> to vector<256x2048xbf16>
    %reduce_max3A_999 = arith.constant dense<0xFF80> : vector<256xbf16>
    %reduce_max3A_1000 = vector.multi_reduction <maximumf>, %convert_element_type3A_998, %reduce_max3A_999 [1] : vector<256x2048xbf16> to vector<256xbf16>
    %broadcast_in_dim3A_1001 = vector.shape_cast %reduce_max3A_1000 : vector<256xbf16> to vector<256x1xbf16>
    %convert_element_type3A_1002 = arith.extf %convert_element_type3A_998 : vector<256x2048xbf16> to vector<256x2048xf32>
    %convert_element_type3A_1003 = arith.extf %broadcast_in_dim3A_1001 : vector<256x1xbf16> to vector<256x1xf32>
    %sub3A_1004 = vector.broadcast %convert_element_type3A_1003 : vector<256x1xf32> to vector<256x2048xf32>
    %sub3A_1005 = arith.subf %convert_element_type3A_1002, %sub3A_1004 : vector<256x2048xf32>
    %exp3A_1006 = math.exp %sub3A_1005 : vector<256x2048xf32>
    %convert_element_type3A_1007 = arith.truncf %exp3A_1006 : vector<256x2048xf32> to vector<256x2048xbf16>
    %dot_general3A_1008 = arith.constant dense<0.000000e+00> : vector<256x65xf32>
    %dot_general3A_1009 = tpu.matmul %convert_element_type3A_1007, %convert_element_type3A_46, %dot_general3A_1008 {dimension_numbers = #tpu.dot_dimension_numbers<[1], [0], [0], [1], [0, 0, 1, 1], [], []>, transpose_lhs_hint = false} : vector<256x2048xbf16>, vector<2048x65xbf16>, vector<256x65xf32> -> vector<256x65xf32>
    %slice3A_1010 = vector.extract_strided_slice %dot_general3A_1009 {offsets = [0, 0], sizes = [256, 64], strides = [1, 1]} : vector<256x65xf32> to vector<256x64xf32>
    %slice3A_1011 = vector.extract_strided_slice %dot_general3A_1009 {offsets = [0, 64], sizes = [256, 1], strides = [1, 1]} : vector<256x65xf32> to vector<256x1xf32>
    %div3A_1012 = arith.constant 1.000000e+00 : f32
    %div3A_1013 = vector.broadcast %div3A_1012 : f32 to vector<256x1xf32>
    %div3A_1014 = arith.divf %div3A_1013, %slice3A_1011 : vector<256x1xf32>
    %mul3A_1015 = vector.broadcast %div3A_1014 : vector<256x1xf32> to vector<256x64xf32>
    %mul3A_1016 = arith.mulf %slice3A_1010, %mul3A_1015 : vector<256x64xf32>
    %broadcast_in_dim3A_1017 = vector.shape_cast %div3A_42 : vector<2048xf32> to vector<1x2048xf32>
    %convert_element_type3A_1018 = arith.extf %convert_element_type3A_998 : vector<256x2048xbf16> to vector<256x2048xf32>
    %mul3A_1019 = vector.broadcast %broadcast_in_dim3A_1017 : vector<1x2048xf32> to vector<256x2048xf32>
    %mul3A_1020 = arith.mulf %convert_element_type3A_1018, %mul3A_1019 : vector<256x2048xf32>
    %reduce_max3A_1021 = arith.constant dense<0xFF800000> : vector<256xf32>
    %reduce_max3A_1022 = vector.multi_reduction <maximumf>, %mul3A_1020, %reduce_max3A_1021 [1] : vector<256x2048xf32> to vector<256xf32>
    %broadcast_in_dim3A_1023 = vector.shape_cast %reduce_max3A_1022 : vector<256xf32> to vector<256x1xf32>
    %div3A_1024 = arith.divf %broadcast_in_dim3A_1023, %add3A_974 : vector<256x1xf32>
    %concatenate3A_1025 = tpu.concatenate %mul3A_994, %mul3A_1016 in 1 : vector<256x64xf32>, vector<256x64xf32> -> vector<256x128xf32>
    %dot_general3A_1026 = arith.constant dense<0.000000e+00> : vector<256x64xf32>
    %dot_general3A_1027 = tpu.matmul %concatenate3A_1025, %get3A_50, %dot_general3A_1026 {dimension_numbers = #tpu.dot_dimension_numbers<[1], [0], [0], [1], [0, 0, 1, 1], [], []>, transpose_lhs_hint = false} : vector<256x128xf32>, vector<128x64xf32>, vector<256x64xf32> -> vector<256x64xf32>
    %add3A_1028 = arith.addf %tanh3A_948, %dot_general3A_1027 : vector<256x64xf32>
    %sub3A_1029 = arith.subf %add3A_1028, %slice3A_931 : vector<256x64xf32>
    %mul3A_1030 = arith.mulf %sub3A_1029, %sub3A_1029 : vector<256x64xf32>
    %reduce_sum3A_1031 = arith.constant dense<0.000000e+00> : vector<256xf32>
    %reduce_sum3A_1032 = vector.multi_reduction <add>, %mul3A_1030, %reduce_sum3A_1031 [1] : vector<256x64xf32> to vector<256xf32>
    %broadcast_in_dim3A_1033 = vector.shape_cast %reduce_sum3A_1032 : vector<256xf32> to vector<256x1xf32>
    %sqrt3A_1034 = math.sqrt %broadcast_in_dim3A_1033 : vector<256x1xf32>
    %mul3A_1035 = arith.mulf %sqrt3A_1034, %logistic3A_966 : vector<256x1xf32>
    %sub3A_1036 = arith.constant 1.000000e+00 : f32
    %sub3A_1037 = vector.broadcast %sub3A_1036 : f32 to vector<256x1xf32>
    %sub3A_1038 = arith.subf %sub3A_1037, %div3A_1024 : vector<256x1xf32>
    %mul3A_1039 = arith.mulf %mul3A_1035, %sub3A_1038 : vector<256x1xf32>
    %mul3A_1040 = arith.mulf %slice3A_949, %slice3A_949 : vector<256x64xf32>
    %reduce_sum3A_1041 = arith.constant dense<0.000000e+00> : vector<256xf32>
    %reduce_sum3A_1042 = vector.multi_reduction <add>, %mul3A_1040, %reduce_sum3A_1041 [1] : vector<256x64xf32> to vector<256xf32>
    %broadcast_in_dim3A_1043 = vector.shape_cast %reduce_sum3A_1042 : vector<256xf32> to vector<256x1xf32>
    %sqrt3A_1044 = math.sqrt %broadcast_in_dim3A_1043 : vector<256x1xf32>
    %add3A_1045 = arith.constant 9.99999997E-7 : f32
    %add3A_1046 = vector.broadcast %add3A_1045 : f32 to vector<256x1xf32>
    %add3A_1047 = arith.addf %sqrt3A_1044, %add3A_1046 : vector<256x1xf32>
    %div3A_1048 = vector.broadcast %add3A_1047 : vector<256x1xf32> to vector<256x64xf32>
    %div3A_1049 = arith.divf %slice3A_949, %div3A_1048 : vector<256x64xf32>
    %dot_general3A_1050 = arith.constant dense<0.000000e+00> : vector<256x128xf32>
    %dot_general3A_1051 = tpu.matmul %div3A_1049, %get3A_18, %dot_general3A_1050 {dimension_numbers = #tpu.dot_dimension_numbers<[1], [1], [0], [0], [0, 0, 1, 0], [], []>, transpose_lhs_hint = false} : vector<256x64xf32>, vector<128x64xf32>, vector<256x128xf32> -> vector<256x128xf32>
    %mul3A_1052 = arith.constant 1.000000e+00 : f32
    %mul3A_1053 = vector.broadcast %mul3A_1052 : f32 to vector<256x128xf32>
    %mul3A_1054 = arith.mulf %dot_general3A_1051, %mul3A_1053 : vector<256x128xf32>
    %reduce_max3A_1055 = arith.constant dense<0xFF800000> : vector<256xf32>
    %reduce_max3A_1056 = vector.multi_reduction <maximumf>, %mul3A_1054, %reduce_max3A_1055 [1] : vector<256x128xf32> to vector<256xf32>
    %broadcast_in_dim3A_1057 = vector.shape_cast %reduce_max3A_1056 : vector<256xf32> to vector<256x1xf32>
    %sub3A_1058 = vector.broadcast %broadcast_in_dim3A_1057 : vector<256x1xf32> to vector<256x128xf32>
    %sub3A_1059 = arith.subf %mul3A_1054, %sub3A_1058 : vector<256x128xf32>
    %exp3A_1060 = math.exp %sub3A_1059 : vector<256x128xf32>
    %reduce_sum3A_1061 = arith.constant dense<0.000000e+00> : vector<256xf32>
    %reduce_sum3A_1062 = vector.multi_reduction <add>, %exp3A_1060, %reduce_sum3A_1061 [1] : vector<256x128xf32> to vector<256xf32>
    %broadcast_in_dim3A_1063 = vector.shape_cast %reduce_sum3A_1062 : vector<256xf32> to vector<256x1xf32>
    %div3A_1064 = arith.constant 1.000000e+00 : f32
    %div3A_1065 = vector.broadcast %div3A_1064 : f32 to vector<256x1xf32>
    %div3A_1066 = arith.divf %div3A_1065, %broadcast_in_dim3A_1063 : vector<256x1xf32>
    %mul3A_1067 = arith.mulf %logistic3A_959, %div3A_1066 : vector<256x1xf32>
    %mul3A_1068 = vector.broadcast %mul3A_1067 : vector<256x1xf32> to vector<256x64xf32>
    %mul3A_1069 = arith.mulf %slice3A_949, %mul3A_1068 : vector<256x64xf32>
    %dot_general3A_1070 = arith.constant dense<0.000000e+00> : vector<128x64xf32>
    %dot_general3A_1071 = tpu.matmul %exp3A_1060, %mul3A_1069, %dot_general3A_1070 {dimension_numbers = #tpu.dot_dimension_numbers<[0], [0], [1], [1], [0, 1, 1, 1], [], []>, transpose_lhs_hint = false} : vector<256x128xf32>, vector<256x64xf32>, vector<128x64xf32> -> vector<128x64xf32>
    %add3A_1072 = arith.addf %add3A_925, %dot_general3A_1071 : vector<128x64xf32>
    %mul3A_1073 = vector.broadcast %mul3A_1067 : vector<256x1xf32> to vector<256x64xf32>
    %mul3A_1074 = arith.mulf %slice3A_950, %mul3A_1073 : vector<256x64xf32>
    %dot_general3A_1075 = arith.constant dense<0.000000e+00> : vector<128x64xf32>
    %dot_general3A_1076 = tpu.matmul %exp3A_1060, %mul3A_1074, %dot_general3A_1075 {dimension_numbers = #tpu.dot_dimension_numbers<[0], [0], [1], [1], [0, 1, 1, 1], [], []>, transpose_lhs_hint = false} : vector<256x128xf32>, vector<256x64xf32>, vector<128x64xf32> -> vector<128x64xf32>
    %add3A_1077 = arith.addf %add3A_930, %dot_general3A_1076 : vector<128x64xf32>
    %slice3A_1078 = vector.extract_strided_slice %add3A_13 {offsets = [0, 448], sizes = [256, 64], strides = [1, 1]} : vector<256x512xf32> to vector<256x64xf32>
    %get3A_1079 = arith.constant 7 : index
    %get3A_1080 = arith.constant 0 : index
    %get3A_1081 = arith.constant 0 : index
    %get3A_1082 = vector.load %arg6[%get3A_1079, %get3A_1080, %get3A_1081] : memref<8x64x322xf32, #tpu.memory_space<vmem>>, vector<1x64x322xf32>
    %get3A_1083 = vector.shape_cast %get3A_1082 : vector<1x64x322xf32> to vector<64x322xf32>
    %dot_general3A_1084 = arith.constant dense<0.000000e+00> : vector<256x322xf32>
    %dot_general3A_1085 = tpu.matmul %slice3A_1078, %get3A_1083, %dot_general3A_1084 {dimension_numbers = #tpu.dot_dimension_numbers<[1], [0], [0], [1], [0, 0, 1, 1], [], []>, transpose_lhs_hint = false} : vector<256x64xf32>, vector<64x322xf32>, vector<256x322xf32> -> vector<256x322xf32>
    %slice3A_1086 = vector.extract_strided_slice %dot_general3A_1085 {offsets = [0, 0], sizes = [256, 64], strides = [1, 1]} : vector<256x322xf32> to vector<256x64xf32>
    %get3A_1087 = arith.constant 0 : index
    %get3A_1088 = arith.constant 7 : index
    %get3A_1089 = arith.constant 0 : index
    %get3A_1090 = vector.load %arg7[%get3A_1087, %get3A_1088, %get3A_1089] : memref<1x8x64xf32, #tpu.memory_space<vmem>>, vector<1x1x64xf32>
    %get3A_1091 = vector.shape_cast %get3A_1090 : vector<1x1x64xf32> to vector<64xf32>
    %broadcast_in_dim3A_1092 = vector.shape_cast %get3A_1091 : vector<64xf32> to vector<1x64xf32>
    %add3A_1093 = vector.broadcast %broadcast_in_dim3A_1092 : vector<1x64xf32> to vector<256x64xf32>
    %add3A_1094 = arith.addf %slice3A_1086, %add3A_1093 : vector<256x64xf32>
    %tanh3A_1095 = math.tanh %add3A_1094 : vector<256x64xf32>
    %slice3A_1096 = vector.extract_strided_slice %dot_general3A_1085 {offsets = [0, 64], sizes = [256, 64], strides = [1, 1]} : vector<256x322xf32> to vector<256x64xf32>
    %slice3A_1097 = vector.extract_strided_slice %dot_general3A_1085 {offsets = [0, 128], sizes = [256, 64], strides = [1, 1]} : vector<256x322xf32> to vector<256x64xf32>
    %slice3A_1098 = vector.extract_strided_slice %dot_general3A_1085 {offsets = [0, 192], sizes = [256, 64], strides = [1, 1]} : vector<256x322xf32> to vector<256x64xf32>
    %slice3A_1099 = vector.extract_strided_slice %dot_general3A_1085 {offsets = [0, 256], sizes = [256, 64], strides = [1, 1]} : vector<256x322xf32> to vector<256x64xf32>
    %slice3A_1100 = vector.extract_strided_slice %dot_general3A_1085 {offsets = [0, 320], sizes = [256, 1], strides = [1, 1]} : vector<256x322xf32> to vector<256x1xf32>
    %logistic3A_1101 = arith.negf %slice3A_1100 : vector<256x1xf32>
    %logistic3A_1102 = math.exp %logistic3A_1101 : vector<256x1xf32>
    %logistic3A_1103 = arith.constant 1.000000e+00 : f32
    %logistic3A_1104 = vector.broadcast %logistic3A_1103 : f32 to vector<256x1xf32>
    %logistic3A_1105 = arith.addf %logistic3A_1104, %logistic3A_1102 : vector<256x1xf32>
    %logistic3A_1106 = arith.divf %logistic3A_1104, %logistic3A_1105 : vector<256x1xf32>
    %slice3A_1107 = vector.extract_strided_slice %dot_general3A_1085 {offsets = [0, 321], sizes = [256, 1], strides = [1, 1]} : vector<256x322xf32> to vector<256x1xf32>
    %logistic3A_1108 = arith.negf %slice3A_1107 : vector<256x1xf32>
    %logistic3A_1109 = math.exp %logistic3A_1108 : vector<256x1xf32>
    %logistic3A_1110 = arith.constant 1.000000e+00 : f32
    %logistic3A_1111 = vector.broadcast %logistic3A_1110 : f32 to vector<256x1xf32>
    %logistic3A_1112 = arith.addf %logistic3A_1111, %logistic3A_1109 : vector<256x1xf32>
    %logistic3A_1113 = arith.divf %logistic3A_1111, %logistic3A_1112 : vector<256x1xf32>
    %mul3A_1114 = arith.mulf %slice3A_1098, %slice3A_1098 : vector<256x64xf32>
    %reduce_sum3A_1115 = arith.constant dense<0.000000e+00> : vector<256xf32>
    %reduce_sum3A_1116 = vector.multi_reduction <add>, %mul3A_1114, %reduce_sum3A_1115 [1] : vector<256x64xf32> to vector<256xf32>
    %broadcast_in_dim3A_1117 = vector.shape_cast %reduce_sum3A_1116 : vector<256xf32> to vector<256x1xf32>
    %sqrt3A_1118 = math.sqrt %broadcast_in_dim3A_1117 : vector<256x1xf32>
    %add3A_1119 = arith.constant 9.99999997E-7 : f32
    %add3A_1120 = vector.broadcast %add3A_1119 : f32 to vector<256x1xf32>
    %add3A_1121 = arith.addf %sqrt3A_1118, %add3A_1120 : vector<256x1xf32>
    %mul3A_1122 = arith.constant 1.250000e-01 : f32
    %mul3A_1123 = vector.broadcast %mul3A_1122 : f32 to vector<256x64xf32>
    %mul3A_1124 = arith.mulf %slice3A_1098, %mul3A_1123 : vector<256x64xf32>
    %dot_general3A_1125 = arith.constant dense<0.000000e+00> : vector<256x128xf32>
    %dot_general3A_1126 = tpu.matmul %mul3A_1124, %get3A_18, %dot_general3A_1125 {dimension_numbers = #tpu.dot_dimension_numbers<[1], [1], [0], [0], [0, 0, 1, 0], [], []>, transpose_lhs_hint = false} : vector<256x64xf32>, vector<128x64xf32>, vector<256x128xf32> -> vector<256x128xf32>
    %reduce_max3A_1127 = arith.constant dense<0xFF800000> : vector<256xf32>
    %reduce_max3A_1128 = vector.multi_reduction <maximumf>, %dot_general3A_1126, %reduce_max3A_1127 [1] : vector<256x128xf32> to vector<256xf32>
    %broadcast_in_dim3A_1129 = vector.shape_cast %reduce_max3A_1128 : vector<256xf32> to vector<256x1xf32>
    %sub3A_1130 = vector.broadcast %broadcast_in_dim3A_1129 : vector<256x1xf32> to vector<256x128xf32>
    %sub3A_1131 = arith.subf %dot_general3A_1126, %sub3A_1130 : vector<256x128xf32>
    %exp3A_1132 = math.exp %sub3A_1131 : vector<256x128xf32>
    %dot_general3A_1133 = arith.constant dense<0.000000e+00> : vector<256x65xf32>
    %dot_general3A_1134 = tpu.matmul %exp3A_1132, %concatenate3A_47, %dot_general3A_1133 {dimension_numbers = #tpu.dot_dimension_numbers<[1], [0], [0], [1], [0, 0, 1, 1], [], []>, transpose_lhs_hint = false} : vector<256x128xf32>, vector<128x65xf32>, vector<256x65xf32> -> vector<256x65xf32>
    %slice3A_1135 = vector.extract_strided_slice %dot_general3A_1134 {offsets = [0, 0], sizes = [256, 64], strides = [1, 1]} : vector<256x65xf32> to vector<256x64xf32>
    %slice3A_1136 = vector.extract_strided_slice %dot_general3A_1134 {offsets = [0, 64], sizes = [256, 1], strides = [1, 1]} : vector<256x65xf32> to vector<256x1xf32>
    %div3A_1137 = arith.constant 1.000000e+00 : f32
    %div3A_1138 = vector.broadcast %div3A_1137 : f32 to vector<256x1xf32>
    %div3A_1139 = arith.divf %div3A_1138, %slice3A_1136 : vector<256x1xf32>
    %mul3A_1140 = vector.broadcast %div3A_1139 : vector<256x1xf32> to vector<256x64xf32>
    %mul3A_1141 = arith.mulf %slice3A_1135, %mul3A_1140 : vector<256x64xf32>
    %convert_element_type3A_1142 = arith.truncf %mul3A_1124 : vector<256x64xf32> to vector<256x64xbf16>
    %dot_general3A_1143 = arith.constant dense<0.000000e+00> : vector<256x2048xf32>
    %dot_general3A_1144 = tpu.matmul %convert_element_type3A_1142, %convert_element_type3A, %dot_general3A_1143 {dimension_numbers = #tpu.dot_dimension_numbers<[1], [1], [0], [0], [0, 0, 1, 0], [], []>, transpose_lhs_hint = false} : vector<256x64xbf16>, vector<2048x64xbf16>, vector<256x2048xf32> -> vector<256x2048xf32>
    %convert_element_type3A_1145 = arith.truncf %dot_general3A_1144 : vector<256x2048xf32> to vector<256x2048xbf16>
    %reduce_max3A_1146 = arith.constant dense<0xFF80> : vector<256xbf16>
    %reduce_max3A_1147 = vector.multi_reduction <maximumf>, %convert_element_type3A_1145, %reduce_max3A_1146 [1] : vector<256x2048xbf16> to vector<256xbf16>
    %broadcast_in_dim3A_1148 = vector.shape_cast %reduce_max3A_1147 : vector<256xbf16> to vector<256x1xbf16>
    %convert_element_type3A_1149 = arith.extf %convert_element_type3A_1145 : vector<256x2048xbf16> to vector<256x2048xf32>
    %convert_element_type3A_1150 = arith.extf %broadcast_in_dim3A_1148 : vector<256x1xbf16> to vector<256x1xf32>
    %sub3A_1151 = vector.broadcast %convert_element_type3A_1150 : vector<256x1xf32> to vector<256x2048xf32>
    %sub3A_1152 = arith.subf %convert_element_type3A_1149, %sub3A_1151 : vector<256x2048xf32>
    %exp3A_1153 = math.exp %sub3A_1152 : vector<256x2048xf32>
    %convert_element_type3A_1154 = arith.truncf %exp3A_1153 : vector<256x2048xf32> to vector<256x2048xbf16>
    %dot_general3A_1155 = arith.constant dense<0.000000e+00> : vector<256x65xf32>
    %dot_general3A_1156 = tpu.matmul %convert_element_type3A_1154, %convert_element_type3A_46, %dot_general3A_1155 {dimension_numbers = #tpu.dot_dimension_numbers<[1], [0], [0], [1], [0, 0, 1, 1], [], []>, transpose_lhs_hint = false} : vector<256x2048xbf16>, vector<2048x65xbf16>, vector<256x65xf32> -> vector<256x65xf32>
    %slice3A_1157 = vector.extract_strided_slice %dot_general3A_1156 {offsets = [0, 0], sizes = [256, 64], strides = [1, 1]} : vector<256x65xf32> to vector<256x64xf32>
    %slice3A_1158 = vector.extract_strided_slice %dot_general3A_1156 {offsets = [0, 64], sizes = [256, 1], strides = [1, 1]} : vector<256x65xf32> to vector<256x1xf32>
    %div3A_1159 = arith.constant 1.000000e+00 : f32
    %div3A_1160 = vector.broadcast %div3A_1159 : f32 to vector<256x1xf32>
    %div3A_1161 = arith.divf %div3A_1160, %slice3A_1158 : vector<256x1xf32>
    %mul3A_1162 = vector.broadcast %div3A_1161 : vector<256x1xf32> to vector<256x64xf32>
    %mul3A_1163 = arith.mulf %slice3A_1157, %mul3A_1162 : vector<256x64xf32>
    %broadcast_in_dim3A_1164 = vector.shape_cast %div3A_42 : vector<2048xf32> to vector<1x2048xf32>
    %convert_element_type3A_1165 = arith.extf %convert_element_type3A_1145 : vector<256x2048xbf16> to vector<256x2048xf32>
    %mul3A_1166 = vector.broadcast %broadcast_in_dim3A_1164 : vector<1x2048xf32> to vector<256x2048xf32>
    %mul3A_1167 = arith.mulf %convert_element_type3A_1165, %mul3A_1166 : vector<256x2048xf32>
    %reduce_max3A_1168 = arith.constant dense<0xFF800000> : vector<256xf32>
    %reduce_max3A_1169 = vector.multi_reduction <maximumf>, %mul3A_1167, %reduce_max3A_1168 [1] : vector<256x2048xf32> to vector<256xf32>
    %broadcast_in_dim3A_1170 = vector.shape_cast %reduce_max3A_1169 : vector<256xf32> to vector<256x1xf32>
    %div3A_1171 = arith.divf %broadcast_in_dim3A_1170, %add3A_1121 : vector<256x1xf32>
    %concatenate3A_1172 = tpu.concatenate %mul3A_1141, %mul3A_1163 in 1 : vector<256x64xf32>, vector<256x64xf32> -> vector<256x128xf32>
    %dot_general3A_1173 = arith.constant dense<0.000000e+00> : vector<256x64xf32>
    %dot_general3A_1174 = tpu.matmul %concatenate3A_1172, %get3A_50, %dot_general3A_1173 {dimension_numbers = #tpu.dot_dimension_numbers<[1], [0], [0], [1], [0, 0, 1, 1], [], []>, transpose_lhs_hint = false} : vector<256x128xf32>, vector<128x64xf32>, vector<256x64xf32> -> vector<256x64xf32>
    %add3A_1175 = arith.addf %tanh3A_1095, %dot_general3A_1174 : vector<256x64xf32>
    %sub3A_1176 = arith.subf %add3A_1175, %slice3A_1078 : vector<256x64xf32>
    %mul3A_1177 = arith.mulf %sub3A_1176, %sub3A_1176 : vector<256x64xf32>
    %reduce_sum3A_1178 = arith.constant dense<0.000000e+00> : vector<256xf32>
    %reduce_sum3A_1179 = vector.multi_reduction <add>, %mul3A_1177, %reduce_sum3A_1178 [1] : vector<256x64xf32> to vector<256xf32>
    %broadcast_in_dim3A_1180 = vector.shape_cast %reduce_sum3A_1179 : vector<256xf32> to vector<256x1xf32>
    %sqrt3A_1181 = math.sqrt %broadcast_in_dim3A_1180 : vector<256x1xf32>
    %mul3A_1182 = arith.mulf %sqrt3A_1181, %logistic3A_1113 : vector<256x1xf32>
    %sub3A_1183 = arith.constant 1.000000e+00 : f32
    %sub3A_1184 = vector.broadcast %sub3A_1183 : f32 to vector<256x1xf32>
    %sub3A_1185 = arith.subf %sub3A_1184, %div3A_1171 : vector<256x1xf32>
    %mul3A_1186 = arith.mulf %mul3A_1182, %sub3A_1185 : vector<256x1xf32>
    %mul3A_1187 = arith.mulf %slice3A_1096, %slice3A_1096 : vector<256x64xf32>
    %reduce_sum3A_1188 = arith.constant dense<0.000000e+00> : vector<256xf32>
    %reduce_sum3A_1189 = vector.multi_reduction <add>, %mul3A_1187, %reduce_sum3A_1188 [1] : vector<256x64xf32> to vector<256xf32>
    %broadcast_in_dim3A_1190 = vector.shape_cast %reduce_sum3A_1189 : vector<256xf32> to vector<256x1xf32>
    %sqrt3A_1191 = math.sqrt %broadcast_in_dim3A_1190 : vector<256x1xf32>
    %add3A_1192 = arith.constant 9.99999997E-7 : f32
    %add3A_1193 = vector.broadcast %add3A_1192 : f32 to vector<256x1xf32>
    %add3A_1194 = arith.addf %sqrt3A_1191, %add3A_1193 : vector<256x1xf32>
    %div3A_1195 = vector.broadcast %add3A_1194 : vector<256x1xf32> to vector<256x64xf32>
    %div3A_1196 = arith.divf %slice3A_1096, %div3A_1195 : vector<256x64xf32>
    %dot_general3A_1197 = arith.constant dense<0.000000e+00> : vector<256x128xf32>
    %dot_general3A_1198 = tpu.matmul %div3A_1196, %get3A_18, %dot_general3A_1197 {dimension_numbers = #tpu.dot_dimension_numbers<[1], [1], [0], [0], [0, 0, 1, 0], [], []>, transpose_lhs_hint = false} : vector<256x64xf32>, vector<128x64xf32>, vector<256x128xf32> -> vector<256x128xf32>
    %mul3A_1199 = arith.constant 1.000000e+00 : f32
    %mul3A_1200 = vector.broadcast %mul3A_1199 : f32 to vector<256x128xf32>
    %mul3A_1201 = arith.mulf %dot_general3A_1198, %mul3A_1200 : vector<256x128xf32>
    %reduce_max3A_1202 = arith.constant dense<0xFF800000> : vector<256xf32>
    %reduce_max3A_1203 = vector.multi_reduction <maximumf>, %mul3A_1201, %reduce_max3A_1202 [1] : vector<256x128xf32> to vector<256xf32>
    %broadcast_in_dim3A_1204 = vector.shape_cast %reduce_max3A_1203 : vector<256xf32> to vector<256x1xf32>
    %sub3A_1205 = vector.broadcast %broadcast_in_dim3A_1204 : vector<256x1xf32> to vector<256x128xf32>
    %sub3A_1206 = arith.subf %mul3A_1201, %sub3A_1205 : vector<256x128xf32>
    %exp3A_1207 = math.exp %sub3A_1206 : vector<256x128xf32>
    %reduce_sum3A_1208 = arith.constant dense<0.000000e+00> : vector<256xf32>
    %reduce_sum3A_1209 = vector.multi_reduction <add>, %exp3A_1207, %reduce_sum3A_1208 [1] : vector<256x128xf32> to vector<256xf32>
    %broadcast_in_dim3A_1210 = vector.shape_cast %reduce_sum3A_1209 : vector<256xf32> to vector<256x1xf32>
    %div3A_1211 = arith.constant 1.000000e+00 : f32
    %div3A_1212 = vector.broadcast %div3A_1211 : f32 to vector<256x1xf32>
    %div3A_1213 = arith.divf %div3A_1212, %broadcast_in_dim3A_1210 : vector<256x1xf32>
    %mul3A_1214 = arith.mulf %logistic3A_1106, %div3A_1213 : vector<256x1xf32>
    %mul3A_1215 = vector.broadcast %mul3A_1214 : vector<256x1xf32> to vector<256x64xf32>
    %mul3A_1216 = arith.mulf %slice3A_1096, %mul3A_1215 : vector<256x64xf32>
    %dot_general3A_1217 = arith.constant dense<0.000000e+00> : vector<128x64xf32>
    %dot_general3A_1218 = tpu.matmul %exp3A_1207, %mul3A_1216, %dot_general3A_1217 {dimension_numbers = #tpu.dot_dimension_numbers<[0], [0], [1], [1], [0, 1, 1, 1], [], []>, transpose_lhs_hint = false} : vector<256x128xf32>, vector<256x64xf32>, vector<128x64xf32> -> vector<128x64xf32>
    %add3A_1219 = arith.addf %add3A_1072, %dot_general3A_1218 : vector<128x64xf32>
    %mul3A_1220 = vector.broadcast %mul3A_1214 : vector<256x1xf32> to vector<256x64xf32>
    %mul3A_1221 = arith.mulf %slice3A_1097, %mul3A_1220 : vector<256x64xf32>
    %dot_general3A_1222 = arith.constant dense<0.000000e+00> : vector<128x64xf32>
    %dot_general3A_1223 = tpu.matmul %exp3A_1207, %mul3A_1221, %dot_general3A_1222 {dimension_numbers = #tpu.dot_dimension_numbers<[0], [0], [1], [1], [0, 1, 1, 1], [], []>, transpose_lhs_hint = false} : vector<256x128xf32>, vector<256x64xf32>, vector<128x64xf32> -> vector<128x64xf32>
    %add3A_1224 = arith.addf %add3A_1077, %dot_general3A_1223 : vector<128x64xf32>
    %mul3A_1225 = arith.mulf %add3A_1219, %add3A_1219 : vector<128x64xf32>
    %reduce_sum3A_1226 = arith.constant dense<0.000000e+00> : vector<128xf32>
    %reduce_sum3A_1227 = vector.multi_reduction <add>, %mul3A_1225, %reduce_sum3A_1226 [1] : vector<128x64xf32> to vector<128xf32>
    %sqrt3A_1228 = math.sqrt %reduce_sum3A_1227 : vector<128xf32>
    %get3A_1229 = arith.constant 0 : index
    %get3A_1230 = arith.constant 0 : index
    %get3A_1231 = vector.load %arg16[%get3A_1229, %get3A_1230] : memref<1x66xf32, #tpu.memory_space<vmem>>, vector<1x66xf32>
    %get3A_1232 = vector.shape_cast %get3A_1231 : vector<1x66xf32> to vector<66xf32>
    %reduce_sum3A_1233 = vector.shape_cast %sqrt3A_1228 : vector<128xf32> to vector<1x128xf32>
    %reduce_sum3A_1234 = arith.constant dense<0.000000e+00> : vector<1xf32>
    %reduce_sum3A_1235 = vector.multi_reduction <add>, %reduce_sum3A_1233, %reduce_sum3A_1234 [1] : vector<1x128xf32> to vector<1xf32>
    %reduce_sum3A_1236 = vector.shape_cast %reduce_sum3A_1235 : vector<1xf32> to vector<1x1xf32>
    %reduce_sum3A_1237 = vector.extract %reduce_sum3A_1236[0, 0] : f32 from vector<1x1xf32>
    %div3A_1238 = arith.constant 1.280000e+02 : f32
    %div3A_1239 = arith.divf %reduce_sum3A_1237, %div3A_1238 : f32
    %slice3A_1240 = vector.extract_strided_slice %get3A_1232 {offsets = [0], sizes = [1], strides = [1]} : vector<66xf32> to vector<1xf32>
    %squeeze3A = vector.extract %slice3A_1240[0] : f32 from vector<1xf32>
    %mul3A_1241 = arith.mulf %div3A_1239, %squeeze3A : f32
    %get3A_1242 = arith.constant 0 : index
    %get3A_1243 = arith.constant 0 : index
    %get3A_1244 = arith.constant 0 : index
    %get3A_1245 = vector.load %arg12[%get3A_1242, %get3A_1243, %get3A_1244] : memref<1x1x128xf32, #tpu.memory_space<vmem>>, vector<1x1x128xf32>
    %get3A_1246 = vector.shape_cast %get3A_1245 : vector<1x1x128xf32> to vector<1x128xf32>
    %reduce_sum3A_1247 = vector.shape_cast %get3A_1246 : vector<1x128xf32> to vector<1x1x128xf32>
    %reduce_sum3A_1248 = arith.constant dense<0.000000e+00> : vector<1xf32>
    %reduce_sum3A_1249 = vector.multi_reduction <add>, %reduce_sum3A_1247, %reduce_sum3A_1248 [1, 2] : vector<1x1x128xf32> to vector<1xf32>
    %reduce_sum3A_1250 = vector.shape_cast %reduce_sum3A_1249 : vector<1xf32> to vector<1x1x1xf32>
    %reduce_sum3A_1251 = vector.extract %reduce_sum3A_1250[0, 0, 0] : f32 from vector<1x1x1xf32>
    %mul3A_1252 = arith.constant 9.900000e-01 : f32
    %mul3A_1253 = arith.mulf %mul3A_1252, %reduce_sum3A_1251 : f32
    %slice3A_1254 = vector.extract_strided_slice %get3A_1232 {offsets = [1], sizes = [1], strides = [1]} : vector<66xf32> to vector<1xf32>
    %squeeze3A_1255 = vector.extract %slice3A_1254[0] : f32 from vector<1xf32>
    %mul3A_1256 = arith.mulf %mul3A_1253, %squeeze3A_1255 : f32
    %add3A_1257 = arith.addf %mul3A_1241, %mul3A_1256 : f32
    %reduce_sum3A_1258 = arith.constant dense<0.000000e+00> : vector<64xf32>
    %reduce_sum3A_1259 = vector.multi_reduction <add>, %add3A_1219, %reduce_sum3A_1258 [0] : vector<128x64xf32> to vector<64xf32>
    %div3A_1260 = arith.constant 1.280000e+02 : f32
    %div3A_1261 = vector.broadcast %div3A_1260 : f32 to vector<64xf32>
    %div3A_1262 = arith.divf %reduce_sum3A_1259, %div3A_1261 : vector<64xf32>
    %slice3A_1263 = vector.extract_strided_slice %get3A_1232 {offsets = [2], sizes = [64], strides = [1]} : vector<66xf32> to vector<64xf32>
    %mul3A_1264 = arith.mulf %div3A_1262, %slice3A_1263 : vector<64xf32>
    %reduce_sum3A_1265 = vector.shape_cast %mul3A_1264 : vector<64xf32> to vector<1x64xf32>
    %reduce_sum3A_1266 = arith.constant dense<0.000000e+00> : vector<1xf32>
    %reduce_sum3A_1267 = vector.multi_reduction <add>, %reduce_sum3A_1265, %reduce_sum3A_1266 [1] : vector<1x64xf32> to vector<1xf32>
    %reduce_sum3A_1268 = vector.shape_cast %reduce_sum3A_1267 : vector<1xf32> to vector<1x1xf32>
    %reduce_sum3A_1269 = vector.extract %reduce_sum3A_1268[0, 0] : f32 from vector<1x1xf32>
    %add3A_1270 = arith.addf %add3A_1257, %reduce_sum3A_1269 : f32
    %logistic3A_1271 = arith.negf %add3A_1270 : f32
    %logistic3A_1272 = math.exp %logistic3A_1271 : f32
    %logistic3A_1273 = arith.constant 1.000000e+00 : f32
    %logistic3A_1274 = arith.addf %logistic3A_1273, %logistic3A_1272 : f32
    %logistic3A_1275 = arith.divf %logistic3A_1273, %logistic3A_1274 : f32
    %mul3A_1276 = vector.broadcast %logistic3A_1275 : f32 to vector<128x64xf32>
    %mul3A_1277 = arith.mulf %mul3A_1276, %add3A_1219 : vector<128x64xf32>
    %add3A_1278 = arith.addf %get3A_18, %mul3A_1277 : vector<128x64xf32>
    %mul3A_1279 = vector.broadcast %logistic3A_1275 : f32 to vector<128x64xf32>
    %mul3A_1280 = arith.mulf %mul3A_1279, %add3A_1224 : vector<128x64xf32>
    %add3A_1281 = arith.addf %get3A_23, %mul3A_1280 : vector<128x64xf32>
    %concatenate3A_1282 = tpu.concatenate %mul3A_157, %mul3A_304, %mul3A_451, %mul3A_598, %mul3A_745, %mul3A_892, %mul3A_1039, %mul3A_1186 in 1 : vector<256x1xf32>, vector<256x1xf32>, vector<256x1xf32>, vector<256x1xf32>, vector<256x1xf32>, vector<256x1xf32>, vector<256x1xf32>, vector<256x1xf32> -> vector<256x8xf32>
    %iota3A = tpu.iota {dimensions = array<i32: 0>} : vector<256x8xi32>
    %iota3A_1283 = tpu.iota {dimensions = array<i32: 1>} : vector<256x8xi32>
    %mul3A_1284 = arith.constant 8 : i32
    %mul3A_1285 = vector.broadcast %mul3A_1284 : i32 to vector<256x8xi32>
    %mul3A_1286 = arith.muli %iota3A, %mul3A_1285 : vector<256x8xi32>
    %add3A_1287 = arith.addi %mul3A_1286, %iota3A_1283 : vector<256x8xi32>
    %iota3A_1288 = tpu.iota {dimensions = array<i32: 0>} : vector<16x1xi32>
    %broadcast_in_dim3A_1289 = arith.constant 0.000000e+00 : f32
    %broadcast_in_dim3A_1290 = vector.broadcast %broadcast_in_dim3A_1289 : f32 to vector<16x64xf32>
    %broadcast_in_dim3A_1291 = arith.constant 0.000000e+00 : f32
    %broadcast_in_dim3A_1292 = vector.broadcast %broadcast_in_dim3A_1291 : f32 to vector<16x1xf32>
    %scan3A = arith.constant 0 : i32
    %scan3A_1293 = arith.constant 16 : i32
    %scan3A_1294 = arith.addi %scan3A, %scan3A_1293 : i32
    %scan3A_1295 = arith.constant 1 : i32
    %scan3A_1296:4 = scf.for %scan3A_1956 = %scan3A to %scan3A_1294 step %scan3A_1295 iter_args(%scan3A_1957 = %concatenate3A_1282, %scan3A_1958 = %broadcast_in_dim3A_1290, %scan3A_1959 = %broadcast_in_dim3A_1290, %scan3A_1960 = %broadcast_in_dim3A_1292) -> (vector<256x8xf32>, vector<16x64xf32>, vector<16x64xf32>, vector<16x1xf32>)  : i32 {
      %reduce_max3A_1961 = vector.shape_cast %scan3A_1957 : vector<256x8xf32> to vector<1x256x8xf32>
      %reduce_max3A_1962 = arith.constant dense<0xFF800000> : vector<1xf32>
      %reduce_max3A_1963 = vector.multi_reduction <maximumf>, %reduce_max3A_1961, %reduce_max3A_1962 [1, 2] : vector<1x256x8xf32> to vector<1xf32>
      %reduce_max3A_1964 = vector.shape_cast %reduce_max3A_1963 : vector<1xf32> to vector<1x1x1xf32>
      %reduce_max3A_1965 = vector.extract %reduce_max3A_1964[0, 0, 0] : f32 from vector<1x1x1xf32>
      %eq3A = vector.broadcast %reduce_max3A_1965 : f32 to vector<256x8xf32>
      %eq3A_1966 = arith.cmpf oeq, %scan3A_1957, %eq3A : vector<256x8xf32>
      %jit3A = arith.constant 2048 : i32
      %broadcast_in_dim3A_1967 = vector.broadcast %jit3A : i32 to vector<256x8xi32>
      %select_n3A = arith.select %eq3A_1966, %add3A_1287, %broadcast_in_dim3A_1967 : vector<256x8xi1>, vector<256x8xi32>
      %reduce_min3A = vector.shape_cast %select_n3A : vector<256x8xi32> to vector<1x256x8xi32>
      %reduce_min3A_1968 = arith.constant dense<2147483647> : vector<1xi32>
      %reduce_min3A_1969 = vector.multi_reduction <minsi>, %reduce_min3A, %reduce_min3A_1968 [1, 2] : vector<1x256x8xi32> to vector<1xi32>
      %reduce_min3A_1970 = vector.shape_cast %reduce_min3A_1969 : vector<1xi32> to vector<1x1x1xi32>
      %reduce_min3A_1971 = vector.extract %reduce_min3A_1970[0, 0, 0] : i32 from vector<1x1x1xi32>
      %eq3A_1972 = vector.broadcast %reduce_min3A_1971 : i32 to vector<256x8xi32>
      %eq3A_1973 = arith.cmpi eq, %add3A_1287, %eq3A_1972 : vector<256x8xi32>
      %convert_element_type3A_1974 = arith.extui %eq3A_1973 : vector<256x8xi1> to vector<256x8xi32>
      %convert_element_type3A_1975 = arith.sitofp %convert_element_type3A_1974 : vector<256x8xi32> to vector<256x8xf32>
      %broadcast_in_dim3A_1976 = arith.constant 0.000000e+00 : f32
      %broadcast_in_dim3A_1977 = vector.broadcast %broadcast_in_dim3A_1976 : f32 to vector<1x64xf32>
      %broadcast_in_dim3A_1978 = arith.constant 0.000000e+00 : f32
      %broadcast_in_dim3A_1979 = vector.broadcast %broadcast_in_dim3A_1978 : f32 to vector<1x64xf32>
      %slice3A_1980 = vector.extract_strided_slice %convert_element_type3A_1975 {offsets = [0, 0], sizes = [256, 1], strides = [1, 1]} : vector<256x8xf32> to vector<256x1xf32>
      %mul3A_1981 = vector.broadcast %slice3A_1980 : vector<256x1xf32> to vector<256x64xf32>
      %mul3A_1982 = arith.mulf %mul3A_1981, %slice3A_73 : vector<256x64xf32>
      %reduce_sum3A_1983 = arith.constant dense<0.000000e+00> : vector<64xf32>
      %reduce_sum3A_1984 = vector.multi_reduction <add>, %mul3A_1982, %reduce_sum3A_1983 [0] : vector<256x64xf32> to vector<64xf32>
      %broadcast_in_dim3A_1985 = vector.shape_cast %reduce_sum3A_1984 : vector<64xf32> to vector<1x64xf32>
      %add3A_1986 = arith.addf %broadcast_in_dim3A_1977, %broadcast_in_dim3A_1985 : vector<1x64xf32>
      %mul3A_1987 = vector.broadcast %slice3A_1980 : vector<256x1xf32> to vector<256x64xf32>
      %mul3A_1988 = arith.mulf %mul3A_1987, %slice3A_74 : vector<256x64xf32>
      %reduce_sum3A_1989 = arith.constant dense<0.000000e+00> : vector<64xf32>
      %reduce_sum3A_1990 = vector.multi_reduction <add>, %mul3A_1988, %reduce_sum3A_1989 [0] : vector<256x64xf32> to vector<64xf32>
      %broadcast_in_dim3A_1991 = vector.shape_cast %reduce_sum3A_1990 : vector<64xf32> to vector<1x64xf32>
      %add3A_1992 = arith.addf %broadcast_in_dim3A_1979, %broadcast_in_dim3A_1991 : vector<1x64xf32>
      %slice3A_1993 = vector.extract_strided_slice %convert_element_type3A_1975 {offsets = [0, 1], sizes = [256, 1], strides = [1, 1]} : vector<256x8xf32> to vector<256x1xf32>
      %mul3A_1994 = vector.broadcast %slice3A_1993 : vector<256x1xf32> to vector<256x64xf32>
      %mul3A_1995 = arith.mulf %mul3A_1994, %slice3A_216 : vector<256x64xf32>
      %reduce_sum3A_1996 = arith.constant dense<0.000000e+00> : vector<64xf32>
      %reduce_sum3A_1997 = vector.multi_reduction <add>, %mul3A_1995, %reduce_sum3A_1996 [0] : vector<256x64xf32> to vector<64xf32>
      %broadcast_in_dim3A_1998 = vector.shape_cast %reduce_sum3A_1997 : vector<64xf32> to vector<1x64xf32>
      %add3A_1999 = arith.addf %add3A_1986, %broadcast_in_dim3A_1998 : vector<1x64xf32>
      %mul3A_2000 = vector.broadcast %slice3A_1993 : vector<256x1xf32> to vector<256x64xf32>
      %mul3A_2001 = arith.mulf %mul3A_2000, %slice3A_217 : vector<256x64xf32>
      %reduce_sum3A_2002 = arith.constant dense<0.000000e+00> : vector<64xf32>
      %reduce_sum3A_2003 = vector.multi_reduction <add>, %mul3A_2001, %reduce_sum3A_2002 [0] : vector<256x64xf32> to vector<64xf32>
      %broadcast_in_dim3A_2004 = vector.shape_cast %reduce_sum3A_2003 : vector<64xf32> to vector<1x64xf32>
      %add3A_2005 = arith.addf %add3A_1992, %broadcast_in_dim3A_2004 : vector<1x64xf32>
      %slice3A_2006 = vector.extract_strided_slice %convert_element_type3A_1975 {offsets = [0, 2], sizes = [256, 1], strides = [1, 1]} : vector<256x8xf32> to vector<256x1xf32>
      %mul3A_2007 = vector.broadcast %slice3A_2006 : vector<256x1xf32> to vector<256x64xf32>
      %mul3A_2008 = arith.mulf %mul3A_2007, %slice3A_363 : vector<256x64xf32>
      %reduce_sum3A_2009 = arith.constant dense<0.000000e+00> : vector<64xf32>
      %reduce_sum3A_2010 = vector.multi_reduction <add>, %mul3A_2008, %reduce_sum3A_2009 [0] : vector<256x64xf32> to vector<64xf32>
      %broadcast_in_dim3A_2011 = vector.shape_cast %reduce_sum3A_2010 : vector<64xf32> to vector<1x64xf32>
      %add3A_2012 = arith.addf %add3A_1999, %broadcast_in_dim3A_2011 : vector<1x64xf32>
      %mul3A_2013 = vector.broadcast %slice3A_2006 : vector<256x1xf32> to vector<256x64xf32>
      %mul3A_2014 = arith.mulf %mul3A_2013, %slice3A_364 : vector<256x64xf32>
      %reduce_sum3A_2015 = arith.constant dense<0.000000e+00> : vector<64xf32>
      %reduce_sum3A_2016 = vector.multi_reduction <add>, %mul3A_2014, %reduce_sum3A_2015 [0] : vector<256x64xf32> to vector<64xf32>
      %broadcast_in_dim3A_2017 = vector.shape_cast %reduce_sum3A_2016 : vector<64xf32> to vector<1x64xf32>
      %add3A_2018 = arith.addf %add3A_2005, %broadcast_in_dim3A_2017 : vector<1x64xf32>
      %slice3A_2019 = vector.extract_strided_slice %convert_element_type3A_1975 {offsets = [0, 3], sizes = [256, 1], strides = [1, 1]} : vector<256x8xf32> to vector<256x1xf32>
      %mul3A_2020 = vector.broadcast %slice3A_2019 : vector<256x1xf32> to vector<256x64xf32>
      %mul3A_2021 = arith.mulf %mul3A_2020, %slice3A_510 : vector<256x64xf32>
      %reduce_sum3A_2022 = arith.constant dense<0.000000e+00> : vector<64xf32>
      %reduce_sum3A_2023 = vector.multi_reduction <add>, %mul3A_2021, %reduce_sum3A_2022 [0] : vector<256x64xf32> to vector<64xf32>
      %broadcast_in_dim3A_2024 = vector.shape_cast %reduce_sum3A_2023 : vector<64xf32> to vector<1x64xf32>
      %add3A_2025 = arith.addf %add3A_2012, %broadcast_in_dim3A_2024 : vector<1x64xf32>
      %mul3A_2026 = vector.broadcast %slice3A_2019 : vector<256x1xf32> to vector<256x64xf32>
      %mul3A_2027 = arith.mulf %mul3A_2026, %slice3A_511 : vector<256x64xf32>
      %reduce_sum3A_2028 = arith.constant dense<0.000000e+00> : vector<64xf32>
      %reduce_sum3A_2029 = vector.multi_reduction <add>, %mul3A_2027, %reduce_sum3A_2028 [0] : vector<256x64xf32> to vector<64xf32>
      %broadcast_in_dim3A_2030 = vector.shape_cast %reduce_sum3A_2029 : vector<64xf32> to vector<1x64xf32>
      %add3A_2031 = arith.addf %add3A_2018, %broadcast_in_dim3A_2030 : vector<1x64xf32>
      %slice3A_2032 = vector.extract_strided_slice %convert_element_type3A_1975 {offsets = [0, 4], sizes = [256, 1], strides = [1, 1]} : vector<256x8xf32> to vector<256x1xf32>
      %mul3A_2033 = vector.broadcast %slice3A_2032 : vector<256x1xf32> to vector<256x64xf32>
      %mul3A_2034 = arith.mulf %mul3A_2033, %slice3A_657 : vector<256x64xf32>
      %reduce_sum3A_2035 = arith.constant dense<0.000000e+00> : vector<64xf32>
      %reduce_sum3A_2036 = vector.multi_reduction <add>, %mul3A_2034, %reduce_sum3A_2035 [0] : vector<256x64xf32> to vector<64xf32>
      %broadcast_in_dim3A_2037 = vector.shape_cast %reduce_sum3A_2036 : vector<64xf32> to vector<1x64xf32>
      %add3A_2038 = arith.addf %add3A_2025, %broadcast_in_dim3A_2037 : vector<1x64xf32>
      %mul3A_2039 = vector.broadcast %slice3A_2032 : vector<256x1xf32> to vector<256x64xf32>
      %mul3A_2040 = arith.mulf %mul3A_2039, %slice3A_658 : vector<256x64xf32>
      %reduce_sum3A_2041 = arith.constant dense<0.000000e+00> : vector<64xf32>
      %reduce_sum3A_2042 = vector.multi_reduction <add>, %mul3A_2040, %reduce_sum3A_2041 [0] : vector<256x64xf32> to vector<64xf32>
      %broadcast_in_dim3A_2043 = vector.shape_cast %reduce_sum3A_2042 : vector<64xf32> to vector<1x64xf32>
      %add3A_2044 = arith.addf %add3A_2031, %broadcast_in_dim3A_2043 : vector<1x64xf32>
      %slice3A_2045 = vector.extract_strided_slice %convert_element_type3A_1975 {offsets = [0, 5], sizes = [256, 1], strides = [1, 1]} : vector<256x8xf32> to vector<256x1xf32>
      %mul3A_2046 = vector.broadcast %slice3A_2045 : vector<256x1xf32> to vector<256x64xf32>
      %mul3A_2047 = arith.mulf %mul3A_2046, %slice3A_804 : vector<256x64xf32>
      %reduce_sum3A_2048 = arith.constant dense<0.000000e+00> : vector<64xf32>
      %reduce_sum3A_2049 = vector.multi_reduction <add>, %mul3A_2047, %reduce_sum3A_2048 [0] : vector<256x64xf32> to vector<64xf32>
      %broadcast_in_dim3A_2050 = vector.shape_cast %reduce_sum3A_2049 : vector<64xf32> to vector<1x64xf32>
      %add3A_2051 = arith.addf %add3A_2038, %broadcast_in_dim3A_2050 : vector<1x64xf32>
      %mul3A_2052 = vector.broadcast %slice3A_2045 : vector<256x1xf32> to vector<256x64xf32>
      %mul3A_2053 = arith.mulf %mul3A_2052, %slice3A_805 : vector<256x64xf32>
      %reduce_sum3A_2054 = arith.constant dense<0.000000e+00> : vector<64xf32>
      %reduce_sum3A_2055 = vector.multi_reduction <add>, %mul3A_2053, %reduce_sum3A_2054 [0] : vector<256x64xf32> to vector<64xf32>
      %broadcast_in_dim3A_2056 = vector.shape_cast %reduce_sum3A_2055 : vector<64xf32> to vector<1x64xf32>
      %add3A_2057 = arith.addf %add3A_2044, %broadcast_in_dim3A_2056 : vector<1x64xf32>
      %slice3A_2058 = vector.extract_strided_slice %convert_element_type3A_1975 {offsets = [0, 6], sizes = [256, 1], strides = [1, 1]} : vector<256x8xf32> to vector<256x1xf32>
      %mul3A_2059 = vector.broadcast %slice3A_2058 : vector<256x1xf32> to vector<256x64xf32>
      %mul3A_2060 = arith.mulf %mul3A_2059, %slice3A_951 : vector<256x64xf32>
      %reduce_sum3A_2061 = arith.constant dense<0.000000e+00> : vector<64xf32>
      %reduce_sum3A_2062 = vector.multi_reduction <add>, %mul3A_2060, %reduce_sum3A_2061 [0] : vector<256x64xf32> to vector<64xf32>
      %broadcast_in_dim3A_2063 = vector.shape_cast %reduce_sum3A_2062 : vector<64xf32> to vector<1x64xf32>
      %add3A_2064 = arith.addf %add3A_2051, %broadcast_in_dim3A_2063 : vector<1x64xf32>
      %mul3A_2065 = vector.broadcast %slice3A_2058 : vector<256x1xf32> to vector<256x64xf32>
      %mul3A_2066 = arith.mulf %mul3A_2065, %slice3A_952 : vector<256x64xf32>
      %reduce_sum3A_2067 = arith.constant dense<0.000000e+00> : vector<64xf32>
      %reduce_sum3A_2068 = vector.multi_reduction <add>, %mul3A_2066, %reduce_sum3A_2067 [0] : vector<256x64xf32> to vector<64xf32>
      %broadcast_in_dim3A_2069 = vector.shape_cast %reduce_sum3A_2068 : vector<64xf32> to vector<1x64xf32>
      %add3A_2070 = arith.addf %add3A_2057, %broadcast_in_dim3A_2069 : vector<1x64xf32>
      %slice3A_2071 = vector.extract_strided_slice %convert_element_type3A_1975 {offsets = [0, 7], sizes = [256, 1], strides = [1, 1]} : vector<256x8xf32> to vector<256x1xf32>
      %mul3A_2072 = vector.broadcast %slice3A_2071 : vector<256x1xf32> to vector<256x64xf32>
      %mul3A_2073 = arith.mulf %mul3A_2072, %slice3A_1098 : vector<256x64xf32>
      %reduce_sum3A_2074 = arith.constant dense<0.000000e+00> : vector<64xf32>
      %reduce_sum3A_2075 = vector.multi_reduction <add>, %mul3A_2073, %reduce_sum3A_2074 [0] : vector<256x64xf32> to vector<64xf32>
      %broadcast_in_dim3A_2076 = vector.shape_cast %reduce_sum3A_2075 : vector<64xf32> to vector<1x64xf32>
      %add3A_2077 = arith.addf %add3A_2064, %broadcast_in_dim3A_2076 : vector<1x64xf32>
      %mul3A_2078 = vector.broadcast %slice3A_2071 : vector<256x1xf32> to vector<256x64xf32>
      %mul3A_2079 = arith.mulf %mul3A_2078, %slice3A_1099 : vector<256x64xf32>
      %reduce_sum3A_2080 = arith.constant dense<0.000000e+00> : vector<64xf32>
      %reduce_sum3A_2081 = vector.multi_reduction <add>, %mul3A_2079, %reduce_sum3A_2080 [0] : vector<256x64xf32> to vector<64xf32>
      %broadcast_in_dim3A_2082 = vector.shape_cast %reduce_sum3A_2081 : vector<64xf32> to vector<1x64xf32>
      %add3A_2083 = arith.addf %add3A_2070, %broadcast_in_dim3A_2082 : vector<1x64xf32>
      %eq3A_2084 = vector.broadcast %scan3A_1956 : i32 to vector<16x1xi32>
      %eq3A_2085 = arith.cmpi eq, %iota3A_1288, %eq3A_2084 : vector<16x1xi32>
      %convert_element_type3A_2086 = arith.extui %eq3A_2085 : vector<16x1xi1> to vector<16x1xi32>
      %convert_element_type3A_2087 = arith.sitofp %convert_element_type3A_2086 : vector<16x1xi32> to vector<16x1xf32>
      %mul3A_2088 = vector.broadcast %convert_element_type3A_2087 : vector<16x1xf32> to vector<16x64xf32>
      %mul3A_2089 = vector.broadcast %add3A_2077 : vector<1x64xf32> to vector<16x64xf32>
      %mul3A_2090 = arith.mulf %mul3A_2088, %mul3A_2089 : vector<16x64xf32>
      %add3A_2091 = arith.addf %scan3A_1958, %mul3A_2090 : vector<16x64xf32>
      %mul3A_2092 = vector.broadcast %convert_element_type3A_2087 : vector<16x1xf32> to vector<16x64xf32>
      %mul3A_2093 = vector.broadcast %add3A_2083 : vector<1x64xf32> to vector<16x64xf32>
      %mul3A_2094 = arith.mulf %mul3A_2092, %mul3A_2093 : vector<16x64xf32>
      %add3A_2095 = arith.addf %scan3A_1959, %mul3A_2094 : vector<16x64xf32>
      %mul3A_2096 = vector.broadcast %reduce_max3A_1965 : f32 to vector<16x1xf32>
      %mul3A_2097 = arith.mulf %convert_element_type3A_2087, %mul3A_2096 : vector<16x1xf32>
      %add3A_2098 = arith.addf %scan3A_1960, %mul3A_2097 : vector<16x1xf32>
      %eq3A_2099 = vector.broadcast %reduce_min3A_1971 : i32 to vector<256x8xi32>
      %eq3A_2100 = arith.cmpi eq, %add3A_1287, %eq3A_2099 : vector<256x8xi32>
      %jit3A_2101 = arith.constant 0xFF800000 : f32
      %broadcast_in_dim3A_2102 = vector.broadcast %jit3A_2101 : f32 to vector<256x8xf32>
      %select_n3A_2103 = arith.select %eq3A_2100, %broadcast_in_dim3A_2102, %scan3A_1957 : vector<256x8xi1>, vector<256x8xf32>
      scf.yield %select_n3A_2103, %add3A_2091, %add3A_2095, %add3A_2098 : vector<256x8xf32>, vector<16x64xf32>, vector<16x64xf32>, vector<16x1xf32>
    }
    %scan3A_1297 = arith.constant 16 : i32
    %get3A_1298 = arith.constant 0 : index
    %get3A_1299 = arith.constant 0 : index
    %get3A_1300 = arith.constant 0 : index
    %get3A_1301 = vector.load %arg15[%get3A_1298, %get3A_1299, %get3A_1300] : memref<1x1x2048xf32, #tpu.memory_space<vmem>>, vector<1x1x2048xf32>
    %get3A_1302 = vector.shape_cast %get3A_1301 : vector<1x1x2048xf32> to vector<1x2048xf32>
    %neg3A = arith.constant 0.000000e+00 : f32
    %neg3A_1303 = vector.broadcast %neg3A : f32 to vector<1x2048xf32>
    %neg3A_1304 = arith.subf %neg3A_1303, %get3A_1302 : vector<1x2048xf32>
    %iota3A_1305 = tpu.iota {dimensions = array<i32: 1>} : vector<1x2048xi32>
    %iota3A_1306 = tpu.iota {dimensions = array<i32: 0>} : vector<16x1xi32>
    %broadcast_in_dim3A_1307 = arith.constant 0.000000e+00 : f32
    %broadcast_in_dim3A_1308 = vector.broadcast %broadcast_in_dim3A_1307 : f32 to vector<16x2048xf32>
    %scan3A_1309 = arith.constant 0 : i32
    %scan3A_1310 = arith.constant 16 : i32
    %scan3A_1311 = arith.addi %scan3A_1309, %scan3A_1310 : i32
    %scan3A_1312 = arith.constant 1 : i32
    %scan3A_1313:2 = scf.for %scan3A_1956 = %scan3A_1309 to %scan3A_1311 step %scan3A_1312 iter_args(%scan3A_1957 = %neg3A_1304, %scan3A_1958 = %broadcast_in_dim3A_1308) -> (vector<1x2048xf32>, vector<16x2048xf32>)  : i32 {
      %reduce_max3A_1959 = vector.shape_cast %scan3A_1957 : vector<1x2048xf32> to vector<1x1x2048xf32>
      %reduce_max3A_1960 = arith.constant dense<0xFF800000> : vector<1xf32>
      %reduce_max3A_1961 = vector.multi_reduction <maximumf>, %reduce_max3A_1959, %reduce_max3A_1960 [1, 2] : vector<1x1x2048xf32> to vector<1xf32>
      %reduce_max3A_1962 = vector.shape_cast %reduce_max3A_1961 : vector<1xf32> to vector<1x1x1xf32>
      %reduce_max3A_1963 = vector.extract %reduce_max3A_1962[0, 0, 0] : f32 from vector<1x1x1xf32>
      %eq3A = vector.broadcast %reduce_max3A_1963 : f32 to vector<1x2048xf32>
      %eq3A_1964 = arith.cmpf oeq, %scan3A_1957, %eq3A : vector<1x2048xf32>
      %jit3A = arith.constant 2048 : i32
      %broadcast_in_dim3A_1965 = vector.broadcast %jit3A : i32 to vector<1x2048xi32>
      %select_n3A = arith.select %eq3A_1964, %iota3A_1305, %broadcast_in_dim3A_1965 : vector<1x2048xi1>, vector<1x2048xi32>
      %reduce_min3A = vector.shape_cast %select_n3A : vector<1x2048xi32> to vector<1x1x2048xi32>
      %reduce_min3A_1966 = arith.constant dense<2147483647> : vector<1xi32>
      %reduce_min3A_1967 = vector.multi_reduction <minsi>, %reduce_min3A, %reduce_min3A_1966 [1, 2] : vector<1x1x2048xi32> to vector<1xi32>
      %reduce_min3A_1968 = vector.shape_cast %reduce_min3A_1967 : vector<1xi32> to vector<1x1x1xi32>
      %reduce_min3A_1969 = vector.extract %reduce_min3A_1968[0, 0, 0] : i32 from vector<1x1x1xi32>
      %eq3A_1970 = vector.broadcast %reduce_min3A_1969 : i32 to vector<1x2048xi32>
      %eq3A_1971 = arith.cmpi eq, %iota3A_1305, %eq3A_1970 : vector<1x2048xi32>
      %convert_element_type3A_1972 = arith.extui %eq3A_1971 : vector<1x2048xi1> to vector<1x2048xi32>
      %convert_element_type3A_1973 = arith.sitofp %convert_element_type3A_1972 : vector<1x2048xi32> to vector<1x2048xf32>
      %eq3A_1974 = vector.broadcast %scan3A_1956 : i32 to vector<16x1xi32>
      %eq3A_1975 = arith.cmpi eq, %iota3A_1306, %eq3A_1974 : vector<16x1xi32>
      %convert_element_type3A_1976 = arith.extui %eq3A_1975 : vector<16x1xi1> to vector<16x1xi32>
      %convert_element_type3A_1977 = arith.sitofp %convert_element_type3A_1976 : vector<16x1xi32> to vector<16x1xf32>
      %mul3A_1978 = vector.broadcast %convert_element_type3A_1977 : vector<16x1xf32> to vector<16x2048xf32>
      %mul3A_1979 = vector.broadcast %convert_element_type3A_1973 : vector<1x2048xf32> to vector<16x2048xf32>
      %mul3A_1980 = arith.mulf %mul3A_1978, %mul3A_1979 : vector<16x2048xf32>
      %add3A_1981 = arith.addf %scan3A_1958, %mul3A_1980 : vector<16x2048xf32>
      %eq3A_1982 = vector.broadcast %reduce_min3A_1969 : i32 to vector<1x2048xi32>
      %eq3A_1983 = arith.cmpi eq, %iota3A_1305, %eq3A_1982 : vector<1x2048xi32>
      %jit3A_1984 = arith.constant 0xFF800000 : f32
      %broadcast_in_dim3A_1985 = vector.broadcast %jit3A_1984 : f32 to vector<1x2048xf32>
      %select_n3A_1986 = arith.select %eq3A_1983, %broadcast_in_dim3A_1985, %scan3A_1957 : vector<1x2048xi1>, vector<1x2048xf32>
      scf.yield %select_n3A_1986, %add3A_1981 : vector<1x2048xf32>, vector<16x2048xf32>
    }
    %scan3A_1314 = arith.constant 16 : i32
    %dot_general3A_1315 = arith.constant dense<0.000000e+00> : vector<16x64xf32>
    %dot_general3A_1316 = tpu.matmul %scan3A_1313#1, %get3A_28, %dot_general3A_1315 {dimension_numbers = #tpu.dot_dimension_numbers<[1], [0], [0], [1], [0, 0, 1, 1], [], []>, transpose_lhs_hint = false} : vector<16x2048xf32>, vector<2048x64xf32>, vector<16x64xf32> -> vector<16x64xf32>
    %dot_general3A_1317 = arith.constant dense<0.000000e+00> : vector<16x64xf32>
    %dot_general3A_1318 = tpu.matmul %scan3A_1313#1, %get3A_33, %dot_general3A_1317 {dimension_numbers = #tpu.dot_dimension_numbers<[1], [0], [0], [1], [0, 0, 1, 1], [], []>, transpose_lhs_hint = false} : vector<16x2048xf32>, vector<2048x64xf32>, vector<16x64xf32> -> vector<16x64xf32>
    %get3A_1319 = arith.constant 0 : index
    %get3A_1320 = arith.constant 0 : index
    %get3A_1321 = vector.load %arg17[%get3A_1319, %get3A_1320] : memref<1x66xf32, #tpu.memory_space<vmem>>, vector<1x66xf32>
    %get3A_1322 = vector.shape_cast %get3A_1321 : vector<1x66xf32> to vector<66xf32>
    %reduce_sum3A_1323 = vector.shape_cast %scan3A_1296#3 : vector<16x1xf32> to vector<1x16x1xf32>
    %reduce_sum3A_1324 = arith.constant dense<0.000000e+00> : vector<1xf32>
    %reduce_sum3A_1325 = vector.multi_reduction <add>, %reduce_sum3A_1323, %reduce_sum3A_1324 [1, 2] : vector<1x16x1xf32> to vector<1xf32>
    %reduce_sum3A_1326 = vector.shape_cast %reduce_sum3A_1325 : vector<1xf32> to vector<1x1x1xf32>
    %reduce_sum3A_1327 = vector.extract %reduce_sum3A_1326[0, 0, 0] : f32 from vector<1x1x1xf32>
    %div3A_1328 = arith.constant 1.600000e+01 : f32
    %div3A_1329 = arith.divf %reduce_sum3A_1327, %div3A_1328 : f32
    %slice3A_1330 = vector.extract_strided_slice %get3A_1322 {offsets = [0], sizes = [1], strides = [1]} : vector<66xf32> to vector<1xf32>
    %squeeze3A_1331 = vector.extract %slice3A_1330[0] : f32 from vector<1xf32>
    %mul3A_1332 = arith.mulf %div3A_1329, %squeeze3A_1331 : f32
    %reduce_sum3A_1333 = vector.shape_cast %get3A_1302 : vector<1x2048xf32> to vector<1x1x2048xf32>
    %reduce_sum3A_1334 = arith.constant dense<0.000000e+00> : vector<1xf32>
    %reduce_sum3A_1335 = vector.multi_reduction <add>, %reduce_sum3A_1333, %reduce_sum3A_1334 [1, 2] : vector<1x1x2048xf32> to vector<1xf32>
    %reduce_sum3A_1336 = vector.shape_cast %reduce_sum3A_1335 : vector<1xf32> to vector<1x1x1xf32>
    %reduce_sum3A_1337 = vector.extract %reduce_sum3A_1336[0, 0, 0] : f32 from vector<1x1x1xf32>
    %slice3A_1338 = vector.extract_strided_slice %get3A_1322 {offsets = [1], sizes = [1], strides = [1]} : vector<66xf32> to vector<1xf32>
    %squeeze3A_1339 = vector.extract %slice3A_1338[0] : f32 from vector<1xf32>
    %mul3A_1340 = arith.mulf %reduce_sum3A_1337, %squeeze3A_1339 : f32
    %add3A_1341 = arith.addf %mul3A_1332, %mul3A_1340 : f32
    %reduce_sum3A_1342 = arith.constant dense<0.000000e+00> : vector<64xf32>
    %reduce_sum3A_1343 = vector.multi_reduction <add>, %scan3A_1296#1, %reduce_sum3A_1342 [0] : vector<16x64xf32> to vector<64xf32>
    %div3A_1344 = arith.constant 1.600000e+01 : f32
    %div3A_1345 = vector.broadcast %div3A_1344 : f32 to vector<64xf32>
    %div3A_1346 = arith.divf %reduce_sum3A_1343, %div3A_1345 : vector<64xf32>
    %slice3A_1347 = vector.extract_strided_slice %get3A_1322 {offsets = [2], sizes = [64], strides = [1]} : vector<66xf32> to vector<64xf32>
    %mul3A_1348 = arith.mulf %div3A_1346, %slice3A_1347 : vector<64xf32>
    %reduce_sum3A_1349 = vector.shape_cast %mul3A_1348 : vector<64xf32> to vector<1x64xf32>
    %reduce_sum3A_1350 = arith.constant dense<0.000000e+00> : vector<1xf32>
    %reduce_sum3A_1351 = vector.multi_reduction <add>, %reduce_sum3A_1349, %reduce_sum3A_1350 [1] : vector<1x64xf32> to vector<1xf32>
    %reduce_sum3A_1352 = vector.shape_cast %reduce_sum3A_1351 : vector<1xf32> to vector<1x1xf32>
    %reduce_sum3A_1353 = vector.extract %reduce_sum3A_1352[0, 0] : f32 from vector<1x1xf32>
    %add3A_1354 = arith.addf %add3A_1341, %reduce_sum3A_1353 : f32
    %logistic3A_1355 = arith.negf %add3A_1354 : f32
    %logistic3A_1356 = math.exp %logistic3A_1355 : f32
    %logistic3A_1357 = arith.constant 1.000000e+00 : f32
    %logistic3A_1358 = arith.addf %logistic3A_1357, %logistic3A_1356 : f32
    %logistic3A_1359 = arith.divf %logistic3A_1357, %logistic3A_1358 : f32
    %sub3A_1360 = arith.subf %scan3A_1296#1, %dot_general3A_1316 : vector<16x64xf32>
    %mul3A_1361 = vector.broadcast %logistic3A_1359 : f32 to vector<16x64xf32>
    %mul3A_1362 = arith.mulf %mul3A_1361, %sub3A_1360 : vector<16x64xf32>
    %dot_general3A_1363 = arith.constant dense<0.000000e+00> : vector<2048x64xf32>
    %dot_general3A_1364 = tpu.matmul %scan3A_1313#1, %mul3A_1362, %dot_general3A_1363 {dimension_numbers = #tpu.dot_dimension_numbers<[0], [0], [1], [1], [0, 1, 1, 1], [], []>, transpose_lhs_hint = false} : vector<16x2048xf32>, vector<16x64xf32>, vector<2048x64xf32> -> vector<2048x64xf32>
    %add3A_1365 = arith.addf %get3A_28, %dot_general3A_1364 : vector<2048x64xf32>
    %sub3A_1366 = arith.subf %scan3A_1296#2, %dot_general3A_1318 : vector<16x64xf32>
    %mul3A_1367 = vector.broadcast %logistic3A_1359 : f32 to vector<16x64xf32>
    %mul3A_1368 = arith.mulf %mul3A_1367, %sub3A_1366 : vector<16x64xf32>
    %dot_general3A_1369 = arith.constant dense<0.000000e+00> : vector<2048x64xf32>
    %dot_general3A_1370 = tpu.matmul %scan3A_1313#1, %mul3A_1368, %dot_general3A_1369 {dimension_numbers = #tpu.dot_dimension_numbers<[0], [0], [1], [1], [0, 1, 1, 1], [], []>, transpose_lhs_hint = false} : vector<16x2048xf32>, vector<16x64xf32>, vector<2048x64xf32> -> vector<2048x64xf32>
    %add3A_1371 = arith.addf %get3A_33, %dot_general3A_1370 : vector<2048x64xf32>
    %convert_element_type3A_1372 = arith.truncf %add3A_1365 : vector<2048x64xf32> to vector<2048x64xbf16>
    %concatenate3A_1373 = tpu.concatenate %add3A_1371, %broadcast_in_dim3A_43 in 1 : vector<2048x64xf32>, vector<2048x1xf32> -> vector<2048x65xf32>
    %convert_element_type3A_1374 = arith.truncf %concatenate3A_1373 : vector<2048x65xf32> to vector<2048x65xbf16>
    %concatenate3A_1375 = tpu.concatenate %add3A_1281, %broadcast_in_dim3A_45 in 1 : vector<128x64xf32>, vector<128x1xf32> -> vector<128x65xf32>
    %get3A_1376 = arith.constant 0 : index
    %get3A_1377 = arith.constant 0 : index
    %get3A_1378 = vector.load %arg18[%get3A_1376, %get3A_1377] : memref<1x1xf32, #tpu.memory_space<vmem>>, vector<1x1xf32>
    %get3A_1379 = vector.extract %get3A_1378[0, 0] : f32 from vector<1x1xf32>
    %logistic3A_1380 = arith.negf %get3A_1379 : f32
    %logistic3A_1381 = math.exp %logistic3A_1380 : f32
    %logistic3A_1382 = arith.constant 1.000000e+00 : f32
    %logistic3A_1383 = arith.addf %logistic3A_1382, %logistic3A_1381 : f32
    %logistic3A_1384 = arith.divf %logistic3A_1382, %logistic3A_1383 : f32
    %get3A_1385 = arith.constant 0 : index
    %get3A_1386 = arith.constant 0 : index
    %get3A_1387 = arith.constant 0 : index
    %get3A_1388 = vector.load %arg8[%get3A_1385, %get3A_1386, %get3A_1387] : memref<8x64x128xf32, #tpu.memory_space<vmem>>, vector<1x64x128xf32>
    %get3A_1389 = vector.shape_cast %get3A_1388 : vector<1x64x128xf32> to vector<64x128xf32>
    %dot_general3A_1390 = arith.constant dense<0.000000e+00> : vector<256x128xf32>
    %dot_general3A_1391 = tpu.matmul %add3A_146, %get3A_1389, %dot_general3A_1390 {dimension_numbers = #tpu.dot_dimension_numbers<[1], [0], [0], [1], [0, 0, 1, 1], [], []>, transpose_lhs_hint = false} : vector<256x64xf32>, vector<64x128xf32>, vector<256x128xf32> -> vector<256x128xf32>
    %slice3A_1392 = vector.extract_strided_slice %dot_general3A_1391 {offsets = [0, 0], sizes = [256, 64], strides = [1, 1]} : vector<256x128xf32> to vector<256x64xf32>
    %get3A_1393 = arith.constant 0 : index
    %get3A_1394 = arith.constant 0 : index
    %get3A_1395 = arith.constant 0 : index
    %get3A_1396 = vector.load %arg7[%get3A_1393, %get3A_1394, %get3A_1395] : memref<1x8x64xf32, #tpu.memory_space<vmem>>, vector<1x1x64xf32>
    %get3A_1397 = vector.shape_cast %get3A_1396 : vector<1x1x64xf32> to vector<64xf32>
    %broadcast_in_dim3A_1398 = vector.shape_cast %get3A_1397 : vector<64xf32> to vector<1x64xf32>
    %add3A_1399 = vector.broadcast %broadcast_in_dim3A_1398 : vector<1x64xf32> to vector<256x64xf32>
    %add3A_1400 = arith.addf %slice3A_1392, %add3A_1399 : vector<256x64xf32>
    %tanh3A_1401 = math.tanh %add3A_1400 : vector<256x64xf32>
    %slice3A_1402 = vector.extract_strided_slice %dot_general3A_1391 {offsets = [0, 64], sizes = [256, 64], strides = [1, 1]} : vector<256x128xf32> to vector<256x64xf32>
    %mul3A_1403 = arith.constant 1.250000e-01 : f32
    %mul3A_1404 = vector.broadcast %mul3A_1403 : f32 to vector<256x64xf32>
    %mul3A_1405 = arith.mulf %slice3A_1402, %mul3A_1404 : vector<256x64xf32>
    %dot_general3A_1406 = arith.constant dense<0.000000e+00> : vector<256x128xf32>
    %dot_general3A_1407 = tpu.matmul %mul3A_1405, %add3A_1278, %dot_general3A_1406 {dimension_numbers = #tpu.dot_dimension_numbers<[1], [1], [0], [0], [0, 0, 1, 0], [], []>, transpose_lhs_hint = false} : vector<256x64xf32>, vector<128x64xf32>, vector<256x128xf32> -> vector<256x128xf32>
    %reduce_max3A_1408 = arith.constant dense<0xFF800000> : vector<256xf32>
    %reduce_max3A_1409 = vector.multi_reduction <maximumf>, %dot_general3A_1407, %reduce_max3A_1408 [1] : vector<256x128xf32> to vector<256xf32>
    %broadcast_in_dim3A_1410 = vector.shape_cast %reduce_max3A_1409 : vector<256xf32> to vector<256x1xf32>
    %sub3A_1411 = vector.broadcast %broadcast_in_dim3A_1410 : vector<256x1xf32> to vector<256x128xf32>
    %sub3A_1412 = arith.subf %dot_general3A_1407, %sub3A_1411 : vector<256x128xf32>
    %exp3A_1413 = math.exp %sub3A_1412 : vector<256x128xf32>
    %dot_general3A_1414 = arith.constant dense<0.000000e+00> : vector<256x65xf32>
    %dot_general3A_1415 = tpu.matmul %exp3A_1413, %concatenate3A_1375, %dot_general3A_1414 {dimension_numbers = #tpu.dot_dimension_numbers<[1], [0], [0], [1], [0, 0, 1, 1], [], []>, transpose_lhs_hint = false} : vector<256x128xf32>, vector<128x65xf32>, vector<256x65xf32> -> vector<256x65xf32>
    %slice3A_1416 = vector.extract_strided_slice %dot_general3A_1415 {offsets = [0, 0], sizes = [256, 64], strides = [1, 1]} : vector<256x65xf32> to vector<256x64xf32>
    %slice3A_1417 = vector.extract_strided_slice %dot_general3A_1415 {offsets = [0, 64], sizes = [256, 1], strides = [1, 1]} : vector<256x65xf32> to vector<256x1xf32>
    %div3A_1418 = arith.constant 1.000000e+00 : f32
    %div3A_1419 = vector.broadcast %div3A_1418 : f32 to vector<256x1xf32>
    %div3A_1420 = arith.divf %div3A_1419, %slice3A_1417 : vector<256x1xf32>
    %mul3A_1421 = vector.broadcast %div3A_1420 : vector<256x1xf32> to vector<256x64xf32>
    %mul3A_1422 = arith.mulf %slice3A_1416, %mul3A_1421 : vector<256x64xf32>
    %convert_element_type3A_1423 = arith.truncf %mul3A_1405 : vector<256x64xf32> to vector<256x64xbf16>
    %dot_general3A_1424 = arith.constant dense<0.000000e+00> : vector<256x2048xf32>
    %dot_general3A_1425 = tpu.matmul %convert_element_type3A_1423, %convert_element_type3A_1372, %dot_general3A_1424 {dimension_numbers = #tpu.dot_dimension_numbers<[1], [1], [0], [0], [0, 0, 1, 0], [], []>, transpose_lhs_hint = false} : vector<256x64xbf16>, vector<2048x64xbf16>, vector<256x2048xf32> -> vector<256x2048xf32>
    %convert_element_type3A_1426 = arith.truncf %dot_general3A_1425 : vector<256x2048xf32> to vector<256x2048xbf16>
    %reduce_max3A_1427 = arith.constant dense<0xFF80> : vector<256xbf16>
    %reduce_max3A_1428 = vector.multi_reduction <maximumf>, %convert_element_type3A_1426, %reduce_max3A_1427 [1] : vector<256x2048xbf16> to vector<256xbf16>
    %broadcast_in_dim3A_1429 = vector.shape_cast %reduce_max3A_1428 : vector<256xbf16> to vector<256x1xbf16>
    %convert_element_type3A_1430 = arith.extf %convert_element_type3A_1426 : vector<256x2048xbf16> to vector<256x2048xf32>
    %convert_element_type3A_1431 = arith.extf %broadcast_in_dim3A_1429 : vector<256x1xbf16> to vector<256x1xf32>
    %sub3A_1432 = vector.broadcast %convert_element_type3A_1431 : vector<256x1xf32> to vector<256x2048xf32>
    %sub3A_1433 = arith.subf %convert_element_type3A_1430, %sub3A_1432 : vector<256x2048xf32>
    %exp3A_1434 = math.exp %sub3A_1433 : vector<256x2048xf32>
    %convert_element_type3A_1435 = arith.truncf %exp3A_1434 : vector<256x2048xf32> to vector<256x2048xbf16>
    %dot_general3A_1436 = arith.constant dense<0.000000e+00> : vector<256x65xf32>
    %dot_general3A_1437 = tpu.matmul %convert_element_type3A_1435, %convert_element_type3A_1374, %dot_general3A_1436 {dimension_numbers = #tpu.dot_dimension_numbers<[1], [0], [0], [1], [0, 0, 1, 1], [], []>, transpose_lhs_hint = false} : vector<256x2048xbf16>, vector<2048x65xbf16>, vector<256x65xf32> -> vector<256x65xf32>
    %slice3A_1438 = vector.extract_strided_slice %dot_general3A_1437 {offsets = [0, 0], sizes = [256, 64], strides = [1, 1]} : vector<256x65xf32> to vector<256x64xf32>
    %slice3A_1439 = vector.extract_strided_slice %dot_general3A_1437 {offsets = [0, 64], sizes = [256, 1], strides = [1, 1]} : vector<256x65xf32> to vector<256x1xf32>
    %div3A_1440 = arith.constant 1.000000e+00 : f32
    %div3A_1441 = vector.broadcast %div3A_1440 : f32 to vector<256x1xf32>
    %div3A_1442 = arith.divf %div3A_1441, %slice3A_1439 : vector<256x1xf32>
    %mul3A_1443 = vector.broadcast %div3A_1442 : vector<256x1xf32> to vector<256x64xf32>
    %mul3A_1444 = arith.mulf %slice3A_1438, %mul3A_1443 : vector<256x64xf32>
    %concatenate3A_1445 = tpu.concatenate %mul3A_1422, %mul3A_1444 in 1 : vector<256x64xf32>, vector<256x64xf32> -> vector<256x128xf32>
    %dot_general3A_1446 = arith.constant dense<0.000000e+00> : vector<256x64xf32>
    %dot_general3A_1447 = tpu.matmul %concatenate3A_1445, %get3A_50, %dot_general3A_1446 {dimension_numbers = #tpu.dot_dimension_numbers<[1], [0], [0], [1], [0, 0, 1, 1], [], []>, transpose_lhs_hint = false} : vector<256x128xf32>, vector<128x64xf32>, vector<256x64xf32> -> vector<256x64xf32>
    %add3A_1448 = arith.addf %tanh3A_1401, %dot_general3A_1447 : vector<256x64xf32>
    %sub3A_1449 = arith.constant 1.000000e+00 : f32
    %sub3A_1450 = arith.subf %sub3A_1449, %logistic3A_1384 : f32
    %mul3A_1451 = vector.broadcast %sub3A_1450 : f32 to vector<256x64xf32>
    %mul3A_1452 = arith.mulf %mul3A_1451, %add3A_146 : vector<256x64xf32>
    %mul3A_1453 = vector.broadcast %logistic3A_1384 : f32 to vector<256x64xf32>
    %mul3A_1454 = arith.mulf %mul3A_1453, %add3A_1448 : vector<256x64xf32>
    %add3A_1455 = arith.addf %mul3A_1452, %mul3A_1454 : vector<256x64xf32>
    %get3A_1456 = arith.constant 1 : index
    %get3A_1457 = arith.constant 0 : index
    %get3A_1458 = arith.constant 0 : index
    %get3A_1459 = vector.load %arg8[%get3A_1456, %get3A_1457, %get3A_1458] : memref<8x64x128xf32, #tpu.memory_space<vmem>>, vector<1x64x128xf32>
    %get3A_1460 = vector.shape_cast %get3A_1459 : vector<1x64x128xf32> to vector<64x128xf32>
    %dot_general3A_1461 = arith.constant dense<0.000000e+00> : vector<256x128xf32>
    %dot_general3A_1462 = tpu.matmul %add3A_293, %get3A_1460, %dot_general3A_1461 {dimension_numbers = #tpu.dot_dimension_numbers<[1], [0], [0], [1], [0, 0, 1, 1], [], []>, transpose_lhs_hint = false} : vector<256x64xf32>, vector<64x128xf32>, vector<256x128xf32> -> vector<256x128xf32>
    %slice3A_1463 = vector.extract_strided_slice %dot_general3A_1462 {offsets = [0, 0], sizes = [256, 64], strides = [1, 1]} : vector<256x128xf32> to vector<256x64xf32>
    %get3A_1464 = arith.constant 0 : index
    %get3A_1465 = arith.constant 1 : index
    %get3A_1466 = arith.constant 0 : index
    %get3A_1467 = vector.load %arg7[%get3A_1464, %get3A_1465, %get3A_1466] : memref<1x8x64xf32, #tpu.memory_space<vmem>>, vector<1x1x64xf32>
    %get3A_1468 = vector.shape_cast %get3A_1467 : vector<1x1x64xf32> to vector<64xf32>
    %broadcast_in_dim3A_1469 = vector.shape_cast %get3A_1468 : vector<64xf32> to vector<1x64xf32>
    %add3A_1470 = vector.broadcast %broadcast_in_dim3A_1469 : vector<1x64xf32> to vector<256x64xf32>
    %add3A_1471 = arith.addf %slice3A_1463, %add3A_1470 : vector<256x64xf32>
    %tanh3A_1472 = math.tanh %add3A_1471 : vector<256x64xf32>
    %slice3A_1473 = vector.extract_strided_slice %dot_general3A_1462 {offsets = [0, 64], sizes = [256, 64], strides = [1, 1]} : vector<256x128xf32> to vector<256x64xf32>
    %mul3A_1474 = arith.constant 1.250000e-01 : f32
    %mul3A_1475 = vector.broadcast %mul3A_1474 : f32 to vector<256x64xf32>
    %mul3A_1476 = arith.mulf %slice3A_1473, %mul3A_1475 : vector<256x64xf32>
    %dot_general3A_1477 = arith.constant dense<0.000000e+00> : vector<256x128xf32>
    %dot_general3A_1478 = tpu.matmul %mul3A_1476, %add3A_1278, %dot_general3A_1477 {dimension_numbers = #tpu.dot_dimension_numbers<[1], [1], [0], [0], [0, 0, 1, 0], [], []>, transpose_lhs_hint = false} : vector<256x64xf32>, vector<128x64xf32>, vector<256x128xf32> -> vector<256x128xf32>
    %reduce_max3A_1479 = arith.constant dense<0xFF800000> : vector<256xf32>
    %reduce_max3A_1480 = vector.multi_reduction <maximumf>, %dot_general3A_1478, %reduce_max3A_1479 [1] : vector<256x128xf32> to vector<256xf32>
    %broadcast_in_dim3A_1481 = vector.shape_cast %reduce_max3A_1480 : vector<256xf32> to vector<256x1xf32>
    %sub3A_1482 = vector.broadcast %broadcast_in_dim3A_1481 : vector<256x1xf32> to vector<256x128xf32>
    %sub3A_1483 = arith.subf %dot_general3A_1478, %sub3A_1482 : vector<256x128xf32>
    %exp3A_1484 = math.exp %sub3A_1483 : vector<256x128xf32>
    %dot_general3A_1485 = arith.constant dense<0.000000e+00> : vector<256x65xf32>
    %dot_general3A_1486 = tpu.matmul %exp3A_1484, %concatenate3A_1375, %dot_general3A_1485 {dimension_numbers = #tpu.dot_dimension_numbers<[1], [0], [0], [1], [0, 0, 1, 1], [], []>, transpose_lhs_hint = false} : vector<256x128xf32>, vector<128x65xf32>, vector<256x65xf32> -> vector<256x65xf32>
    %slice3A_1487 = vector.extract_strided_slice %dot_general3A_1486 {offsets = [0, 0], sizes = [256, 64], strides = [1, 1]} : vector<256x65xf32> to vector<256x64xf32>
    %slice3A_1488 = vector.extract_strided_slice %dot_general3A_1486 {offsets = [0, 64], sizes = [256, 1], strides = [1, 1]} : vector<256x65xf32> to vector<256x1xf32>
    %div3A_1489 = arith.constant 1.000000e+00 : f32
    %div3A_1490 = vector.broadcast %div3A_1489 : f32 to vector<256x1xf32>
    %div3A_1491 = arith.divf %div3A_1490, %slice3A_1488 : vector<256x1xf32>
    %mul3A_1492 = vector.broadcast %div3A_1491 : vector<256x1xf32> to vector<256x64xf32>
    %mul3A_1493 = arith.mulf %slice3A_1487, %mul3A_1492 : vector<256x64xf32>
    %convert_element_type3A_1494 = arith.truncf %mul3A_1476 : vector<256x64xf32> to vector<256x64xbf16>
    %dot_general3A_1495 = arith.constant dense<0.000000e+00> : vector<256x2048xf32>
    %dot_general3A_1496 = tpu.matmul %convert_element_type3A_1494, %convert_element_type3A_1372, %dot_general3A_1495 {dimension_numbers = #tpu.dot_dimension_numbers<[1], [1], [0], [0], [0, 0, 1, 0], [], []>, transpose_lhs_hint = false} : vector<256x64xbf16>, vector<2048x64xbf16>, vector<256x2048xf32> -> vector<256x2048xf32>
    %convert_element_type3A_1497 = arith.truncf %dot_general3A_1496 : vector<256x2048xf32> to vector<256x2048xbf16>
    %reduce_max3A_1498 = arith.constant dense<0xFF80> : vector<256xbf16>
    %reduce_max3A_1499 = vector.multi_reduction <maximumf>, %convert_element_type3A_1497, %reduce_max3A_1498 [1] : vector<256x2048xbf16> to vector<256xbf16>
    %broadcast_in_dim3A_1500 = vector.shape_cast %reduce_max3A_1499 : vector<256xbf16> to vector<256x1xbf16>
    %convert_element_type3A_1501 = arith.extf %convert_element_type3A_1497 : vector<256x2048xbf16> to vector<256x2048xf32>
    %convert_element_type3A_1502 = arith.extf %broadcast_in_dim3A_1500 : vector<256x1xbf16> to vector<256x1xf32>
    %sub3A_1503 = vector.broadcast %convert_element_type3A_1502 : vector<256x1xf32> to vector<256x2048xf32>
    %sub3A_1504 = arith.subf %convert_element_type3A_1501, %sub3A_1503 : vector<256x2048xf32>
    %exp3A_1505 = math.exp %sub3A_1504 : vector<256x2048xf32>
    %convert_element_type3A_1506 = arith.truncf %exp3A_1505 : vector<256x2048xf32> to vector<256x2048xbf16>
    %dot_general3A_1507 = arith.constant dense<0.000000e+00> : vector<256x65xf32>
    %dot_general3A_1508 = tpu.matmul %convert_element_type3A_1506, %convert_element_type3A_1374, %dot_general3A_1507 {dimension_numbers = #tpu.dot_dimension_numbers<[1], [0], [0], [1], [0, 0, 1, 1], [], []>, transpose_lhs_hint = false} : vector<256x2048xbf16>, vector<2048x65xbf16>, vector<256x65xf32> -> vector<256x65xf32>
    %slice3A_1509 = vector.extract_strided_slice %dot_general3A_1508 {offsets = [0, 0], sizes = [256, 64], strides = [1, 1]} : vector<256x65xf32> to vector<256x64xf32>
    %slice3A_1510 = vector.extract_strided_slice %dot_general3A_1508 {offsets = [0, 64], sizes = [256, 1], strides = [1, 1]} : vector<256x65xf32> to vector<256x1xf32>
    %div3A_1511 = arith.constant 1.000000e+00 : f32
    %div3A_1512 = vector.broadcast %div3A_1511 : f32 to vector<256x1xf32>
    %div3A_1513 = arith.divf %div3A_1512, %slice3A_1510 : vector<256x1xf32>
    %mul3A_1514 = vector.broadcast %div3A_1513 : vector<256x1xf32> to vector<256x64xf32>
    %mul3A_1515 = arith.mulf %slice3A_1509, %mul3A_1514 : vector<256x64xf32>
    %concatenate3A_1516 = tpu.concatenate %mul3A_1493, %mul3A_1515 in 1 : vector<256x64xf32>, vector<256x64xf32> -> vector<256x128xf32>
    %dot_general3A_1517 = arith.constant dense<0.000000e+00> : vector<256x64xf32>
    %dot_general3A_1518 = tpu.matmul %concatenate3A_1516, %get3A_50, %dot_general3A_1517 {dimension_numbers = #tpu.dot_dimension_numbers<[1], [0], [0], [1], [0, 0, 1, 1], [], []>, transpose_lhs_hint = false} : vector<256x128xf32>, vector<128x64xf32>, vector<256x64xf32> -> vector<256x64xf32>
    %add3A_1519 = arith.addf %tanh3A_1472, %dot_general3A_1518 : vector<256x64xf32>
    %sub3A_1520 = arith.constant 1.000000e+00 : f32
    %sub3A_1521 = arith.subf %sub3A_1520, %logistic3A_1384 : f32
    %mul3A_1522 = vector.broadcast %sub3A_1521 : f32 to vector<256x64xf32>
    %mul3A_1523 = arith.mulf %mul3A_1522, %add3A_293 : vector<256x64xf32>
    %mul3A_1524 = vector.broadcast %logistic3A_1384 : f32 to vector<256x64xf32>
    %mul3A_1525 = arith.mulf %mul3A_1524, %add3A_1519 : vector<256x64xf32>
    %add3A_1526 = arith.addf %mul3A_1523, %mul3A_1525 : vector<256x64xf32>
    %get3A_1527 = arith.constant 2 : index
    %get3A_1528 = arith.constant 0 : index
    %get3A_1529 = arith.constant 0 : index
    %get3A_1530 = vector.load %arg8[%get3A_1527, %get3A_1528, %get3A_1529] : memref<8x64x128xf32, #tpu.memory_space<vmem>>, vector<1x64x128xf32>
    %get3A_1531 = vector.shape_cast %get3A_1530 : vector<1x64x128xf32> to vector<64x128xf32>
    %dot_general3A_1532 = arith.constant dense<0.000000e+00> : vector<256x128xf32>
    %dot_general3A_1533 = tpu.matmul %add3A_440, %get3A_1531, %dot_general3A_1532 {dimension_numbers = #tpu.dot_dimension_numbers<[1], [0], [0], [1], [0, 0, 1, 1], [], []>, transpose_lhs_hint = false} : vector<256x64xf32>, vector<64x128xf32>, vector<256x128xf32> -> vector<256x128xf32>
    %slice3A_1534 = vector.extract_strided_slice %dot_general3A_1533 {offsets = [0, 0], sizes = [256, 64], strides = [1, 1]} : vector<256x128xf32> to vector<256x64xf32>
    %get3A_1535 = arith.constant 0 : index
    %get3A_1536 = arith.constant 2 : index
    %get3A_1537 = arith.constant 0 : index
    %get3A_1538 = vector.load %arg7[%get3A_1535, %get3A_1536, %get3A_1537] : memref<1x8x64xf32, #tpu.memory_space<vmem>>, vector<1x1x64xf32>
    %get3A_1539 = vector.shape_cast %get3A_1538 : vector<1x1x64xf32> to vector<64xf32>
    %broadcast_in_dim3A_1540 = vector.shape_cast %get3A_1539 : vector<64xf32> to vector<1x64xf32>
    %add3A_1541 = vector.broadcast %broadcast_in_dim3A_1540 : vector<1x64xf32> to vector<256x64xf32>
    %add3A_1542 = arith.addf %slice3A_1534, %add3A_1541 : vector<256x64xf32>
    %tanh3A_1543 = math.tanh %add3A_1542 : vector<256x64xf32>
    %slice3A_1544 = vector.extract_strided_slice %dot_general3A_1533 {offsets = [0, 64], sizes = [256, 64], strides = [1, 1]} : vector<256x128xf32> to vector<256x64xf32>
    %mul3A_1545 = arith.constant 1.250000e-01 : f32
    %mul3A_1546 = vector.broadcast %mul3A_1545 : f32 to vector<256x64xf32>
    %mul3A_1547 = arith.mulf %slice3A_1544, %mul3A_1546 : vector<256x64xf32>
    %dot_general3A_1548 = arith.constant dense<0.000000e+00> : vector<256x128xf32>
    %dot_general3A_1549 = tpu.matmul %mul3A_1547, %add3A_1278, %dot_general3A_1548 {dimension_numbers = #tpu.dot_dimension_numbers<[1], [1], [0], [0], [0, 0, 1, 0], [], []>, transpose_lhs_hint = false} : vector<256x64xf32>, vector<128x64xf32>, vector<256x128xf32> -> vector<256x128xf32>
    %reduce_max3A_1550 = arith.constant dense<0xFF800000> : vector<256xf32>
    %reduce_max3A_1551 = vector.multi_reduction <maximumf>, %dot_general3A_1549, %reduce_max3A_1550 [1] : vector<256x128xf32> to vector<256xf32>
    %broadcast_in_dim3A_1552 = vector.shape_cast %reduce_max3A_1551 : vector<256xf32> to vector<256x1xf32>
    %sub3A_1553 = vector.broadcast %broadcast_in_dim3A_1552 : vector<256x1xf32> to vector<256x128xf32>
    %sub3A_1554 = arith.subf %dot_general3A_1549, %sub3A_1553 : vector<256x128xf32>
    %exp3A_1555 = math.exp %sub3A_1554 : vector<256x128xf32>
    %dot_general3A_1556 = arith.constant dense<0.000000e+00> : vector<256x65xf32>
    %dot_general3A_1557 = tpu.matmul %exp3A_1555, %concatenate3A_1375, %dot_general3A_1556 {dimension_numbers = #tpu.dot_dimension_numbers<[1], [0], [0], [1], [0, 0, 1, 1], [], []>, transpose_lhs_hint = false} : vector<256x128xf32>, vector<128x65xf32>, vector<256x65xf32> -> vector<256x65xf32>
    %slice3A_1558 = vector.extract_strided_slice %dot_general3A_1557 {offsets = [0, 0], sizes = [256, 64], strides = [1, 1]} : vector<256x65xf32> to vector<256x64xf32>
    %slice3A_1559 = vector.extract_strided_slice %dot_general3A_1557 {offsets = [0, 64], sizes = [256, 1], strides = [1, 1]} : vector<256x65xf32> to vector<256x1xf32>
    %div3A_1560 = arith.constant 1.000000e+00 : f32
    %div3A_1561 = vector.broadcast %div3A_1560 : f32 to vector<256x1xf32>
    %div3A_1562 = arith.divf %div3A_1561, %slice3A_1559 : vector<256x1xf32>
    %mul3A_1563 = vector.broadcast %div3A_1562 : vector<256x1xf32> to vector<256x64xf32>
    %mul3A_1564 = arith.mulf %slice3A_1558, %mul3A_1563 : vector<256x64xf32>
    %convert_element_type3A_1565 = arith.truncf %mul3A_1547 : vector<256x64xf32> to vector<256x64xbf16>
    %dot_general3A_1566 = arith.constant dense<0.000000e+00> : vector<256x2048xf32>
    %dot_general3A_1567 = tpu.matmul %convert_element_type3A_1565, %convert_element_type3A_1372, %dot_general3A_1566 {dimension_numbers = #tpu.dot_dimension_numbers<[1], [1], [0], [0], [0, 0, 1, 0], [], []>, transpose_lhs_hint = false} : vector<256x64xbf16>, vector<2048x64xbf16>, vector<256x2048xf32> -> vector<256x2048xf32>
    %convert_element_type3A_1568 = arith.truncf %dot_general3A_1567 : vector<256x2048xf32> to vector<256x2048xbf16>
    %reduce_max3A_1569 = arith.constant dense<0xFF80> : vector<256xbf16>
    %reduce_max3A_1570 = vector.multi_reduction <maximumf>, %convert_element_type3A_1568, %reduce_max3A_1569 [1] : vector<256x2048xbf16> to vector<256xbf16>
    %broadcast_in_dim3A_1571 = vector.shape_cast %reduce_max3A_1570 : vector<256xbf16> to vector<256x1xbf16>
    %convert_element_type3A_1572 = arith.extf %convert_element_type3A_1568 : vector<256x2048xbf16> to vector<256x2048xf32>
    %convert_element_type3A_1573 = arith.extf %broadcast_in_dim3A_1571 : vector<256x1xbf16> to vector<256x1xf32>
    %sub3A_1574 = vector.broadcast %convert_element_type3A_1573 : vector<256x1xf32> to vector<256x2048xf32>
    %sub3A_1575 = arith.subf %convert_element_type3A_1572, %sub3A_1574 : vector<256x2048xf32>
    %exp3A_1576 = math.exp %sub3A_1575 : vector<256x2048xf32>
    %convert_element_type3A_1577 = arith.truncf %exp3A_1576 : vector<256x2048xf32> to vector<256x2048xbf16>
    %dot_general3A_1578 = arith.constant dense<0.000000e+00> : vector<256x65xf32>
    %dot_general3A_1579 = tpu.matmul %convert_element_type3A_1577, %convert_element_type3A_1374, %dot_general3A_1578 {dimension_numbers = #tpu.dot_dimension_numbers<[1], [0], [0], [1], [0, 0, 1, 1], [], []>, transpose_lhs_hint = false} : vector<256x2048xbf16>, vector<2048x65xbf16>, vector<256x65xf32> -> vector<256x65xf32>
    %slice3A_1580 = vector.extract_strided_slice %dot_general3A_1579 {offsets = [0, 0], sizes = [256, 64], strides = [1, 1]} : vector<256x65xf32> to vector<256x64xf32>
    %slice3A_1581 = vector.extract_strided_slice %dot_general3A_1579 {offsets = [0, 64], sizes = [256, 1], strides = [1, 1]} : vector<256x65xf32> to vector<256x1xf32>
    %div3A_1582 = arith.constant 1.000000e+00 : f32
    %div3A_1583 = vector.broadcast %div3A_1582 : f32 to vector<256x1xf32>
    %div3A_1584 = arith.divf %div3A_1583, %slice3A_1581 : vector<256x1xf32>
    %mul3A_1585 = vector.broadcast %div3A_1584 : vector<256x1xf32> to vector<256x64xf32>
    %mul3A_1586 = arith.mulf %slice3A_1580, %mul3A_1585 : vector<256x64xf32>
    %concatenate3A_1587 = tpu.concatenate %mul3A_1564, %mul3A_1586 in 1 : vector<256x64xf32>, vector<256x64xf32> -> vector<256x128xf32>
    %dot_general3A_1588 = arith.constant dense<0.000000e+00> : vector<256x64xf32>
    %dot_general3A_1589 = tpu.matmul %concatenate3A_1587, %get3A_50, %dot_general3A_1588 {dimension_numbers = #tpu.dot_dimension_numbers<[1], [0], [0], [1], [0, 0, 1, 1], [], []>, transpose_lhs_hint = false} : vector<256x128xf32>, vector<128x64xf32>, vector<256x64xf32> -> vector<256x64xf32>
    %add3A_1590 = arith.addf %tanh3A_1543, %dot_general3A_1589 : vector<256x64xf32>
    %sub3A_1591 = arith.constant 1.000000e+00 : f32
    %sub3A_1592 = arith.subf %sub3A_1591, %logistic3A_1384 : f32
    %mul3A_1593 = vector.broadcast %sub3A_1592 : f32 to vector<256x64xf32>
    %mul3A_1594 = arith.mulf %mul3A_1593, %add3A_440 : vector<256x64xf32>
    %mul3A_1595 = vector.broadcast %logistic3A_1384 : f32 to vector<256x64xf32>
    %mul3A_1596 = arith.mulf %mul3A_1595, %add3A_1590 : vector<256x64xf32>
    %add3A_1597 = arith.addf %mul3A_1594, %mul3A_1596 : vector<256x64xf32>
    %get3A_1598 = arith.constant 3 : index
    %get3A_1599 = arith.constant 0 : index
    %get3A_1600 = arith.constant 0 : index
    %get3A_1601 = vector.load %arg8[%get3A_1598, %get3A_1599, %get3A_1600] : memref<8x64x128xf32, #tpu.memory_space<vmem>>, vector<1x64x128xf32>
    %get3A_1602 = vector.shape_cast %get3A_1601 : vector<1x64x128xf32> to vector<64x128xf32>
    %dot_general3A_1603 = arith.constant dense<0.000000e+00> : vector<256x128xf32>
    %dot_general3A_1604 = tpu.matmul %add3A_587, %get3A_1602, %dot_general3A_1603 {dimension_numbers = #tpu.dot_dimension_numbers<[1], [0], [0], [1], [0, 0, 1, 1], [], []>, transpose_lhs_hint = false} : vector<256x64xf32>, vector<64x128xf32>, vector<256x128xf32> -> vector<256x128xf32>
    %slice3A_1605 = vector.extract_strided_slice %dot_general3A_1604 {offsets = [0, 0], sizes = [256, 64], strides = [1, 1]} : vector<256x128xf32> to vector<256x64xf32>
    %get3A_1606 = arith.constant 0 : index
    %get3A_1607 = arith.constant 3 : index
    %get3A_1608 = arith.constant 0 : index
    %get3A_1609 = vector.load %arg7[%get3A_1606, %get3A_1607, %get3A_1608] : memref<1x8x64xf32, #tpu.memory_space<vmem>>, vector<1x1x64xf32>
    %get3A_1610 = vector.shape_cast %get3A_1609 : vector<1x1x64xf32> to vector<64xf32>
    %broadcast_in_dim3A_1611 = vector.shape_cast %get3A_1610 : vector<64xf32> to vector<1x64xf32>
    %add3A_1612 = vector.broadcast %broadcast_in_dim3A_1611 : vector<1x64xf32> to vector<256x64xf32>
    %add3A_1613 = arith.addf %slice3A_1605, %add3A_1612 : vector<256x64xf32>
    %tanh3A_1614 = math.tanh %add3A_1613 : vector<256x64xf32>
    %slice3A_1615 = vector.extract_strided_slice %dot_general3A_1604 {offsets = [0, 64], sizes = [256, 64], strides = [1, 1]} : vector<256x128xf32> to vector<256x64xf32>
    %mul3A_1616 = arith.constant 1.250000e-01 : f32
    %mul3A_1617 = vector.broadcast %mul3A_1616 : f32 to vector<256x64xf32>
    %mul3A_1618 = arith.mulf %slice3A_1615, %mul3A_1617 : vector<256x64xf32>
    %dot_general3A_1619 = arith.constant dense<0.000000e+00> : vector<256x128xf32>
    %dot_general3A_1620 = tpu.matmul %mul3A_1618, %add3A_1278, %dot_general3A_1619 {dimension_numbers = #tpu.dot_dimension_numbers<[1], [1], [0], [0], [0, 0, 1, 0], [], []>, transpose_lhs_hint = false} : vector<256x64xf32>, vector<128x64xf32>, vector<256x128xf32> -> vector<256x128xf32>
    %reduce_max3A_1621 = arith.constant dense<0xFF800000> : vector<256xf32>
    %reduce_max3A_1622 = vector.multi_reduction <maximumf>, %dot_general3A_1620, %reduce_max3A_1621 [1] : vector<256x128xf32> to vector<256xf32>
    %broadcast_in_dim3A_1623 = vector.shape_cast %reduce_max3A_1622 : vector<256xf32> to vector<256x1xf32>
    %sub3A_1624 = vector.broadcast %broadcast_in_dim3A_1623 : vector<256x1xf32> to vector<256x128xf32>
    %sub3A_1625 = arith.subf %dot_general3A_1620, %sub3A_1624 : vector<256x128xf32>
    %exp3A_1626 = math.exp %sub3A_1625 : vector<256x128xf32>
    %dot_general3A_1627 = arith.constant dense<0.000000e+00> : vector<256x65xf32>
    %dot_general3A_1628 = tpu.matmul %exp3A_1626, %concatenate3A_1375, %dot_general3A_1627 {dimension_numbers = #tpu.dot_dimension_numbers<[1], [0], [0], [1], [0, 0, 1, 1], [], []>, transpose_lhs_hint = false} : vector<256x128xf32>, vector<128x65xf32>, vector<256x65xf32> -> vector<256x65xf32>
    %slice3A_1629 = vector.extract_strided_slice %dot_general3A_1628 {offsets = [0, 0], sizes = [256, 64], strides = [1, 1]} : vector<256x65xf32> to vector<256x64xf32>
    %slice3A_1630 = vector.extract_strided_slice %dot_general3A_1628 {offsets = [0, 64], sizes = [256, 1], strides = [1, 1]} : vector<256x65xf32> to vector<256x1xf32>
    %div3A_1631 = arith.constant 1.000000e+00 : f32
    %div3A_1632 = vector.broadcast %div3A_1631 : f32 to vector<256x1xf32>
    %div3A_1633 = arith.divf %div3A_1632, %slice3A_1630 : vector<256x1xf32>
    %mul3A_1634 = vector.broadcast %div3A_1633 : vector<256x1xf32> to vector<256x64xf32>
    %mul3A_1635 = arith.mulf %slice3A_1629, %mul3A_1634 : vector<256x64xf32>
    %convert_element_type3A_1636 = arith.truncf %mul3A_1618 : vector<256x64xf32> to vector<256x64xbf16>
    %dot_general3A_1637 = arith.constant dense<0.000000e+00> : vector<256x2048xf32>
    %dot_general3A_1638 = tpu.matmul %convert_element_type3A_1636, %convert_element_type3A_1372, %dot_general3A_1637 {dimension_numbers = #tpu.dot_dimension_numbers<[1], [1], [0], [0], [0, 0, 1, 0], [], []>, transpose_lhs_hint = false} : vector<256x64xbf16>, vector<2048x64xbf16>, vector<256x2048xf32> -> vector<256x2048xf32>
    %convert_element_type3A_1639 = arith.truncf %dot_general3A_1638 : vector<256x2048xf32> to vector<256x2048xbf16>
    %reduce_max3A_1640 = arith.constant dense<0xFF80> : vector<256xbf16>
    %reduce_max3A_1641 = vector.multi_reduction <maximumf>, %convert_element_type3A_1639, %reduce_max3A_1640 [1] : vector<256x2048xbf16> to vector<256xbf16>
    %broadcast_in_dim3A_1642 = vector.shape_cast %reduce_max3A_1641 : vector<256xbf16> to vector<256x1xbf16>
    %convert_element_type3A_1643 = arith.extf %convert_element_type3A_1639 : vector<256x2048xbf16> to vector<256x2048xf32>
    %convert_element_type3A_1644 = arith.extf %broadcast_in_dim3A_1642 : vector<256x1xbf16> to vector<256x1xf32>
    %sub3A_1645 = vector.broadcast %convert_element_type3A_1644 : vector<256x1xf32> to vector<256x2048xf32>
    %sub3A_1646 = arith.subf %convert_element_type3A_1643, %sub3A_1645 : vector<256x2048xf32>
    %exp3A_1647 = math.exp %sub3A_1646 : vector<256x2048xf32>
    %convert_element_type3A_1648 = arith.truncf %exp3A_1647 : vector<256x2048xf32> to vector<256x2048xbf16>
    %dot_general3A_1649 = arith.constant dense<0.000000e+00> : vector<256x65xf32>
    %dot_general3A_1650 = tpu.matmul %convert_element_type3A_1648, %convert_element_type3A_1374, %dot_general3A_1649 {dimension_numbers = #tpu.dot_dimension_numbers<[1], [0], [0], [1], [0, 0, 1, 1], [], []>, transpose_lhs_hint = false} : vector<256x2048xbf16>, vector<2048x65xbf16>, vector<256x65xf32> -> vector<256x65xf32>
    %slice3A_1651 = vector.extract_strided_slice %dot_general3A_1650 {offsets = [0, 0], sizes = [256, 64], strides = [1, 1]} : vector<256x65xf32> to vector<256x64xf32>
    %slice3A_1652 = vector.extract_strided_slice %dot_general3A_1650 {offsets = [0, 64], sizes = [256, 1], strides = [1, 1]} : vector<256x65xf32> to vector<256x1xf32>
    %div3A_1653 = arith.constant 1.000000e+00 : f32
    %div3A_1654 = vector.broadcast %div3A_1653 : f32 to vector<256x1xf32>
    %div3A_1655 = arith.divf %div3A_1654, %slice3A_1652 : vector<256x1xf32>
    %mul3A_1656 = vector.broadcast %div3A_1655 : vector<256x1xf32> to vector<256x64xf32>
    %mul3A_1657 = arith.mulf %slice3A_1651, %mul3A_1656 : vector<256x64xf32>
    %concatenate3A_1658 = tpu.concatenate %mul3A_1635, %mul3A_1657 in 1 : vector<256x64xf32>, vector<256x64xf32> -> vector<256x128xf32>
    %dot_general3A_1659 = arith.constant dense<0.000000e+00> : vector<256x64xf32>
    %dot_general3A_1660 = tpu.matmul %concatenate3A_1658, %get3A_50, %dot_general3A_1659 {dimension_numbers = #tpu.dot_dimension_numbers<[1], [0], [0], [1], [0, 0, 1, 1], [], []>, transpose_lhs_hint = false} : vector<256x128xf32>, vector<128x64xf32>, vector<256x64xf32> -> vector<256x64xf32>
    %add3A_1661 = arith.addf %tanh3A_1614, %dot_general3A_1660 : vector<256x64xf32>
    %sub3A_1662 = arith.constant 1.000000e+00 : f32
    %sub3A_1663 = arith.subf %sub3A_1662, %logistic3A_1384 : f32
    %mul3A_1664 = vector.broadcast %sub3A_1663 : f32 to vector<256x64xf32>
    %mul3A_1665 = arith.mulf %mul3A_1664, %add3A_587 : vector<256x64xf32>
    %mul3A_1666 = vector.broadcast %logistic3A_1384 : f32 to vector<256x64xf32>
    %mul3A_1667 = arith.mulf %mul3A_1666, %add3A_1661 : vector<256x64xf32>
    %add3A_1668 = arith.addf %mul3A_1665, %mul3A_1667 : vector<256x64xf32>
    %get3A_1669 = arith.constant 4 : index
    %get3A_1670 = arith.constant 0 : index
    %get3A_1671 = arith.constant 0 : index
    %get3A_1672 = vector.load %arg8[%get3A_1669, %get3A_1670, %get3A_1671] : memref<8x64x128xf32, #tpu.memory_space<vmem>>, vector<1x64x128xf32>
    %get3A_1673 = vector.shape_cast %get3A_1672 : vector<1x64x128xf32> to vector<64x128xf32>
    %dot_general3A_1674 = arith.constant dense<0.000000e+00> : vector<256x128xf32>
    %dot_general3A_1675 = tpu.matmul %add3A_734, %get3A_1673, %dot_general3A_1674 {dimension_numbers = #tpu.dot_dimension_numbers<[1], [0], [0], [1], [0, 0, 1, 1], [], []>, transpose_lhs_hint = false} : vector<256x64xf32>, vector<64x128xf32>, vector<256x128xf32> -> vector<256x128xf32>
    %slice3A_1676 = vector.extract_strided_slice %dot_general3A_1675 {offsets = [0, 0], sizes = [256, 64], strides = [1, 1]} : vector<256x128xf32> to vector<256x64xf32>
    %get3A_1677 = arith.constant 0 : index
    %get3A_1678 = arith.constant 4 : index
    %get3A_1679 = arith.constant 0 : index
    %get3A_1680 = vector.load %arg7[%get3A_1677, %get3A_1678, %get3A_1679] : memref<1x8x64xf32, #tpu.memory_space<vmem>>, vector<1x1x64xf32>
    %get3A_1681 = vector.shape_cast %get3A_1680 : vector<1x1x64xf32> to vector<64xf32>
    %broadcast_in_dim3A_1682 = vector.shape_cast %get3A_1681 : vector<64xf32> to vector<1x64xf32>
    %add3A_1683 = vector.broadcast %broadcast_in_dim3A_1682 : vector<1x64xf32> to vector<256x64xf32>
    %add3A_1684 = arith.addf %slice3A_1676, %add3A_1683 : vector<256x64xf32>
    %tanh3A_1685 = math.tanh %add3A_1684 : vector<256x64xf32>
    %slice3A_1686 = vector.extract_strided_slice %dot_general3A_1675 {offsets = [0, 64], sizes = [256, 64], strides = [1, 1]} : vector<256x128xf32> to vector<256x64xf32>
    %mul3A_1687 = arith.constant 1.250000e-01 : f32
    %mul3A_1688 = vector.broadcast %mul3A_1687 : f32 to vector<256x64xf32>
    %mul3A_1689 = arith.mulf %slice3A_1686, %mul3A_1688 : vector<256x64xf32>
    %dot_general3A_1690 = arith.constant dense<0.000000e+00> : vector<256x128xf32>
    %dot_general3A_1691 = tpu.matmul %mul3A_1689, %add3A_1278, %dot_general3A_1690 {dimension_numbers = #tpu.dot_dimension_numbers<[1], [1], [0], [0], [0, 0, 1, 0], [], []>, transpose_lhs_hint = false} : vector<256x64xf32>, vector<128x64xf32>, vector<256x128xf32> -> vector<256x128xf32>
    %reduce_max3A_1692 = arith.constant dense<0xFF800000> : vector<256xf32>
    %reduce_max3A_1693 = vector.multi_reduction <maximumf>, %dot_general3A_1691, %reduce_max3A_1692 [1] : vector<256x128xf32> to vector<256xf32>
    %broadcast_in_dim3A_1694 = vector.shape_cast %reduce_max3A_1693 : vector<256xf32> to vector<256x1xf32>
    %sub3A_1695 = vector.broadcast %broadcast_in_dim3A_1694 : vector<256x1xf32> to vector<256x128xf32>
    %sub3A_1696 = arith.subf %dot_general3A_1691, %sub3A_1695 : vector<256x128xf32>
    %exp3A_1697 = math.exp %sub3A_1696 : vector<256x128xf32>
    %dot_general3A_1698 = arith.constant dense<0.000000e+00> : vector<256x65xf32>
    %dot_general3A_1699 = tpu.matmul %exp3A_1697, %concatenate3A_1375, %dot_general3A_1698 {dimension_numbers = #tpu.dot_dimension_numbers<[1], [0], [0], [1], [0, 0, 1, 1], [], []>, transpose_lhs_hint = false} : vector<256x128xf32>, vector<128x65xf32>, vector<256x65xf32> -> vector<256x65xf32>
    %slice3A_1700 = vector.extract_strided_slice %dot_general3A_1699 {offsets = [0, 0], sizes = [256, 64], strides = [1, 1]} : vector<256x65xf32> to vector<256x64xf32>
    %slice3A_1701 = vector.extract_strided_slice %dot_general3A_1699 {offsets = [0, 64], sizes = [256, 1], strides = [1, 1]} : vector<256x65xf32> to vector<256x1xf32>
    %div3A_1702 = arith.constant 1.000000e+00 : f32
    %div3A_1703 = vector.broadcast %div3A_1702 : f32 to vector<256x1xf32>
    %div3A_1704 = arith.divf %div3A_1703, %slice3A_1701 : vector<256x1xf32>
    %mul3A_1705 = vector.broadcast %div3A_1704 : vector<256x1xf32> to vector<256x64xf32>
    %mul3A_1706 = arith.mulf %slice3A_1700, %mul3A_1705 : vector<256x64xf32>
    %convert_element_type3A_1707 = arith.truncf %mul3A_1689 : vector<256x64xf32> to vector<256x64xbf16>
    %dot_general3A_1708 = arith.constant dense<0.000000e+00> : vector<256x2048xf32>
    %dot_general3A_1709 = tpu.matmul %convert_element_type3A_1707, %convert_element_type3A_1372, %dot_general3A_1708 {dimension_numbers = #tpu.dot_dimension_numbers<[1], [1], [0], [0], [0, 0, 1, 0], [], []>, transpose_lhs_hint = false} : vector<256x64xbf16>, vector<2048x64xbf16>, vector<256x2048xf32> -> vector<256x2048xf32>
    %convert_element_type3A_1710 = arith.truncf %dot_general3A_1709 : vector<256x2048xf32> to vector<256x2048xbf16>
    %reduce_max3A_1711 = arith.constant dense<0xFF80> : vector<256xbf16>
    %reduce_max3A_1712 = vector.multi_reduction <maximumf>, %convert_element_type3A_1710, %reduce_max3A_1711 [1] : vector<256x2048xbf16> to vector<256xbf16>
    %broadcast_in_dim3A_1713 = vector.shape_cast %reduce_max3A_1712 : vector<256xbf16> to vector<256x1xbf16>
    %convert_element_type3A_1714 = arith.extf %convert_element_type3A_1710 : vector<256x2048xbf16> to vector<256x2048xf32>
    %convert_element_type3A_1715 = arith.extf %broadcast_in_dim3A_1713 : vector<256x1xbf16> to vector<256x1xf32>
    %sub3A_1716 = vector.broadcast %convert_element_type3A_1715 : vector<256x1xf32> to vector<256x2048xf32>
    %sub3A_1717 = arith.subf %convert_element_type3A_1714, %sub3A_1716 : vector<256x2048xf32>
    %exp3A_1718 = math.exp %sub3A_1717 : vector<256x2048xf32>
    %convert_element_type3A_1719 = arith.truncf %exp3A_1718 : vector<256x2048xf32> to vector<256x2048xbf16>
    %dot_general3A_1720 = arith.constant dense<0.000000e+00> : vector<256x65xf32>
    %dot_general3A_1721 = tpu.matmul %convert_element_type3A_1719, %convert_element_type3A_1374, %dot_general3A_1720 {dimension_numbers = #tpu.dot_dimension_numbers<[1], [0], [0], [1], [0, 0, 1, 1], [], []>, transpose_lhs_hint = false} : vector<256x2048xbf16>, vector<2048x65xbf16>, vector<256x65xf32> -> vector<256x65xf32>
    %slice3A_1722 = vector.extract_strided_slice %dot_general3A_1721 {offsets = [0, 0], sizes = [256, 64], strides = [1, 1]} : vector<256x65xf32> to vector<256x64xf32>
    %slice3A_1723 = vector.extract_strided_slice %dot_general3A_1721 {offsets = [0, 64], sizes = [256, 1], strides = [1, 1]} : vector<256x65xf32> to vector<256x1xf32>
    %div3A_1724 = arith.constant 1.000000e+00 : f32
    %div3A_1725 = vector.broadcast %div3A_1724 : f32 to vector<256x1xf32>
    %div3A_1726 = arith.divf %div3A_1725, %slice3A_1723 : vector<256x1xf32>
    %mul3A_1727 = vector.broadcast %div3A_1726 : vector<256x1xf32> to vector<256x64xf32>
    %mul3A_1728 = arith.mulf %slice3A_1722, %mul3A_1727 : vector<256x64xf32>
    %concatenate3A_1729 = tpu.concatenate %mul3A_1706, %mul3A_1728 in 1 : vector<256x64xf32>, vector<256x64xf32> -> vector<256x128xf32>
    %dot_general3A_1730 = arith.constant dense<0.000000e+00> : vector<256x64xf32>
    %dot_general3A_1731 = tpu.matmul %concatenate3A_1729, %get3A_50, %dot_general3A_1730 {dimension_numbers = #tpu.dot_dimension_numbers<[1], [0], [0], [1], [0, 0, 1, 1], [], []>, transpose_lhs_hint = false} : vector<256x128xf32>, vector<128x64xf32>, vector<256x64xf32> -> vector<256x64xf32>
    %add3A_1732 = arith.addf %tanh3A_1685, %dot_general3A_1731 : vector<256x64xf32>
    %sub3A_1733 = arith.constant 1.000000e+00 : f32
    %sub3A_1734 = arith.subf %sub3A_1733, %logistic3A_1384 : f32
    %mul3A_1735 = vector.broadcast %sub3A_1734 : f32 to vector<256x64xf32>
    %mul3A_1736 = arith.mulf %mul3A_1735, %add3A_734 : vector<256x64xf32>
    %mul3A_1737 = vector.broadcast %logistic3A_1384 : f32 to vector<256x64xf32>
    %mul3A_1738 = arith.mulf %mul3A_1737, %add3A_1732 : vector<256x64xf32>
    %add3A_1739 = arith.addf %mul3A_1736, %mul3A_1738 : vector<256x64xf32>
    %get3A_1740 = arith.constant 5 : index
    %get3A_1741 = arith.constant 0 : index
    %get3A_1742 = arith.constant 0 : index
    %get3A_1743 = vector.load %arg8[%get3A_1740, %get3A_1741, %get3A_1742] : memref<8x64x128xf32, #tpu.memory_space<vmem>>, vector<1x64x128xf32>
    %get3A_1744 = vector.shape_cast %get3A_1743 : vector<1x64x128xf32> to vector<64x128xf32>
    %dot_general3A_1745 = arith.constant dense<0.000000e+00> : vector<256x128xf32>
    %dot_general3A_1746 = tpu.matmul %add3A_881, %get3A_1744, %dot_general3A_1745 {dimension_numbers = #tpu.dot_dimension_numbers<[1], [0], [0], [1], [0, 0, 1, 1], [], []>, transpose_lhs_hint = false} : vector<256x64xf32>, vector<64x128xf32>, vector<256x128xf32> -> vector<256x128xf32>
    %slice3A_1747 = vector.extract_strided_slice %dot_general3A_1746 {offsets = [0, 0], sizes = [256, 64], strides = [1, 1]} : vector<256x128xf32> to vector<256x64xf32>
    %get3A_1748 = arith.constant 0 : index
    %get3A_1749 = arith.constant 5 : index
    %get3A_1750 = arith.constant 0 : index
    %get3A_1751 = vector.load %arg7[%get3A_1748, %get3A_1749, %get3A_1750] : memref<1x8x64xf32, #tpu.memory_space<vmem>>, vector<1x1x64xf32>
    %get3A_1752 = vector.shape_cast %get3A_1751 : vector<1x1x64xf32> to vector<64xf32>
    %broadcast_in_dim3A_1753 = vector.shape_cast %get3A_1752 : vector<64xf32> to vector<1x64xf32>
    %add3A_1754 = vector.broadcast %broadcast_in_dim3A_1753 : vector<1x64xf32> to vector<256x64xf32>
    %add3A_1755 = arith.addf %slice3A_1747, %add3A_1754 : vector<256x64xf32>
    %tanh3A_1756 = math.tanh %add3A_1755 : vector<256x64xf32>
    %slice3A_1757 = vector.extract_strided_slice %dot_general3A_1746 {offsets = [0, 64], sizes = [256, 64], strides = [1, 1]} : vector<256x128xf32> to vector<256x64xf32>
    %mul3A_1758 = arith.constant 1.250000e-01 : f32
    %mul3A_1759 = vector.broadcast %mul3A_1758 : f32 to vector<256x64xf32>
    %mul3A_1760 = arith.mulf %slice3A_1757, %mul3A_1759 : vector<256x64xf32>
    %dot_general3A_1761 = arith.constant dense<0.000000e+00> : vector<256x128xf32>
    %dot_general3A_1762 = tpu.matmul %mul3A_1760, %add3A_1278, %dot_general3A_1761 {dimension_numbers = #tpu.dot_dimension_numbers<[1], [1], [0], [0], [0, 0, 1, 0], [], []>, transpose_lhs_hint = false} : vector<256x64xf32>, vector<128x64xf32>, vector<256x128xf32> -> vector<256x128xf32>
    %reduce_max3A_1763 = arith.constant dense<0xFF800000> : vector<256xf32>
    %reduce_max3A_1764 = vector.multi_reduction <maximumf>, %dot_general3A_1762, %reduce_max3A_1763 [1] : vector<256x128xf32> to vector<256xf32>
    %broadcast_in_dim3A_1765 = vector.shape_cast %reduce_max3A_1764 : vector<256xf32> to vector<256x1xf32>
    %sub3A_1766 = vector.broadcast %broadcast_in_dim3A_1765 : vector<256x1xf32> to vector<256x128xf32>
    %sub3A_1767 = arith.subf %dot_general3A_1762, %sub3A_1766 : vector<256x128xf32>
    %exp3A_1768 = math.exp %sub3A_1767 : vector<256x128xf32>
    %dot_general3A_1769 = arith.constant dense<0.000000e+00> : vector<256x65xf32>
    %dot_general3A_1770 = tpu.matmul %exp3A_1768, %concatenate3A_1375, %dot_general3A_1769 {dimension_numbers = #tpu.dot_dimension_numbers<[1], [0], [0], [1], [0, 0, 1, 1], [], []>, transpose_lhs_hint = false} : vector<256x128xf32>, vector<128x65xf32>, vector<256x65xf32> -> vector<256x65xf32>
    %slice3A_1771 = vector.extract_strided_slice %dot_general3A_1770 {offsets = [0, 0], sizes = [256, 64], strides = [1, 1]} : vector<256x65xf32> to vector<256x64xf32>
    %slice3A_1772 = vector.extract_strided_slice %dot_general3A_1770 {offsets = [0, 64], sizes = [256, 1], strides = [1, 1]} : vector<256x65xf32> to vector<256x1xf32>
    %div3A_1773 = arith.constant 1.000000e+00 : f32
    %div3A_1774 = vector.broadcast %div3A_1773 : f32 to vector<256x1xf32>
    %div3A_1775 = arith.divf %div3A_1774, %slice3A_1772 : vector<256x1xf32>
    %mul3A_1776 = vector.broadcast %div3A_1775 : vector<256x1xf32> to vector<256x64xf32>
    %mul3A_1777 = arith.mulf %slice3A_1771, %mul3A_1776 : vector<256x64xf32>
    %convert_element_type3A_1778 = arith.truncf %mul3A_1760 : vector<256x64xf32> to vector<256x64xbf16>
    %dot_general3A_1779 = arith.constant dense<0.000000e+00> : vector<256x2048xf32>
    %dot_general3A_1780 = tpu.matmul %convert_element_type3A_1778, %convert_element_type3A_1372, %dot_general3A_1779 {dimension_numbers = #tpu.dot_dimension_numbers<[1], [1], [0], [0], [0, 0, 1, 0], [], []>, transpose_lhs_hint = false} : vector<256x64xbf16>, vector<2048x64xbf16>, vector<256x2048xf32> -> vector<256x2048xf32>
    %convert_element_type3A_1781 = arith.truncf %dot_general3A_1780 : vector<256x2048xf32> to vector<256x2048xbf16>
    %reduce_max3A_1782 = arith.constant dense<0xFF80> : vector<256xbf16>
    %reduce_max3A_1783 = vector.multi_reduction <maximumf>, %convert_element_type3A_1781, %reduce_max3A_1782 [1] : vector<256x2048xbf16> to vector<256xbf16>
    %broadcast_in_dim3A_1784 = vector.shape_cast %reduce_max3A_1783 : vector<256xbf16> to vector<256x1xbf16>
    %convert_element_type3A_1785 = arith.extf %convert_element_type3A_1781 : vector<256x2048xbf16> to vector<256x2048xf32>
    %convert_element_type3A_1786 = arith.extf %broadcast_in_dim3A_1784 : vector<256x1xbf16> to vector<256x1xf32>
    %sub3A_1787 = vector.broadcast %convert_element_type3A_1786 : vector<256x1xf32> to vector<256x2048xf32>
    %sub3A_1788 = arith.subf %convert_element_type3A_1785, %sub3A_1787 : vector<256x2048xf32>
    %exp3A_1789 = math.exp %sub3A_1788 : vector<256x2048xf32>
    %convert_element_type3A_1790 = arith.truncf %exp3A_1789 : vector<256x2048xf32> to vector<256x2048xbf16>
    %dot_general3A_1791 = arith.constant dense<0.000000e+00> : vector<256x65xf32>
    %dot_general3A_1792 = tpu.matmul %convert_element_type3A_1790, %convert_element_type3A_1374, %dot_general3A_1791 {dimension_numbers = #tpu.dot_dimension_numbers<[1], [0], [0], [1], [0, 0, 1, 1], [], []>, transpose_lhs_hint = false} : vector<256x2048xbf16>, vector<2048x65xbf16>, vector<256x65xf32> -> vector<256x65xf32>
    %slice3A_1793 = vector.extract_strided_slice %dot_general3A_1792 {offsets = [0, 0], sizes = [256, 64], strides = [1, 1]} : vector<256x65xf32> to vector<256x64xf32>
    %slice3A_1794 = vector.extract_strided_slice %dot_general3A_1792 {offsets = [0, 64], sizes = [256, 1], strides = [1, 1]} : vector<256x65xf32> to vector<256x1xf32>
    %div3A_1795 = arith.constant 1.000000e+00 : f32
    %div3A_1796 = vector.broadcast %div3A_1795 : f32 to vector<256x1xf32>
    %div3A_1797 = arith.divf %div3A_1796, %slice3A_1794 : vector<256x1xf32>
    %mul3A_1798 = vector.broadcast %div3A_1797 : vector<256x1xf32> to vector<256x64xf32>
    %mul3A_1799 = arith.mulf %slice3A_1793, %mul3A_1798 : vector<256x64xf32>
    %concatenate3A_1800 = tpu.concatenate %mul3A_1777, %mul3A_1799 in 1 : vector<256x64xf32>, vector<256x64xf32> -> vector<256x128xf32>
    %dot_general3A_1801 = arith.constant dense<0.000000e+00> : vector<256x64xf32>
    %dot_general3A_1802 = tpu.matmul %concatenate3A_1800, %get3A_50, %dot_general3A_1801 {dimension_numbers = #tpu.dot_dimension_numbers<[1], [0], [0], [1], [0, 0, 1, 1], [], []>, transpose_lhs_hint = false} : vector<256x128xf32>, vector<128x64xf32>, vector<256x64xf32> -> vector<256x64xf32>
    %add3A_1803 = arith.addf %tanh3A_1756, %dot_general3A_1802 : vector<256x64xf32>
    %sub3A_1804 = arith.constant 1.000000e+00 : f32
    %sub3A_1805 = arith.subf %sub3A_1804, %logistic3A_1384 : f32
    %mul3A_1806 = vector.broadcast %sub3A_1805 : f32 to vector<256x64xf32>
    %mul3A_1807 = arith.mulf %mul3A_1806, %add3A_881 : vector<256x64xf32>
    %mul3A_1808 = vector.broadcast %logistic3A_1384 : f32 to vector<256x64xf32>
    %mul3A_1809 = arith.mulf %mul3A_1808, %add3A_1803 : vector<256x64xf32>
    %add3A_1810 = arith.addf %mul3A_1807, %mul3A_1809 : vector<256x64xf32>
    %get3A_1811 = arith.constant 6 : index
    %get3A_1812 = arith.constant 0 : index
    %get3A_1813 = arith.constant 0 : index
    %get3A_1814 = vector.load %arg8[%get3A_1811, %get3A_1812, %get3A_1813] : memref<8x64x128xf32, #tpu.memory_space<vmem>>, vector<1x64x128xf32>
    %get3A_1815 = vector.shape_cast %get3A_1814 : vector<1x64x128xf32> to vector<64x128xf32>
    %dot_general3A_1816 = arith.constant dense<0.000000e+00> : vector<256x128xf32>
    %dot_general3A_1817 = tpu.matmul %add3A_1028, %get3A_1815, %dot_general3A_1816 {dimension_numbers = #tpu.dot_dimension_numbers<[1], [0], [0], [1], [0, 0, 1, 1], [], []>, transpose_lhs_hint = false} : vector<256x64xf32>, vector<64x128xf32>, vector<256x128xf32> -> vector<256x128xf32>
    %slice3A_1818 = vector.extract_strided_slice %dot_general3A_1817 {offsets = [0, 0], sizes = [256, 64], strides = [1, 1]} : vector<256x128xf32> to vector<256x64xf32>
    %get3A_1819 = arith.constant 0 : index
    %get3A_1820 = arith.constant 6 : index
    %get3A_1821 = arith.constant 0 : index
    %get3A_1822 = vector.load %arg7[%get3A_1819, %get3A_1820, %get3A_1821] : memref<1x8x64xf32, #tpu.memory_space<vmem>>, vector<1x1x64xf32>
    %get3A_1823 = vector.shape_cast %get3A_1822 : vector<1x1x64xf32> to vector<64xf32>
    %broadcast_in_dim3A_1824 = vector.shape_cast %get3A_1823 : vector<64xf32> to vector<1x64xf32>
    %add3A_1825 = vector.broadcast %broadcast_in_dim3A_1824 : vector<1x64xf32> to vector<256x64xf32>
    %add3A_1826 = arith.addf %slice3A_1818, %add3A_1825 : vector<256x64xf32>
    %tanh3A_1827 = math.tanh %add3A_1826 : vector<256x64xf32>
    %slice3A_1828 = vector.extract_strided_slice %dot_general3A_1817 {offsets = [0, 64], sizes = [256, 64], strides = [1, 1]} : vector<256x128xf32> to vector<256x64xf32>
    %mul3A_1829 = arith.constant 1.250000e-01 : f32
    %mul3A_1830 = vector.broadcast %mul3A_1829 : f32 to vector<256x64xf32>
    %mul3A_1831 = arith.mulf %slice3A_1828, %mul3A_1830 : vector<256x64xf32>
    %dot_general3A_1832 = arith.constant dense<0.000000e+00> : vector<256x128xf32>
    %dot_general3A_1833 = tpu.matmul %mul3A_1831, %add3A_1278, %dot_general3A_1832 {dimension_numbers = #tpu.dot_dimension_numbers<[1], [1], [0], [0], [0, 0, 1, 0], [], []>, transpose_lhs_hint = false} : vector<256x64xf32>, vector<128x64xf32>, vector<256x128xf32> -> vector<256x128xf32>
    %reduce_max3A_1834 = arith.constant dense<0xFF800000> : vector<256xf32>
    %reduce_max3A_1835 = vector.multi_reduction <maximumf>, %dot_general3A_1833, %reduce_max3A_1834 [1] : vector<256x128xf32> to vector<256xf32>
    %broadcast_in_dim3A_1836 = vector.shape_cast %reduce_max3A_1835 : vector<256xf32> to vector<256x1xf32>
    %sub3A_1837 = vector.broadcast %broadcast_in_dim3A_1836 : vector<256x1xf32> to vector<256x128xf32>
    %sub3A_1838 = arith.subf %dot_general3A_1833, %sub3A_1837 : vector<256x128xf32>
    %exp3A_1839 = math.exp %sub3A_1838 : vector<256x128xf32>
    %dot_general3A_1840 = arith.constant dense<0.000000e+00> : vector<256x65xf32>
    %dot_general3A_1841 = tpu.matmul %exp3A_1839, %concatenate3A_1375, %dot_general3A_1840 {dimension_numbers = #tpu.dot_dimension_numbers<[1], [0], [0], [1], [0, 0, 1, 1], [], []>, transpose_lhs_hint = false} : vector<256x128xf32>, vector<128x65xf32>, vector<256x65xf32> -> vector<256x65xf32>
    %slice3A_1842 = vector.extract_strided_slice %dot_general3A_1841 {offsets = [0, 0], sizes = [256, 64], strides = [1, 1]} : vector<256x65xf32> to vector<256x64xf32>
    %slice3A_1843 = vector.extract_strided_slice %dot_general3A_1841 {offsets = [0, 64], sizes = [256, 1], strides = [1, 1]} : vector<256x65xf32> to vector<256x1xf32>
    %div3A_1844 = arith.constant 1.000000e+00 : f32
    %div3A_1845 = vector.broadcast %div3A_1844 : f32 to vector<256x1xf32>
    %div3A_1846 = arith.divf %div3A_1845, %slice3A_1843 : vector<256x1xf32>
    %mul3A_1847 = vector.broadcast %div3A_1846 : vector<256x1xf32> to vector<256x64xf32>
    %mul3A_1848 = arith.mulf %slice3A_1842, %mul3A_1847 : vector<256x64xf32>
    %convert_element_type3A_1849 = arith.truncf %mul3A_1831 : vector<256x64xf32> to vector<256x64xbf16>
    %dot_general3A_1850 = arith.constant dense<0.000000e+00> : vector<256x2048xf32>
    %dot_general3A_1851 = tpu.matmul %convert_element_type3A_1849, %convert_element_type3A_1372, %dot_general3A_1850 {dimension_numbers = #tpu.dot_dimension_numbers<[1], [1], [0], [0], [0, 0, 1, 0], [], []>, transpose_lhs_hint = false} : vector<256x64xbf16>, vector<2048x64xbf16>, vector<256x2048xf32> -> vector<256x2048xf32>
    %convert_element_type3A_1852 = arith.truncf %dot_general3A_1851 : vector<256x2048xf32> to vector<256x2048xbf16>
    %reduce_max3A_1853 = arith.constant dense<0xFF80> : vector<256xbf16>
    %reduce_max3A_1854 = vector.multi_reduction <maximumf>, %convert_element_type3A_1852, %reduce_max3A_1853 [1] : vector<256x2048xbf16> to vector<256xbf16>
    %broadcast_in_dim3A_1855 = vector.shape_cast %reduce_max3A_1854 : vector<256xbf16> to vector<256x1xbf16>
    %convert_element_type3A_1856 = arith.extf %convert_element_type3A_1852 : vector<256x2048xbf16> to vector<256x2048xf32>
    %convert_element_type3A_1857 = arith.extf %broadcast_in_dim3A_1855 : vector<256x1xbf16> to vector<256x1xf32>
    %sub3A_1858 = vector.broadcast %convert_element_type3A_1857 : vector<256x1xf32> to vector<256x2048xf32>
    %sub3A_1859 = arith.subf %convert_element_type3A_1856, %sub3A_1858 : vector<256x2048xf32>
    %exp3A_1860 = math.exp %sub3A_1859 : vector<256x2048xf32>
    %convert_element_type3A_1861 = arith.truncf %exp3A_1860 : vector<256x2048xf32> to vector<256x2048xbf16>
    %dot_general3A_1862 = arith.constant dense<0.000000e+00> : vector<256x65xf32>
    %dot_general3A_1863 = tpu.matmul %convert_element_type3A_1861, %convert_element_type3A_1374, %dot_general3A_1862 {dimension_numbers = #tpu.dot_dimension_numbers<[1], [0], [0], [1], [0, 0, 1, 1], [], []>, transpose_lhs_hint = false} : vector<256x2048xbf16>, vector<2048x65xbf16>, vector<256x65xf32> -> vector<256x65xf32>
    %slice3A_1864 = vector.extract_strided_slice %dot_general3A_1863 {offsets = [0, 0], sizes = [256, 64], strides = [1, 1]} : vector<256x65xf32> to vector<256x64xf32>
    %slice3A_1865 = vector.extract_strided_slice %dot_general3A_1863 {offsets = [0, 64], sizes = [256, 1], strides = [1, 1]} : vector<256x65xf32> to vector<256x1xf32>
    %div3A_1866 = arith.constant 1.000000e+00 : f32
    %div3A_1867 = vector.broadcast %div3A_1866 : f32 to vector<256x1xf32>
    %div3A_1868 = arith.divf %div3A_1867, %slice3A_1865 : vector<256x1xf32>
    %mul3A_1869 = vector.broadcast %div3A_1868 : vector<256x1xf32> to vector<256x64xf32>
    %mul3A_1870 = arith.mulf %slice3A_1864, %mul3A_1869 : vector<256x64xf32>
    %concatenate3A_1871 = tpu.concatenate %mul3A_1848, %mul3A_1870 in 1 : vector<256x64xf32>, vector<256x64xf32> -> vector<256x128xf32>
    %dot_general3A_1872 = arith.constant dense<0.000000e+00> : vector<256x64xf32>
    %dot_general3A_1873 = tpu.matmul %concatenate3A_1871, %get3A_50, %dot_general3A_1872 {dimension_numbers = #tpu.dot_dimension_numbers<[1], [0], [0], [1], [0, 0, 1, 1], [], []>, transpose_lhs_hint = false} : vector<256x128xf32>, vector<128x64xf32>, vector<256x64xf32> -> vector<256x64xf32>
    %add3A_1874 = arith.addf %tanh3A_1827, %dot_general3A_1873 : vector<256x64xf32>
    %sub3A_1875 = arith.constant 1.000000e+00 : f32
    %sub3A_1876 = arith.subf %sub3A_1875, %logistic3A_1384 : f32
    %mul3A_1877 = vector.broadcast %sub3A_1876 : f32 to vector<256x64xf32>
    %mul3A_1878 = arith.mulf %mul3A_1877, %add3A_1028 : vector<256x64xf32>
    %mul3A_1879 = vector.broadcast %logistic3A_1384 : f32 to vector<256x64xf32>
    %mul3A_1880 = arith.mulf %mul3A_1879, %add3A_1874 : vector<256x64xf32>
    %add3A_1881 = arith.addf %mul3A_1878, %mul3A_1880 : vector<256x64xf32>
    %get3A_1882 = arith.constant 7 : index
    %get3A_1883 = arith.constant 0 : index
    %get3A_1884 = arith.constant 0 : index
    %get3A_1885 = vector.load %arg8[%get3A_1882, %get3A_1883, %get3A_1884] : memref<8x64x128xf32, #tpu.memory_space<vmem>>, vector<1x64x128xf32>
    %get3A_1886 = vector.shape_cast %get3A_1885 : vector<1x64x128xf32> to vector<64x128xf32>
    %dot_general3A_1887 = arith.constant dense<0.000000e+00> : vector<256x128xf32>
    %dot_general3A_1888 = tpu.matmul %add3A_1175, %get3A_1886, %dot_general3A_1887 {dimension_numbers = #tpu.dot_dimension_numbers<[1], [0], [0], [1], [0, 0, 1, 1], [], []>, transpose_lhs_hint = false} : vector<256x64xf32>, vector<64x128xf32>, vector<256x128xf32> -> vector<256x128xf32>
    %slice3A_1889 = vector.extract_strided_slice %dot_general3A_1888 {offsets = [0, 0], sizes = [256, 64], strides = [1, 1]} : vector<256x128xf32> to vector<256x64xf32>
    %get3A_1890 = arith.constant 0 : index
    %get3A_1891 = arith.constant 7 : index
    %get3A_1892 = arith.constant 0 : index
    %get3A_1893 = vector.load %arg7[%get3A_1890, %get3A_1891, %get3A_1892] : memref<1x8x64xf32, #tpu.memory_space<vmem>>, vector<1x1x64xf32>
    %get3A_1894 = vector.shape_cast %get3A_1893 : vector<1x1x64xf32> to vector<64xf32>
    %broadcast_in_dim3A_1895 = vector.shape_cast %get3A_1894 : vector<64xf32> to vector<1x64xf32>
    %add3A_1896 = vector.broadcast %broadcast_in_dim3A_1895 : vector<1x64xf32> to vector<256x64xf32>
    %add3A_1897 = arith.addf %slice3A_1889, %add3A_1896 : vector<256x64xf32>
    %tanh3A_1898 = math.tanh %add3A_1897 : vector<256x64xf32>
    %slice3A_1899 = vector.extract_strided_slice %dot_general3A_1888 {offsets = [0, 64], sizes = [256, 64], strides = [1, 1]} : vector<256x128xf32> to vector<256x64xf32>
    %mul3A_1900 = arith.constant 1.250000e-01 : f32
    %mul3A_1901 = vector.broadcast %mul3A_1900 : f32 to vector<256x64xf32>
    %mul3A_1902 = arith.mulf %slice3A_1899, %mul3A_1901 : vector<256x64xf32>
    %dot_general3A_1903 = arith.constant dense<0.000000e+00> : vector<256x128xf32>
    %dot_general3A_1904 = tpu.matmul %mul3A_1902, %add3A_1278, %dot_general3A_1903 {dimension_numbers = #tpu.dot_dimension_numbers<[1], [1], [0], [0], [0, 0, 1, 0], [], []>, transpose_lhs_hint = false} : vector<256x64xf32>, vector<128x64xf32>, vector<256x128xf32> -> vector<256x128xf32>
    %reduce_max3A_1905 = arith.constant dense<0xFF800000> : vector<256xf32>
    %reduce_max3A_1906 = vector.multi_reduction <maximumf>, %dot_general3A_1904, %reduce_max3A_1905 [1] : vector<256x128xf32> to vector<256xf32>
    %broadcast_in_dim3A_1907 = vector.shape_cast %reduce_max3A_1906 : vector<256xf32> to vector<256x1xf32>
    %sub3A_1908 = vector.broadcast %broadcast_in_dim3A_1907 : vector<256x1xf32> to vector<256x128xf32>
    %sub3A_1909 = arith.subf %dot_general3A_1904, %sub3A_1908 : vector<256x128xf32>
    %exp3A_1910 = math.exp %sub3A_1909 : vector<256x128xf32>
    %dot_general3A_1911 = arith.constant dense<0.000000e+00> : vector<256x65xf32>
    %dot_general3A_1912 = tpu.matmul %exp3A_1910, %concatenate3A_1375, %dot_general3A_1911 {dimension_numbers = #tpu.dot_dimension_numbers<[1], [0], [0], [1], [0, 0, 1, 1], [], []>, transpose_lhs_hint = false} : vector<256x128xf32>, vector<128x65xf32>, vector<256x65xf32> -> vector<256x65xf32>
    %slice3A_1913 = vector.extract_strided_slice %dot_general3A_1912 {offsets = [0, 0], sizes = [256, 64], strides = [1, 1]} : vector<256x65xf32> to vector<256x64xf32>
    %slice3A_1914 = vector.extract_strided_slice %dot_general3A_1912 {offsets = [0, 64], sizes = [256, 1], strides = [1, 1]} : vector<256x65xf32> to vector<256x1xf32>
    %div3A_1915 = arith.constant 1.000000e+00 : f32
    %div3A_1916 = vector.broadcast %div3A_1915 : f32 to vector<256x1xf32>
    %div3A_1917 = arith.divf %div3A_1916, %slice3A_1914 : vector<256x1xf32>
    %mul3A_1918 = vector.broadcast %div3A_1917 : vector<256x1xf32> to vector<256x64xf32>
    %mul3A_1919 = arith.mulf %slice3A_1913, %mul3A_1918 : vector<256x64xf32>
    %convert_element_type3A_1920 = arith.truncf %mul3A_1902 : vector<256x64xf32> to vector<256x64xbf16>
    %dot_general3A_1921 = arith.constant dense<0.000000e+00> : vector<256x2048xf32>
    %dot_general3A_1922 = tpu.matmul %convert_element_type3A_1920, %convert_element_type3A_1372, %dot_general3A_1921 {dimension_numbers = #tpu.dot_dimension_numbers<[1], [1], [0], [0], [0, 0, 1, 0], [], []>, transpose_lhs_hint = false} : vector<256x64xbf16>, vector<2048x64xbf16>, vector<256x2048xf32> -> vector<256x2048xf32>
    %convert_element_type3A_1923 = arith.truncf %dot_general3A_1922 : vector<256x2048xf32> to vector<256x2048xbf16>
    %reduce_max3A_1924 = arith.constant dense<0xFF80> : vector<256xbf16>
    %reduce_max3A_1925 = vector.multi_reduction <maximumf>, %convert_element_type3A_1923, %reduce_max3A_1924 [1] : vector<256x2048xbf16> to vector<256xbf16>
    %broadcast_in_dim3A_1926 = vector.shape_cast %reduce_max3A_1925 : vector<256xbf16> to vector<256x1xbf16>
    %convert_element_type3A_1927 = arith.extf %convert_element_type3A_1923 : vector<256x2048xbf16> to vector<256x2048xf32>
    %convert_element_type3A_1928 = arith.extf %broadcast_in_dim3A_1926 : vector<256x1xbf16> to vector<256x1xf32>
    %sub3A_1929 = vector.broadcast %convert_element_type3A_1928 : vector<256x1xf32> to vector<256x2048xf32>
    %sub3A_1930 = arith.subf %convert_element_type3A_1927, %sub3A_1929 : vector<256x2048xf32>
    %exp3A_1931 = math.exp %sub3A_1930 : vector<256x2048xf32>
    %convert_element_type3A_1932 = arith.truncf %exp3A_1931 : vector<256x2048xf32> to vector<256x2048xbf16>
    %dot_general3A_1933 = arith.constant dense<0.000000e+00> : vector<256x65xf32>
    %dot_general3A_1934 = tpu.matmul %convert_element_type3A_1932, %convert_element_type3A_1374, %dot_general3A_1933 {dimension_numbers = #tpu.dot_dimension_numbers<[1], [0], [0], [1], [0, 0, 1, 1], [], []>, transpose_lhs_hint = false} : vector<256x2048xbf16>, vector<2048x65xbf16>, vector<256x65xf32> -> vector<256x65xf32>
    %slice3A_1935 = vector.extract_strided_slice %dot_general3A_1934 {offsets = [0, 0], sizes = [256, 64], strides = [1, 1]} : vector<256x65xf32> to vector<256x64xf32>
    %slice3A_1936 = vector.extract_strided_slice %dot_general3A_1934 {offsets = [0, 64], sizes = [256, 1], strides = [1, 1]} : vector<256x65xf32> to vector<256x1xf32>
    %div3A_1937 = arith.constant 1.000000e+00 : f32
    %div3A_1938 = vector.broadcast %div3A_1937 : f32 to vector<256x1xf32>
    %div3A_1939 = arith.divf %div3A_1938, %slice3A_1936 : vector<256x1xf32>
    %mul3A_1940 = vector.broadcast %div3A_1939 : vector<256x1xf32> to vector<256x64xf32>
    %mul3A_1941 = arith.mulf %slice3A_1935, %mul3A_1940 : vector<256x64xf32>
    %concatenate3A_1942 = tpu.concatenate %mul3A_1919, %mul3A_1941 in 1 : vector<256x64xf32>, vector<256x64xf32> -> vector<256x128xf32>
    %dot_general3A_1943 = arith.constant dense<0.000000e+00> : vector<256x64xf32>
    %dot_general3A_1944 = tpu.matmul %concatenate3A_1942, %get3A_50, %dot_general3A_1943 {dimension_numbers = #tpu.dot_dimension_numbers<[1], [0], [0], [1], [0, 0, 1, 1], [], []>, transpose_lhs_hint = false} : vector<256x128xf32>, vector<128x64xf32>, vector<256x64xf32> -> vector<256x64xf32>
    %add3A_1945 = arith.addf %tanh3A_1898, %dot_general3A_1944 : vector<256x64xf32>
    %sub3A_1946 = arith.constant 1.000000e+00 : f32
    %sub3A_1947 = arith.subf %sub3A_1946, %logistic3A_1384 : f32
    %mul3A_1948 = vector.broadcast %sub3A_1947 : f32 to vector<256x64xf32>
    %mul3A_1949 = arith.mulf %mul3A_1948, %add3A_1175 : vector<256x64xf32>
    %mul3A_1950 = vector.broadcast %logistic3A_1384 : f32 to vector<256x64xf32>
    %mul3A_1951 = arith.mulf %mul3A_1950, %add3A_1945 : vector<256x64xf32>
    %add3A_1952 = arith.addf %mul3A_1949, %mul3A_1951 : vector<256x64xf32>
    %concatenate3A_1953 = tpu.concatenate %add3A_1455, %add3A_1526, %add3A_1597, %add3A_1668, %add3A_1739, %add3A_1810, %add3A_1881, %add3A_1952 in 1 : vector<256x64xf32>, vector<256x64xf32>, vector<256x64xf32>, vector<256x64xf32>, vector<256x64xf32>, vector<256x64xf32>, vector<256x64xf32>, vector<256x64xf32> -> vector<256x512xf32>
    %swap3A = arith.constant 0 : index
    %swap3A_1954 = arith.constant 0 : index
    %swap3A_1955 = vector.load %arg19[%swap3A, %swap3A_1954] : memref<256x512xf32, #tpu.memory_space<vmem>>, vector<256x512xf32>
    tpu.vector_store %arg19[%swap3A, %swap3A_1954], %concatenate3A_1953 {strides = array<i32>} : memref<256x512xf32, #tpu.memory_space<vmem>>, vector<256x512xf32>,
    return
  }
  func.func @transform_0(%arg0: i32, %arg1: i32) -> (i32, i32) {
    %c0_i32 = arith.constant 0 : i32
    %c0_i32_0 = arith.constant 0 : i32
    return %arg1, %c0_i32 : i32, i32
  }
  func.func @transform_1(%arg0: i32, %arg1: i32) -> (i32, i32) {
    %c0_i32 = arith.constant 0 : i32
    %c0_i32_0 = arith.constant 0 : i32
    %c0_i32_1 = arith.constant 0 : i32
    return %c0_i32, %c0_i32_0 : i32, i32
  }
  func.func @transform_2(%arg0: i32, %arg1: i32) -> (i32, i32) {
    %c0_i32 = arith.constant 0 : i32
    %c0_i32_0 = arith.constant 0 : i32
    return %c0_i32, %arg0 : i32, i32
  }
  func.func @transform_3(%arg0: i32, %arg1: i32) -> (i32, i32) {
    %c0_i32 = arith.constant 0 : i32
    %c0_i32_0 = arith.constant 0 : i32
    return %c0_i32, %arg0 : i32, i32
  }
  func.func @transform_4(%arg0: i32, %arg1: i32) -> (i32, i32, i32) {
    %c0_i32 = arith.constant 0 : i32
    %c0_i32_0 = arith.constant 0 : i32
    %c0_i32_1 = arith.constant 0 : i32
    return %arg0, %c0_i32, %c0_i32_0 : i32, i32, i32
  }
  func.func @transform_5(%arg0: i32, %arg1: i32) -> (i32, i32, i32) {
    %c0_i32 = arith.constant 0 : i32
    %c0_i32_0 = arith.constant 0 : i32
    %c0_i32_1 = arith.constant 0 : i32
    return %arg0, %c0_i32, %c0_i32_0 : i32, i32, i32
  }
  func.func @transform_6(%arg0: i32, %arg1: i32) -> (i32, i32, i32) {
    %c0_i32 = arith.constant 0 : i32
    %c0_i32_0 = arith.constant 0 : i32
    %c0_i32_1 = arith.constant 0 : i32
    return %arg0, %c0_i32, %c0_i32_0 : i32, i32, i32
  }
  func.func @transform_7(%arg0: i32, %arg1: i32) -> (i32, i32) {
    %c0_i32 = arith.constant 0 : i32
    %c0_i32_0 = arith.constant 0 : i32
    %c0_i32_1 = arith.constant 0 : i32
    return %c0_i32, %c0_i32_0 : i32, i32
  }
  func.func @transform_8(%arg0: i32, %arg1: i32) -> (i32, i32, i32) {
    %mul3A = arith.constant 4 : i32
    %mul3A_0 = arith.muli %arg1, %mul3A : i32
    %add3A = arith.addi %mul3A_0, %arg0 : i32
    %c0_i32 = arith.constant 0 : i32
    %c0_i32_1 = arith.constant 0 : i32
    %c0_i32_2 = arith.constant 0 : i32
    return %add3A, %c0_i32, %c0_i32_1 : i32, i32, i32
  }
  func.func @transform_9(%arg0: i32, %arg1: i32) -> (i32, i32, i32) {
    %mul3A = arith.constant 4 : i32
    %mul3A_0 = arith.muli %arg1, %mul3A : i32
    %add3A = arith.addi %mul3A_0, %arg0 : i32
    %c0_i32 = arith.constant 0 : i32
    %c0_i32_1 = arith.constant 0 : i32
    %c0_i32_2 = arith.constant 0 : i32
    return %add3A, %c0_i32, %c0_i32_1 : i32, i32, i32
  }
  func.func @transform_10(%arg0: i32, %arg1: i32) -> (i32, i32, i32) {
    %mul3A = arith.constant 4 : i32
    %mul3A_0 = arith.muli %arg1, %mul3A : i32
    %add3A = arith.addi %mul3A_0, %arg0 : i32
    %c0_i32 = arith.constant 0 : i32
    %c0_i32_1 = arith.constant 0 : i32
    %c0_i32_2 = arith.constant 0 : i32
    return %add3A, %c0_i32, %c0_i32_1 : i32, i32, i32
  }
  func.func @transform_11(%arg0: i32, %arg1: i32) -> (i32, i32, i32) {
    %mul3A = arith.constant 4 : i32
    %mul3A_0 = arith.muli %arg1, %mul3A : i32
    %add3A = arith.addi %mul3A_0, %arg0 : i32
    %c0_i32 = arith.constant 0 : i32
    %c0_i32_1 = arith.constant 0 : i32
    %c0_i32_2 = arith.constant 0 : i32
    return %add3A, %c0_i32, %c0_i32_1 : i32, i32, i32
  }
  func.func @transform_12(%arg0: i32, %arg1: i32) -> (i32, i32, i32) {
    %mul3A = arith.constant 4 : i32
    %mul3A_0 = arith.muli %arg1, %mul3A : i32
    %add3A = arith.addi %mul3A_0, %arg0 : i32
    %c0_i32 = arith.constant 0 : i32
    %c0_i32_1 = arith.constant 0 : i32
    %c0_i32_2 = arith.constant 0 : i32
    return %add3A, %c0_i32, %c0_i32_1 : i32, i32, i32
  }
  func.func @transform_13(%arg0: i32, %arg1: i32) -> (i32, i32, i32) {
    %mul3A = arith.constant 4 : i32
    %mul3A_0 = arith.muli %arg1, %mul3A : i32
    %add3A = arith.addi %mul3A_0, %arg0 : i32
    %c0_i32 = arith.constant 0 : i32
    %c0_i32_1 = arith.constant 0 : i32
    %c0_i32_2 = arith.constant 0 : i32
    return %add3A, %c0_i32, %c0_i32_1 : i32, i32, i32
  }
  func.func @transform_14(%arg0: i32, %arg1: i32) -> (i32, i32) {
    %c0_i32 = arith.constant 0 : i32
    %c0_i32_0 = arith.constant 0 : i32
    %c0_i32_1 = arith.constant 0 : i32
    return %c0_i32, %c0_i32_0 : i32, i32
  }
  func.func @transform_15(%arg0: i32, %arg1: i32) -> (i32, i32) {
    %c0_i32 = arith.constant 0 : i32
    %c0_i32_0 = arith.constant 0 : i32
    %c0_i32_1 = arith.constant 0 : i32
    return %c0_i32, %c0_i32_0 : i32, i32
  }
  func.func @transform_16(%arg0: i32, %arg1: i32) -> (i32, i32) {
    %c0_i32 = arith.constant 0 : i32
    %c0_i32_0 = arith.constant 0 : i32
    %c0_i32_1 = arith.constant 0 : i32
    return %c0_i32, %c0_i32_0 : i32, i32
  }
  func.func @transform_17(%arg0: i32, %arg1: i32) -> (i32, i32) {
    %c0_i32 = arith.constant 0 : i32
    return %arg1, %arg0 : i32, i32
  }
}

module attributes {stable_mosaic.version = 14 : i64} {
  func.func @_fanin_ln_kernel(%arg0: i32, %arg1: memref<256x2048xf32, #tpu.memory_space<vmem>>, %arg2: memref<2048x768xf32, #tpu.memory_space<vmem>>, %arg3: memref<1x768xf32, #tpu.memory_space<vmem>>, %arg4: memref<1x768xf32, #tpu.memory_space<vmem>>, %arg5: memref<1x768xf32, #tpu.memory_space<vmem>>, %arg6: memref<256x768xf32, #tpu.memory_space<vmem>>) attributes {dimension_semantics = [#tpu.dimension_semantics<arbitrary>], iteration_bounds = array<i64: 4>, scalar_prefetch = 0 : i64, scratch_operands = 0 : i64, tpu.core_type = #tpu.core_type<tc>, window_params = [{transform_indices = @transform_0, window_bounds = array<i64: 256, 2048>}, {pipeline_mode = #tpu.pipeline_mode<synchronous>, transform_indices = @transform_1, window_bounds = array<i64: 2048, 768>}, {pipeline_mode = #tpu.pipeline_mode<synchronous>, transform_indices = @transform_2, window_bounds = array<i64: 1, 768>}, {pipeline_mode = #tpu.pipeline_mode<synchronous>, transform_indices = @transform_3, window_bounds = array<i64: 1, 768>}, {pipeline_mode = #tpu.pipeline_mode<synchronous>, transform_indices = @transform_4, window_bounds = array<i64: 1, 768>}, {transform_indices = @transform_5, window_bounds = array<i64: 256, 768>}]} {
    %get3A = arith.constant 0 : index
    %get3A_0 = arith.constant 0 : index
    %get3A_1 = vector.load %arg1[%get3A, %get3A_0] : memref<256x2048xf32, #tpu.memory_space<vmem>>, vector<256x2048xf32>
    %get3A_2 = arith.constant 0 : index
    %get3A_3 = arith.constant 0 : index
    %get3A_4 = vector.load %arg2[%get3A_2, %get3A_3] : memref<2048x768xf32, #tpu.memory_space<vmem>>, vector<2048x768xf32>
    %dot_general3A = arith.constant dense<0.000000e+00> : vector<256x768xf32>
    %dot_general3A_5 = tpu.matmul %get3A_1, %get3A_4, %dot_general3A {dimension_numbers = #tpu.dot_dimension_numbers<[1], [0], [0], [1], [0, 0, 1, 1], [], []>, transpose_lhs_hint = false} : vector<256x2048xf32>, vector<2048x768xf32>, vector<256x768xf32> -> vector<256x768xf32>
    %get3A_6 = arith.constant 0 : index
    %get3A_7 = arith.constant 0 : index
    %get3A_8 = vector.load %arg3[%get3A_6, %get3A_7] : memref<1x768xf32, #tpu.memory_space<vmem>>, vector<1x768xf32>
    %add3A = vector.broadcast %get3A_8 : vector<1x768xf32> to vector<256x768xf32>
    %add3A_9 = arith.addf %dot_general3A_5, %add3A : vector<256x768xf32>
    %reduce_sum3A = arith.constant dense<0.000000e+00> : vector<256xf32>
    %reduce_sum3A_10 = vector.multi_reduction <add>, %add3A_9, %reduce_sum3A [1] : vector<256x768xf32> to vector<256xf32>
    %broadcast_in_dim3A = vector.shape_cast %reduce_sum3A_10 : vector<256xf32> to vector<256x1xf32>
    %div3A = arith.constant 7.680000e+02 : f32
    %div3A_11 = vector.broadcast %div3A : f32 to vector<256x1xf32>
    %div3A_12 = arith.divf %broadcast_in_dim3A, %div3A_11 : vector<256x1xf32>
    %sub3A = vector.broadcast %div3A_12 : vector<256x1xf32> to vector<256x768xf32>
    %sub3A_13 = arith.subf %add3A_9, %sub3A : vector<256x768xf32>
    %sub3A_14 = vector.broadcast %div3A_12 : vector<256x1xf32> to vector<256x768xf32>
    %sub3A_15 = arith.subf %add3A_9, %sub3A_14 : vector<256x768xf32>
    %mul3A = arith.mulf %sub3A_13, %sub3A_15 : vector<256x768xf32>
    %reduce_sum3A_16 = arith.constant dense<0.000000e+00> : vector<256xf32>
    %reduce_sum3A_17 = vector.multi_reduction <add>, %mul3A, %reduce_sum3A_16 [1] : vector<256x768xf32> to vector<256xf32>
    %broadcast_in_dim3A_18 = vector.shape_cast %reduce_sum3A_17 : vector<256xf32> to vector<256x1xf32>
    %div3A_19 = arith.constant 7.680000e+02 : f32
    %div3A_20 = vector.broadcast %div3A_19 : f32 to vector<256x1xf32>
    %div3A_21 = arith.divf %broadcast_in_dim3A_18, %div3A_20 : vector<256x1xf32>
    %sub3A_22 = vector.broadcast %div3A_12 : vector<256x1xf32> to vector<256x768xf32>
    %sub3A_23 = arith.subf %add3A_9, %sub3A_22 : vector<256x768xf32>
    %add3A_24 = arith.constant 9.99999974E-6 : f32
    %add3A_25 = vector.broadcast %add3A_24 : f32 to vector<256x1xf32>
    %add3A_26 = arith.addf %div3A_21, %add3A_25 : vector<256x1xf32>
    %rsqrt3A = math.rsqrt %add3A_26 : vector<256x1xf32>
    %mul3A_27 = vector.broadcast %rsqrt3A : vector<256x1xf32> to vector<256x768xf32>
    %mul3A_28 = arith.mulf %sub3A_23, %mul3A_27 : vector<256x768xf32>
    %get3A_29 = arith.constant 0 : index
    %get3A_30 = arith.constant 0 : index
    %get3A_31 = vector.load %arg4[%get3A_29, %get3A_30] : memref<1x768xf32, #tpu.memory_space<vmem>>, vector<1x768xf32>
    %mul3A_32 = vector.broadcast %get3A_31 : vector<1x768xf32> to vector<256x768xf32>
    %mul3A_33 = arith.mulf %mul3A_28, %mul3A_32 : vector<256x768xf32>
    %get3A_34 = arith.constant 0 : index
    %get3A_35 = arith.constant 0 : index
    %get3A_36 = vector.load %arg5[%get3A_34, %get3A_35] : memref<1x768xf32, #tpu.memory_space<vmem>>, vector<1x768xf32>
    %add3A_37 = vector.broadcast %get3A_36 : vector<1x768xf32> to vector<256x768xf32>
    %add3A_38 = arith.addf %mul3A_33, %add3A_37 : vector<256x768xf32>
    %swap3A = arith.constant 0 : index
    %swap3A_39 = arith.constant 0 : index
    %swap3A_40 = vector.load %arg6[%swap3A, %swap3A_39] : memref<256x768xf32, #tpu.memory_space<vmem>>, vector<256x768xf32>
    tpu.vector_store %arg6[%swap3A, %swap3A_39], %add3A_38 {strides = array<i32>} : memref<256x768xf32, #tpu.memory_space<vmem>>, vector<256x768xf32>,
    return
  }
  func.func @transform_0(%arg0: i32) -> (i32, i32) {
    %c0_i32 = arith.constant 0 : i32
    %c0_i32_0 = arith.constant 0 : i32
    return %arg0, %c0_i32 : i32, i32
  }
  func.func @transform_1(%arg0: i32) -> (i32, i32) {
    %c0_i32 = arith.constant 0 : i32
    %c0_i32_0 = arith.constant 0 : i32
    %c0_i32_1 = arith.constant 0 : i32
    return %c0_i32, %c0_i32_0 : i32, i32
  }
  func.func @transform_2(%arg0: i32) -> (i32, i32) {
    %c0_i32 = arith.constant 0 : i32
    %c0_i32_0 = arith.constant 0 : i32
    %c0_i32_1 = arith.constant 0 : i32
    return %c0_i32, %c0_i32_0 : i32, i32
  }
  func.func @transform_3(%arg0: i32) -> (i32, i32) {
    %c0_i32 = arith.constant 0 : i32
    %c0_i32_0 = arith.constant 0 : i32
    %c0_i32_1 = arith.constant 0 : i32
    return %c0_i32, %c0_i32_0 : i32, i32
  }
  func.func @transform_4(%arg0: i32) -> (i32, i32) {
    %c0_i32 = arith.constant 0 : i32
    %c0_i32_0 = arith.constant 0 : i32
    %c0_i32_1 = arith.constant 0 : i32
    return %c0_i32, %c0_i32_0 : i32, i32
  }
  func.func @transform_5(%arg0: i32) -> (i32, i32) {
    %c0_i32 = arith.constant 0 : i32
    %c0_i32_0 = arith.constant 0 : i32
    return %arg0, %c0_i32 : i32, i32
  }
}

module attributes {stable_mosaic.version = 14 : i64} {
  func.func @_logits_kernel(%arg0: i32, %arg1: memref<1024x768xf32, #tpu.memory_space<vmem>>, %arg2: memref<1280x768xf32, #tpu.memory_space<vmem>>, %arg3: memref<1024x1280xf32, #tpu.memory_space<vmem>>) attributes {dimension_semantics = [#tpu.dimension_semantics<arbitrary>], iteration_bounds = array<i64: 25>, scalar_prefetch = 0 : i64, scratch_operands = 0 : i64, tpu.core_type = #tpu.core_type<tc>, window_params = [{pipeline_mode = #tpu.pipeline_mode<synchronous>, transform_indices = @transform_0, window_bounds = array<i64: 1024, 768>}, {transform_indices = @transform_1, window_bounds = array<i64: 1280, 768>}, {transform_indices = @transform_2, window_bounds = array<i64: 1024, 1280>}]} {
    %get3A = arith.constant 0 : index
    %get3A_0 = arith.constant 0 : index
    %get3A_1 = vector.load %arg1[%get3A, %get3A_0] : memref<1024x768xf32, #tpu.memory_space<vmem>>, vector<1024x768xf32>
    %get3A_2 = arith.constant 0 : index
    %get3A_3 = arith.constant 0 : index
    %get3A_4 = vector.load %arg2[%get3A_2, %get3A_3] : memref<1280x768xf32, #tpu.memory_space<vmem>>, vector<1280x768xf32>
    %dot_general3A = arith.constant dense<0.000000e+00> : vector<1024x1280xf32>
    %dot_general3A_5 = tpu.matmul %get3A_1, %get3A_4, %dot_general3A {dimension_numbers = #tpu.dot_dimension_numbers<[1], [1], [0], [0], [0, 0, 1, 0], [], []>, transpose_lhs_hint = false} : vector<1024x768xf32>, vector<1280x768xf32>, vector<1024x1280xf32> -> vector<1024x1280xf32>
    %swap3A = arith.constant 0 : index
    %swap3A_6 = arith.constant 0 : index
    %swap3A_7 = vector.load %arg3[%swap3A, %swap3A_6] : memref<1024x1280xf32, #tpu.memory_space<vmem>>, vector<1024x1280xf32>
    tpu.vector_store %arg3[%swap3A, %swap3A_6], %dot_general3A_5 {strides = array<i32>} : memref<1024x1280xf32, #tpu.memory_space<vmem>>, vector<1024x1280xf32>,
    return
  }
  func.func @transform_0(%arg0: i32) -> (i32, i32) {
    %c0_i32 = arith.constant 0 : i32
    %c0_i32_0 = arith.constant 0 : i32
    %c0_i32_1 = arith.constant 0 : i32
    return %c0_i32, %c0_i32_0 : i32, i32
  }
  func.func @transform_1(%arg0: i32) -> (i32, i32) {
    %c0_i32 = arith.constant 0 : i32
    %c0_i32_0 = arith.constant 0 : i32
    return %arg0, %c0_i32 : i32, i32
  }
  func.func @transform_2(%arg0: i32) -> (i32, i32) {
    %c0_i32 = arith.constant 0 : i32
    %c0_i32_0 = arith.constant 0 : i32
    return %c0_i32, %arg0 : i32, i32
  }
}

</mosaic_0001>

<sc_bundles>
// kernel: kernel.6.cloned.1.call-start
scs
__scs_entry_jumppad:
0x0: {  	(pc) =	sbr.rel $0x88, $3  }
0x1: {  	(tag) =	ssettag $0x0;
	lr =	simm.s32 $0x1  }
0x2: {  	[smem:$0x3F85] =	sst lr;
	_ =	strace $0xD0000000  }
0x3: {  	_ = 	snop  }
0x4: {  	_ = 	snop  }
0x5: {  	_ = 	snop  }
0x6: {  	_ = 	snop  }
0x7: {  	_ = 	snop  }
__scs_overlays_trampoline_lowered:
0x8: {  	[smem:$0x3F94] =	sst s0  }
0x9: {  	[smem:$0x3F95] =	sst s1  }
0xa: {  	[smem:$0x3F96] =	sst s2  }
0xb: {  	[smem:$0x3F97] =	sst s3  }
0xc: {  	[smem:$0x3F98] =	sst s4  }
0xd: {  	[smem:$0x3F99] =	sst s5  }
0xe: {  	[smem:$0x3F9A] =	sst s6  }
0xf: {  	[smem:$0x3F9B] =	sst s7  }
0x10: {  	[smem:$0x3F9C] =	sst s8  }
0x11: {  	[smem:$0x3F9D] =	sst s9;
	s0 =	simm.s32 @!p0 $0x0  }
0x12: {  	s1 =	sld [smem:$0x3F83];
	s0 =	simm.s32 @p0 $0x1  }
0x13: {  	[smem:$0x3F9E] =	sst s0;
	s0 =	simm.s32 @!p1 $0x0  }
0x14: {  	s2 =	sld [smem:$0x3F82];
	s0 =	simm.s32 @p1 $0x1  }
0x15: {  	[smem:$0x3F9F] =	sst s0;
	s0 =	simm.s32 @!p2 $0x0  }
0x16: {  	s3 =	sld [smem:$0x3FDB];
	s0 =	simm.s32 @p2 $0x1  }
0x17: {  	s4 =	simm.s32 $0x1BF5;
	[smem:$0x3FA1] =	sst s0  }
0x18: {  	s0 =	sld [smem:$0x3F84];
	_ =	swait.ge [sflag:s4], $0x0  }
0x19: {  	s7 =	sld [smem:$0x3F85]  }
0x1a: {  	s8 =	sadd.s32 $0xFFFFE003, lr  }
0x1b: {  	s9 =	sadd.s32 $0xFFFFFEF7, lr;
	s5 =	simm.s32 $0xFFFFFFFF;
	p2 =	slt.u32 s8, $0xFFFFF086  }
0x1c: {  	p1 =	slt.u32 s9, $0xF7A;
	s5 =	simm.s32 @!p2 $0x0  }
0x1d: {  	s5 =	simm.s32 @p1 $0x1;
	p0 =	seq.s32 s7, s2  }
0x1e: {  	s7 =	smul.u32 @!p0 $0xF7A, s2;
	p2 =	seq.s32 @!p0 s5, $0x0  }
0x1f: {  	s9 =	smul.u32 $0xF7A, s1;
	s8 =	simm.s32 @!p0 $0x1BF5;
	p2 =	por !p2, p0  }
0x20: {  	[sflag:s8] =	ssyncset.s32 @!p0 $0xFFFFF086;
	s6 =	sadd.s32 @!p0 s3, s7;
	s7 =	simm.s32 @!p0 $0x108  }
0x21: {  	s3 =	sadd.s32 s3, s9;
	s6 =	sadd.s32 @!p0 $0x88, s6;
	s7 =	simm.s32 @p2 $0x1082  }
0x22: {  	[simem:s7], [sflag:s8] =	dma.local @!p0 [hbm:s6], $0xF7A  }
0x23: {  	s9 =	sor.u32 $0xD0000000, s2;
	s6 =	simm.s32 $0x108;
	_ =	swait.ge @!p0 [sflag:s8], $0x0  }
0x24: {  	s3 =	sadd.s32 $0x88, s3;
	s6 =	simm.s32 @!p1 $0x1082;
	[sflag:s4] =	ssyncset.s32 $0xFFFFF086  }
0x25: {  	[simem:s6], [sflag:s4] =	dma.local [hbm:s3], $0xF7A  }
0x26: {  	[smem:$0x3F85] =	sst s1;
	(tag) =	ssettag s2;
	_ =	strace s9  }
0x27: {  	s1 =	sld [smem:$0x3F95]  }
0x28: {  	s2 =	sld [smem:$0x3F96]  }
0x29: {  	s4 =	sld [smem:$0x3F98]  }
0x2a: {  	p0 =	seq.s32 s5, $0x0;
	s5 =	sld [smem:$0x3F99]  }
0x2b: {  	s6 =	sld [smem:$0x3F9A]  }
0x2c: {  	s7 =	sld [smem:$0x3F9B]  }
0x2d: {  	s3 =	simm.s32 $0x108;
	s8 =	sld [smem:$0x3F9C]  }
0x2e: {  	s3 =	simm.s32 @!p0 $0x1082;
	s9 =	sld [smem:$0x3F9D]  }
0x2f: {  	lr =	sadd.s32 s0, s3;
	s0 =	sld [smem:$0x3F94]  }
0x30: {  	s3 =	sld [smem:$0x3F97]  }
0x31: {  	[smem:$0x3FA0] =	sst s10  }
0x32: {  	s10 =	sld [smem:$0x3F9E];
	_ =	sdelay $0x3  }
0x33: {  	p0 =	seq.s32 s10, $0x1;
	s10 =	sld [smem:$0x3FA0];
	_ =	sdelay $0x3  }
0x34: {  	[smem:$0x3FA0] =	sst s10  }
0x35: {  	s10 =	sld [smem:$0x3F9F];
	_ =	sdelay $0x3  }
0x36: {  	p1 =	seq.s32 s10, $0x1;
	s10 =	sld [smem:$0x3FA0];
	_ =	sdelay $0x3  }
0x37: {  	[smem:$0x3FA0] =	sst s10  }
0x38: {  	s10 =	sld [smem:$0x3FA1]  }
0x39: {  	_ = 	snop;
	(pc) =	sbr.ind lr, $3  }
0x3a: {  	_ = 	snop  }
0x3b: {  	_ = 	snop  }
0x3c: {  	p2 =	seq.s32 s10, $0x1;
	s10 =	sld [smem:$0x3FA0]  }
0x3d: {  	_ =	shalt  }
0x3e: {  	_ =	shalt  }
0x3f: {  	_ =	shalt  }
0x40: {  	_ =	shalt  }
0x41: {  	_ =	shalt  }
0x42: {  	_ =	shalt  }
0x43: {  	_ =	shalt  }
0x44: {  	_ =	shalt  }
0x45: {  	_ =	shalt  }
0x46: {  	_ =	shalt  }
0x47: {  	_ =	shalt  }
0x48: {  	_ =	shalt  }
0x49: {  	_ =	shalt  }
0x4a: {  	_ =	shalt  }
0x4b: {  	_ =	shalt  }
0x4c: {  	_ =	shalt  }
0x4d: {  	_ =	shalt  }
0x4e: {  	_ =	shalt  }
0x4f: {  	_ =	shalt  }
0x50: {  	_ =	shalt  }
0x51: {  	_ =	shalt  }
0x52: {  	_ =	shalt  }
0x53: {  	_ =	shalt  }
0x54: {  	_ =	shalt  }
0x55: {  	_ =	shalt  }
0x56: {  	_ =	shalt  }
0x57: {  	_ =	shalt  }
0x58: {  	_ =	shalt  }
0x59: {  	_ =	shalt  }
0x5a: {  	_ =	shalt  }
0x5b: {  	_ =	shalt  }
0x5c: {  	_ =	shalt  }
0x5d: {  	_ =	shalt  }
0x5e: {  	_ =	shalt  }
0x5f: {  	_ =	shalt  }
0x60: {  	_ =	shalt  }
0x61: {  	_ =	shalt  }
0x62: {  	_ =	shalt  }
0x63: {  	_ =	shalt  }
0x64: {  	_ =	shalt  }
0x65: {  	_ =	shalt  }
0x66: {  	_ =	shalt  }
0x67: {  	_ =	shalt  }
0x68: {  	_ =	shalt  }
0x69: {  	_ =	shalt  }
0x6a: {  	_ =	shalt  }
0x6b: {  	_ =	shalt  }
0x6c: {  	_ =	shalt  }
0x6d: {  	_ =	shalt  }
0x6e: {  	_ =	shalt  }
0x6f: {  	_ =	shalt  }
0x70: {  	_ =	shalt  }
0x71: {  	_ =	shalt  }
0x72: {  	_ =	shalt  }
0x73: {  	_ =	shalt  }
0x74: {  	_ =	shalt  }
0x75: {  	_ =	shalt  }
0x76: {  	_ =	shalt  }
0x77: {  	_ =	shalt  }
0x78: {  	_ =	shalt  }
0x79: {  	_ =	shalt  }
0x7a: {  	_ =	shalt  }
0x7b: {  	_ =	shalt  }
0x7c: {  	_ =	shalt  }
0x7d: {  	_ =	shalt  }
0x7e: {  	_ =	shalt  }
0x7f: {  	_ =	shalt  }
0x80: {  	_ =	shalt  }
0x81: {  	_ =	shalt  }
0x82: {  	_ =	shalt  }
0x83: {  	_ =	shalt  }
0x84: {  	_ =	shalt  }
0x85: {  	_ =	shalt  }
0x86: {  	_ =	shalt  }
0x87: {  	_ =	shalt  }
.Lfunc_end0:
.L_simem_size_0:
called_computation_lowered:
.L_overlay_start_0:
0x88: {  	s2 =	sld [smem:$0x3FD9]  }
0x89: {  	s3 =	sld [smem:$0x3FFE];
	_ =	sdelay $0x1  }
0x8a: {  	s1 =	srdreg.scid  }
0x8b: {  	s0 =	sand.u32 $0x1, s1  }
0x8c: {  	s17 =	sshll.u32 s0, $0xA;
	s2 =	sadd.s32 s3, s2  }
0x8d: {  	s2 =	sadd.s32 s2, s17  }
0x8e: {  	[smem:$0x3FAC] =	sst s2  }
0x8f: {  	_ = 	snop  }
0x90: {  	s2 =	sld [smem:$0x3FC8];
	(tm) =	ssettm $0x1  }
0x91: {  	s18 =	sld [smem:$0x3FFB];
	_ =	sdelay $0x3  }
0x92: {  	_ =	strace s18  }
0x93: {  	s3 =	sld [smem:$0x3FFC];
	_ =	sdelay $0x3  }
0x94: {  	_ =	strace s3  }
0x95: {  	s3 =	sld [smem:$0x3FFD];
	_ =	sdelay $0x3  }
0x96: {  	_ =	strace s3  }
0x97: {  	_ =	strace $0x8FFFFFFF  }
0x98: {  	s19 =	sld [smem:$0x3FDB];
	_ =	sdelay $0x1  }
0x99: {  	s4 =	simm.s32 $_scs_section_size  }
0x9a: {  	s5 =	simm.s32 $_size__tile_overlayer_lowered;
	s6 =	simm.s32 $_tile_overlayer_lowered  }
0x9b: {  	s22 =	simm.s32 $0x1BFF;
	s21 =	sshll.u32 s6, $0x1;
	s3 =	sadd.s32 s4, s19  }
0x9c: {  	s7 =	simm.s32 $0x0;
	s20 =	sshll.u32 s5, $0x1;
	s5 =	sadd.s32 s21, s3  }
0x9d: {  	[timem:s7], [sflag:s22] =	dma.local [hbm:s5], s20  }
0x9e: {  	_ =	swait.ge [sflag:s22], s20  }
0x9f: {  	s4 =	ssub.s32 $0x0, s20;
	[sflag:s22] =	ssyncset.done $0x0  }
0xa0: {  	[sflag:s22] =	ssyncadd.s32 s4;
	_ =	sdelay $0x1  }
0xa1: {  	s23 =	simm.s32 $0x1B8B  }
0xa2: {  	_ =	swait.ge [sflag:s23], $0x1  }
0xa3: {  	[sflag:s23] =	ssyncset.done $0x0  }
0xa4: {  	s25 =	simm.s32 $0x1B8E;
	s24 =	sld [smem:$0x3FFE];
	[sflag:s23] =	ssyncadd.s32 $0xFFFFFFFF  }
0xa5: {  	s26 =	simm.s32 $execute0_lowered;
	[smem:$0x3FD2] =	sst s25  }
0xa6: {  	s5 =	sshll.u32 s26, $0x1;
	_ =	strace $0x80000046;
	[dreg:$0x1] =	wrdreg $0xFFFFFFFF  }
0xa7: {  	s28 =	simm.s32 $_size_execute0_lowered;
	s3 =	sadd.s32 s3, s5;
	[dreg:$0x0] =	wrdreg $0x0  }
0xa8: {  	s5 =	sshll.u32 s28, $0x1;
	[dreg:$0x2] =	wrdreg s3  }
0xa9: {  	[dreg:$0x3] =	wrdreg s5  }
0xaa: {  	[dreg:$0x4] =	wrdreg $0xC0  }
0xab: {  	_ =	task [dreg:s7], $0x5FFFF  }
0xac: {  	[dreg:$0x1] =	wrdreg $0xFFFFFFFF  }
0xad: {  	[dreg:$0x0] =	wrdreg $0x60  }
0xae: {  	[dreg:$0x2] =	wrdreg s2  }
0xaf: {  	[dreg:$0x3] =	wrdreg s24  }
0xb0: {  	[dreg:$0x4] =	wrdreg $0x9  }
0xb1: {  	_ =	task.clear_ibuf [dreg:s7], $0x5FFFF;
	_ =	strace $0x90000046  }
0xb2: {  	s29 =	simm.s32 $0x9;
	_ =	strace $0x80000048  }
0xb3: {  	_ =	swait.ge [sflag:s29], $0x1  }
0xb4: {  	[sflag:s29] =	ssyncadd.s32 $0xFFFFFFFF  }
0xb5: {  	_ =	strace $0x90000048  }
0xb6: {  	_ =	sfence  }
0xb7: {  	s30 =	sld [smem:$0x0];
	_ =	sdelay $0x2  }
0xb8: {  	s31 =	sshll.u32 s1, $0xD;
	s1 =	sshrl.u32 s1, $0x2  }
0xb9: {  	s3 =	sand.u32 $0x4000, s31;
	s1 =	sadd.s32 s1, s30  }
0xba: {  	s0 =	sor.u32 s3, s0;
	s1 =	sshll.u32 s1, $0x11  }
0xbb: {  	s0 =	sor.u32 s1, s0  }
0xbc: {  	s0 =	sadd.s32 $0x8F2B, s0  }
0xbd: {  	[sflag:s0] =	ssyncadd.remote.s32 $0x1  }
0xbe: {  	_ =	sfence.sel $0xFFFF  }
0xbf: {  	[dreg:$0x0] =	wrdreg $0xFFFFFFFF;
	(pc) =	sbr.abs _section_cstart, $3  }
0xc0: {  	[dreg:$0x1] =	wrdreg $0xFFFFFFFF  }
0xc1: {  	_ =	task.clear_ibuf [dreg:s7], $0x2FFFF;
	_ =	strace $0x9FFFFFFF  }
0xc2: {  	(tm) =	ssettm $0x7FFFFFFF  }
0xc3: {  	_ =	shalt  }
tec
execute0_lowered:
.L_overlay_start_1:
0x0: {  	(tag) =	ssettag $0x1  }
0x1: {  	s1 =	srdreg.scid;
	s2 =	rddreg [dreg:$0x0]  }
0x2: {  	s0 =	stileid.u32;
	s5 =	rddreg [dreg:$0x1]  }
0x3: {  	s3 =	simm.s32 $0x0;
	s9 =	simm.s32 $0x2;
	s10 =	simm.s32 $0x80  }
0x4: {  	s11 =	simm.s32 $0x880;
	s12 =	simm.s32 $0x1080;
	s13 =	simm.s32 $0x1880  }
0x5: {  	s14 =	simm.s32 $0x2080;
	s15 =	simm.s32 $0x2880;
	s16 =	simm.s32 $0x3080  }
0x6: {  	s17 =	simm.s32 $0x3880;
	s18 =	simm.s32 $0x4080;
	s19 =	simm.s32 $0x4880  }
0x7: {  	s20 =	simm.s32 $0x5080;
	s21 =	simm.s32 $0x5880;
	s4 =	sand.u32 $0x1, s1  }
0x8: {  	s22 =	simm.s32 $0x1;
	s6 =	sshll.u32 s0, $0x3;
	s7 =	sshll.u32 s4, $0x2  }
0x9: {  	s1 =	rddreg [dreg:$0x2];
	s4 =	ssub.s32 $0x2, s4;
	s6 =	sor.u32 s7, s6  }
0xa: {  	[smem:$0x7FF] =	sst s3;
	s8 =	sshrl.u32 s4, $0x1;
	s7 =	smul.u32 $0x300, s6  }
0xb: {  	v2 =	vlaneseq.u32;
	_ =	strace $0x80000047;
	s6 =	sadd.s32 s6, s5;
	s8 =	ssub.s32 s4, s8  }
0xc: {  	vm0 =	vmmov $0xffff;
	v1 =	vshrl.u32 v2, $0x3;
	s4 =	sadd.s32 $0x4600, s6;
	s6 =	sadd.s32 $0x200, s2;
	s7 =	sadd.s32 s7, s5  }
0xd: {  	v0 =	vand.u32 $0x7, v2;
	v2 =	vor.u32 $0x8, v2;
	v1 =	vmul.u32 $0x8, v1;
	s8 =	smax.u32 s8, $0x1;
	s5 =	sadd.s32 $0x100, s2;
	s7 =	sadd.s32 $0x4800, s7  }
.LBB2_1:
0xe: {  	[tilespmem:s3], [sflag:$0x2] =	stream.linear.gather [hbm4b:s4+s3], $0x20, $0x38;
	[tilespmem:$0x6080] =	vst v63  }
0xf: {  	_ =	swait.ge [sflag:s9], $0x20  }
0x10: {  	[sflag:s9] =	ssyncset.done $0x0  }
0x11: {  	[sflag:s9] =	ssyncadd.s32 $0xFFFFFFE0  }
0x12: {  	v3 =	vld [tilespmem:$0x0];
	_ =	sdelay $0x4  }
0x13: {  	v4 =	vshrl.u32 v3, $0x3  }
0x14: {  	v4 =	vmul.u32 $0x30, v4  }
0x15: {  	v3 =	vand.u32 $0x7, v3  }
0x16: {  	v3 =	vor.u32 v3, v4  }
0x17: {  	v4 =	vperm.xlane v3, v0;
	_ =	sdelay $0x1  }
0x18: {  	v4 =	vadd.s32 v1, v4;
	_ =	sdelay $0x3  }
0x19: {  	v3 =	vperm.xlane v3, v2  }
0x1a: {  	[tilespmem:s10], [sflag:$0x1] =	stream.indirect_vreg.gather [hbm4b:s2+s3], $0x80, v4, vm0, $0xb8;
	[tilespmem:$0x6080] =	vst v63  }
0x1b: {  	v3 =	vadd.s32 v1, v3  }
0x1c: {  	[tilespmem:s11], [sflag:$0x1] =	stream.indirect_vreg.gather [hbm4b:s5+s3], $0x80, v4, vm0, $0xb8;
	[tilespmem:$0x6080] =	vst v63  }
0x1d: {  	_ = 	snop  }
0x1e: {  	[tilespmem:s12], [sflag:$0x1] =	stream.indirect_vreg.gather [hbm4b:s6+s3], $0x80, v4, vm0, $0xb8;
	[tilespmem:$0x6080] =	vst v63  }
0x1f: {  	_ = 	snop  }
0x20: {  	[tilespmem:s13], [sflag:$0x1] =	stream.indirect_vreg.gather [hbm4b:s2+s3], $0x80, v3, vm0, $0xb8;
	[tilespmem:$0x6080] =	vst v63  }
0x21: {  	_ = 	snop  }
0x22: {  	[tilespmem:s14], [sflag:$0x1] =	stream.indirect_vreg.gather [hbm4b:s5+s3], $0x80, v3, vm0, $0xb8;
	[tilespmem:$0x6080] =	vst v63  }
0x23: {  	_ = 	snop  }
0x24: {  	[tilespmem:s15], [sflag:$0x1] =	stream.indirect_vreg.gather [hbm4b:s6+s3], $0x80, v3, vm0, $0xb8;
	[tilespmem:$0x6080] =	vst v63  }
0x25: {  	v3 =	vld [tilespmem:$0x10];
	_ =	sdelay $0x4  }
0x26: {  	v63 =	vshrl.u32 v3, $0x3  }
0x27: {  	v4 =	vmul.u32 $0x30, v63  }
0x28: {  	v3 =	vand.u32 $0x7, v3  }
0x29: {  	v3 =	vor.u32 v3, v4  }
0x2a: {  	v4 =	vperm.xlane v3, v0;
	_ =	sdelay $0x1  }
0x2b: {  	v4 =	vadd.s32 v1, v4;
	_ =	sdelay $0x3  }
0x2c: {  	v3 =	vperm.xlane v3, v2  }
0x2d: {  	[tilespmem:s16], [sflag:$0x1] =	stream.indirect_vreg.gather [hbm4b:s2+s3], $0x80, v4, vm0, $0xb8;
	[tilespmem:$0x6080] =	vst v63  }
0x2e: {  	v3 =	vadd.s32 v1, v3  }
0x2f: {  	[tilespmem:s17], [sflag:$0x1] =	stream.indirect_vreg.gather [hbm4b:s5+s3], $0x80, v4, vm0, $0xb8;
	[tilespmem:$0x6080] =	vst v63  }
0x30: {  	_ = 	snop  }
0x31: {  	[tilespmem:s18], [sflag:$0x1] =	stream.indirect_vreg.gather [hbm4b:s6+s3], $0x80, v4, vm0, $0xb8;
	[tilespmem:$0x6080] =	vst v63  }
0x32: {  	_ = 	snop  }
0x33: {  	[tilespmem:s19], [sflag:$0x1] =	stream.indirect_vreg.gather [hbm4b:s2+s3], $0x80, v3, vm0, $0xb8;
	[tilespmem:$0x6080] =	vst v63  }
0x34: {  	_ = 	snop  }
0x35: {  	[tilespmem:s20], [sflag:$0x1] =	stream.indirect_vreg.gather [hbm4b:s5+s3], $0x80, v3, vm0, $0xb8;
	[tilespmem:$0x6080] =	vst v63  }
0x36: {  	_ = 	snop  }
0x37: {  	[tilespmem:s21], [sflag:$0x1] =	stream.indirect_vreg.gather [hbm4b:s6+s3], $0x80, v3, vm0, $0xb8;
	[tilespmem:$0x6080] =	vst v63  }
0x38: {  	_ =	swait.ge [sflag:s22], $0x6000  }
0x39: {  	p0 =	sne.s32 s8, $0x1;
	[sflag:s22] =	ssyncset.done $0x0  }
.Ltmp0:
0x3a: {  	[sflag:s22] =	ssyncadd.s32 $0xFFFFA000;
	(pc) =	sbr.rel @p0 .LBB2_1-.Ltmp0, $4  }
0x3b: {  	[hbm4b:s7+s3] =	stream.linear.scatter [tilespmem:s10], [sflag:$0x2], $0x6000, $0x38;
	[tilespmem:$0x6080] =	vst v63  }
0x3c: {  	_ =	swait.ge [sflag:s9], $0x6000  }
0x3d: {  	[sflag:s9] =	ssyncset.done $0x0  }
0x3e: {  	s8 =	sadd.s32 $0xFFFFFFFF, s8;
	[sflag:s9] =	ssyncadd.s32 $0xFFFFA000  }
0x3f: {  	_ =	sfence.sel $0x180000  }
0x40: {  	[bflag:$0x0] =	sbarrier.arrive $0xFFFF  }
0x41: {  	p0 =	sne.s32 s0, $0x0;
	_ =	strace $0x90000047  }
0x42: {  	s0 =	sadd.s32 @!p0 $0x100000, s1;
	[bflag:$0x2] =	sbarrier.arrive $0xFFFF  }
0x43: {  	[sflag:s0] =	ssyncadd.tile.s32 @!p0 $0x1;
	_ =	shalt  }
.Lfunc_end2:
_tile_overlayer_lowered:
.L_overlay_start_2:
0x44: {  	(tag) =	ssettag $0x2  }
0x45: {  	s0 =	rddreg [dreg:$0x0];
	s2 =	stileid.u32  }
0x46: {  	s1 =	rddreg [dreg:$0x1];
	p0 =	sne.s32 s2, $0x0  }
0x47: {  	s3 =	rddreg [dreg:$0x2];
	[bflag:$0x3] =	sbarrier.arrive $0xFFFF;
	s2 =	simm.s32 @!p0 $0x1C02  }
0x48: {  	[timem:s3], [sflag:s2] =	dma.local @!p0 [hbm:s0], s1  }
0x49: {  	s0 =	simm.s32 @!p0 $0x2  }
0x4a: {  	_ =	swait.ge @!p0 [sflag:s0], s1  }
0x4b: {  	s1 =	ssub.s32 @!p0 $0x0, s1;
	[sflag:s0] =	ssyncset.done @!p0 $0x0  }
0x4c: {  	[sflag:s0] =	ssyncadd.s32 @!p0 s1  }
0x4d: {  	[bflag:$0x3] =	sbarrier.arrive $0xFFFF  }
0x4e: {  	_ =	shalt  }

</sc_bundles>
